<compile_context>
chip_gen: v7x
topology: tpu7x:2x2x1
jax: 0.10.2.dev20260603
libtpu: 0.0.44.dev20260713+nightly
codegen_flags: <defaults>
</compile_context>

<pallas_src>
import functools

import jax
import jax.numpy as jnp
from jax import lax
from jax.experimental import pallas as pl
from jax.experimental.pallas import tpu as pltpu
from jax.experimental.pallas import tpu_sc as plsc

CHUNK = 125
NWORK = 32



def _enc_body(x_ref, wl_ref, bl_ref, w1_ref, o_ref, *, n_pad):
    h0 = jnp.dot(x_ref[...], wl_ref[...].T, preferred_element_type=jnp.float32)
    h0 = jnp.maximum(h0 + bl_ref[...], 0.0)
    h1 = jnp.dot(h0, w1_ref[...].T, preferred_element_type=jnp.float32)
    pad = jnp.zeros((n_pad - h1.shape[0], h1.shape[1]), jnp.float32)
    o_ref[...] = jnp.concatenate([h1, pad], axis=0)


def _scale_body(h1p_ref, degp_ref, hs_ref, dinv_ref):
    dinv = lax.rsqrt(degp_ref[0] + degp_ref[1] + 1.0)
    hs_ref[...] = h1p_ref[...] * dinv
    dinv_ref[...] = dinv


def _layer1_body(aggp_ref, hsp_ref, dinvp_ref, b1t_ref, w2_ref, o_ref,
                 *, hid):
    dinv = dinvp_ref[...]
    z = (aggp_ref[0] + aggp_ref[1] + hsp_ref[...]) * dinv + b1t_ref[...]
    z = jnp.maximum(z, 0.0)
    w2 = w2_ref[...]
    w2pad = jnp.concatenate(
        [w2, jnp.zeros((w2.shape[1] - w2.shape[0], w2.shape[1]),
                       jnp.float32)], axis=0)
    parts = [
        jnp.dot(z[:, j * hid:(j + 1) * hid], w2pad.T,
                preferred_element_type=jnp.float32)
        for j in range(128 // hid)
    ]
    o_ref[...] = jnp.concatenate(parts, axis=1) * dinv


def _final_body(aggp_ref, hs2p_ref, dinvp_ref, b2t_ref, o_ref):
    o_ref[...] = (aggp_ref[0] + aggp_ref[1] + hs2p_ref[...]) \
        * dinvp_ref[...] + b2t_ref[...]



_SC_PARAMS = pltpu.CompilerParams(use_tc_tiling_on_sc=False,
                                  needs_layout_passes=False)


def _make_deg_kernel(n, cpw):
    mesh = plsc.VectorSubcoreMesh(core_axis_name="c", subcore_axis_name="s")

    @functools.partial(
        pl.kernel,
        out_type=jax.ShapeDtypeStruct((2, n, 32), jnp.float32),
        mesh=mesh,
        compiler_params=_SC_PARAMS,
        scratch_types=[
            pltpu.VMEM((cpw, CHUNK), jnp.int32),
            pltpu.VMEM((CHUNK, 8), jnp.float32),
            pltpu.VMEM((n // 16, 8), jnp.float32),
            pltpu.VMEM((n // 16, 32), jnp.float32),
            pltpu.VMEM_SHARED((n, 8), jnp.float32),
            pltpu.SemaphoreType.DMA,
            pltpu.SemaphoreType.DMA,
            pltpu.SemaphoreType.DMA,
            pltpu.SemaphoreType.DMA,
        ],
    )
    def deg_kernel(ei_hbm, ones_hbm, zeros_hbm, out_hbm, idx_v, ones_v,
                   deg8_v, deg32_v, acc_s, s0, s1, s2, s3):
        c = lax.axis_index("c")
        s = lax.axis_index("s")
        wid = s * 2 + c
        rpt = n // 16
        r0 = s * rpt
        ssems = (s0, s1, s2, s3)
        pltpu.sync_copy(zeros_hbm.at[pl.ds(r0, rpt)], acc_s.at[pl.ds(r0, rpt)])
        pltpu.sync_copy(ones_hbm, ones_v)
        pltpu.sync_copy(ei_hbm.at[1, wid], idx_v)
        plsc.subcore_barrier()

        def body(t, carry):
            for b in range(4):
                j = 4 * t + b

                @pl.when(t > 0)
                def _():
                    pltpu.make_async_copy(
                        ones_v, acc_s.at[idx_v.at[j - 4]], ssems[b]).wait()

                pltpu.async_copy(ones_v, acc_s.at[idx_v.at[j]], ssems[b],
                                 add=True)
            return carry

        lax.fori_loop(0, cpw // 4, body, 0)
        for b in range(4):
            pltpu.make_async_copy(
                ones_v, acc_s.at[idx_v.at[cpw - 4 + b]], ssems[b]).wait()
        plsc.subcore_barrier()
        pltpu.sync_copy(acc_s.at[pl.ds(r0, rpt)], deg8_v)
        zcol = jnp.zeros((16,), jnp.int32)

        def expand(r, carry):
            dv = plsc.load_gather(deg8_v, [jnp.full((16,), r, jnp.int32),
                                           zcol])
            deg32_v[r, pl.ds(0, 16)] = dv
            deg32_v[r, pl.ds(16, 16)] = dv
            return carry

        lax.fori_loop(0, rpt, expand, 0)
        pltpu.sync_copy(deg32_v, out_hbm.at[c, pl.ds(r0, rpt)])

    return deg_kernel


def _make_edge_kernel(n, cpw, d):
    mesh = plsc.VectorSubcoreMesh(core_axis_name="c", subcore_axis_name="s")

    @functools.partial(
        pl.kernel,
        out_type=jax.ShapeDtypeStruct((2, n, d), jnp.float32),
        mesh=mesh,
        compiler_params=_SC_PARAMS,
        scratch_types=(
            [pltpu.VMEM((cpw, CHUNK), jnp.int32),
             pltpu.VMEM((cpw, CHUNK), jnp.int32)]
            + [pltpu.VMEM((CHUNK, d), jnp.float32)] * 8
            + [pltpu.VMEM_SHARED((n, d), jnp.float32)]
            + [pltpu.SemaphoreType.DMA] * 17
        ),
    )
    def edge_kernel(ei_hbm, table_hbm, zeros_hbm, out_hbm,
                    src_v, dst_v, *bufs):
        rows = bufs[0:8]
        acc_s = bufs[8]
        gsems = bufs[9:17]
        ssems = bufs[17:25]
        psem = bufs[25]
        c = lax.axis_index("c")
        s = lax.axis_index("s")
        wid = s * 2 + c
        rpt = n // 16
        rbase = s * rpt
        zslice = zeros_hbm.at[pl.ds(rbase, rpt)]
        aslice = acc_s.at[pl.ds(rbase, rpt)]
        pltpu.async_copy(zslice, aslice, psem)
        pltpu.sync_copy(ei_hbm.at[0, wid], src_v)
        pltpu.sync_copy(ei_hbm.at[1, wid], dst_v)
        for b in range(8):
            pltpu.async_copy(table_hbm.at[src_v.at[b]], rows[b], gsems[b])
        pltpu.make_async_copy(zslice, aslice, psem).wait()
        plsc.subcore_barrier()

        def body(t, carry):
            for b in range(8):
                j = 8 * t + b
                pltpu.make_async_copy(
                    table_hbm.at[src_v.at[j]], rows[b], gsems[b]).wait()
                pltpu.async_copy(rows[b], acc_s.at[dst_v.at[j]], ssems[b],
                                 add=True)
            for b in range(8):
                j = 8 * t + b
                pltpu.make_async_copy(
                    rows[b], acc_s.at[dst_v.at[j]], ssems[b]).wait()

                @pl.when(j + 8 < cpw)
                def _():
                    pltpu.async_copy(
                        table_hbm.at[src_v.at[j + 8]], rows[b], gsems[b])
            return carry

        lax.fori_loop(0, cpw // 8, body, 0)
        plsc.subcore_barrier()
        pltpu.sync_copy(acc_s.at[pl.ds(rbase, rpt)],
                        out_hbm.at[c, pl.ds(rbase, rpt)])

    return edge_kernel



def kernel(x, ei, W_lin, b_lin, W1, b1, W2, b2):
    n, feat = x.shape
    hid = W1.shape[0]
    emb = W2.shape[0]
    e = ei.shape[1]
    cpw = e // (NWORK * CHUNK)
    n_pad = -(-n // 512) * 512
    rh = n_pad * hid // 128

    ei_r = ei.reshape(2, NWORK, cpw, CHUNK)
    ones8 = jnp.ones((CHUNK, 8), jnp.float32)
    zeros8 = jnp.zeros((n_pad, 8), jnp.float32)
    zeros_h = jnp.zeros((n_pad, hid), jnp.float32)

    h1 = pl.pallas_call(
        functools.partial(_enc_body, n_pad=n_pad),
        out_shape=jax.ShapeDtypeStruct((n_pad, hid), jnp.float32),
    )(x, W_lin, b_lin.reshape(1, hid), W1)

    degp = _make_deg_kernel(n_pad, cpw)(ei_r, ones8, zeros8)

    hs1p, dinvp = pl.pallas_call(
        _scale_body,
        out_shape=[
            jax.ShapeDtypeStruct((rh, 128), jnp.float32),
            jax.ShapeDtypeStruct((rh, 128), jnp.float32),
        ],
    )(h1.reshape(rh, 128), degp.reshape(2, rh, 128))

    edge = _make_edge_kernel(n_pad, cpw, hid)
    agg1 = edge(ei_r, hs1p.reshape(n_pad, hid), zeros_h)

    hs2p = pl.pallas_call(
        functools.partial(_layer1_body, hid=hid),
        out_shape=jax.ShapeDtypeStruct((rh, 128), jnp.float32),
    )(agg1.reshape(2, rh, 128), hs1p, dinvp,
      jnp.tile(b1, 128 // hid).reshape(1, 128), W2)

    agg2 = edge(ei_r, hs2p.reshape(n_pad, hid), zeros_h)

    b2t = jnp.tile(jnp.concatenate([b2, jnp.zeros((hid - emb,), jnp.float32)]),
                   128 // hid).reshape(1, 128)
    outp = pl.pallas_call(
        _final_body,
        out_shape=jax.ShapeDtypeStruct((rh, 128), jnp.float32),
    )(agg2.reshape(2, rh, 128), hs2p, dinvp, b2t)

    return outp.reshape(n_pad, hid)[:n, :emb]

# --- scband reference (transcript-rebuilt; emitter-appended) ---
"""Pipeline reference for scband-gae-58153857188526 (READ-ONLY COPY).

The authoritative reference and input builder live on the scoring server;
editing this copy changes nothing except your own understanding.
"""

import jax, jax.numpy as jnp
import numpy as np

N = 10000
E = 320000
FEAT = 128
HID = 32
EMB = 16


def setup_inputs(seed: int = 0) -> dict:
    key = jax.random.key(seed)
    ks = jax.random.split(key, 9)
    x = jax.random.normal(ks[0], (N, FEAT), dtype=jnp.float32)
    ei = jax.random.randint(ks[1], (2, E), 0, N, dtype=jnp.int32)
    # learned params (torch Linear convention: W[out, in])
    W_lin = jax.random.normal(ks[2], (HID, FEAT), dtype=jnp.float32) * (1.0 / np.sqrt(FEAT))
    b_lin = jnp.zeros((HID,), dtype=jnp.float32)
    W1 = jax.random.normal(ks[3], (HID, HID), dtype=jnp.float32) * (1.0 / np.sqrt(HID))
    b1 = jnp.zeros((HID,), dtype=jnp.float32)
    W2 = jax.random.normal(ks[4], (EMB, HID), dtype=jnp.float32) * (1.0 / np.sqrt(HID))
    b2 = jnp.zeros((EMB,), dtype=jnp.float32)
    return {"x": x, "ei": ei, "W_lin": W_lin, "b_lin": b_lin, "W1": W1, "b1": b1, "W2": W2, "b2": b2}


def _gcn_conv(x, ei, W, b, num_nodes):
    # GCNConv with add_self_loops=True, symmetric normalization, edge_weight=None
    src, dst = ei[0], ei[1]
    loop = jnp.arange(num_nodes, dtype=src.dtype)
    src2 = jnp.concatenate([src, loop])
    dst2 = jnp.concatenate([dst, loop])
    ew = jnp.ones((src2.shape[0],), dtype=x.dtype)
    deg = jax.ops.segment_sum(ew, dst2, num_segments=num_nodes)
    dinv = jnp.where(deg > 0, 1.0 / jnp.sqrt(deg), 0.0)
    norm = dinv[src2] * ew * dinv[dst2]
    h = x @ W.T
    msg = h[src2] * norm[:, None]
    out = jax.ops.segment_sum(msg, dst2, num_segments=num_nodes)
    return out + b


def reference(x, ei, W_lin, b_lin, W1, b1, W2, b2):
    h = jax.nn.relu(x @ W_lin.T + b_lin)
    h = _gcn_conv(h, ei, W1, b1, N)
    h = jax.nn.relu(h)
    h = _gcn_conv(h, ei, W2, b2, N)
    return h

if __name__ == "__main__":
    import jax
    _d = setup_inputs()
    print(jax.jit(kernel)(*tuple(_d.values())))

</pallas_src>

<mosaic_0001>
#map = affine_map<(d0, d1) -> (0, 0, 0, 0)>
#map1 = affine_map<(d0, d1) -> (0, 0)>
#map2 = affine_map<(d0, d1) -> (0, 0, 0)>
module attributes {stable_mosaic.version = 14 : i64} {
  func.func @edge_kernel(%arg0: i32, %arg1: i32, %arg2: memref<2x32x80x125xi32, #tpu.memory_space<hbm>>, %arg3: memref<10240x32xf32, #tpu.memory_space<hbm>>, %arg4: memref<10240x32xf32, #tpu.memory_space<hbm>>, %arg5: memref<2x10240x32xf32, #tpu.memory_space<hbm>>, %arg6: memref<80x125xi32, #tpu.memory_space<vmem>>, %arg7: memref<80x125xi32, #tpu.memory_space<vmem>>, %arg8: memref<125x32xf32, #tpu.memory_space<vmem>>, %arg9: memref<125x32xf32, #tpu.memory_space<vmem>>, %arg10: memref<125x32xf32, #tpu.memory_space<vmem>>, %arg11: memref<125x32xf32, #tpu.memory_space<vmem>>, %arg12: memref<125x32xf32, #tpu.memory_space<vmem>>, %arg13: memref<125x32xf32, #tpu.memory_space<vmem>>, %arg14: memref<125x32xf32, #tpu.memory_space<vmem>>, %arg15: memref<125x32xf32, #tpu.memory_space<vmem>>, %arg16: memref<10240x32xf32, #tpu.memory_space<vmem_shared>>, %arg17: memref<!tpu.dma_semaphore, #tpu.memory_space<semaphore_mem>>, %arg18: memref<!tpu.dma_semaphore, #tpu.memory_space<semaphore_mem>>, %arg19: memref<!tpu.dma_semaphore, #tpu.memory_space<semaphore_mem>>, %arg20: memref<!tpu.dma_semaphore, #tpu.memory_space<semaphore_mem>>, %arg21: memref<!tpu.dma_semaphore, #tpu.memory_space<semaphore_mem>>, %arg22: memref<!tpu.dma_semaphore, #tpu.memory_space<semaphore_mem>>, %arg23: memref<!tpu.dma_semaphore, #tpu.memory_space<semaphore_mem>>, %arg24: memref<!tpu.dma_semaphore, #tpu.memory_space<semaphore_mem>>, %arg25: memref<!tpu.dma_semaphore, #tpu.memory_space<semaphore_mem>>, %arg26: memref<!tpu.dma_semaphore, #tpu.memory_space<semaphore_mem>>, %arg27: memref<!tpu.dma_semaphore, #tpu.memory_space<semaphore_mem>>, %arg28: memref<!tpu.dma_semaphore, #tpu.memory_space<semaphore_mem>>, %arg29: memref<!tpu.dma_semaphore, #tpu.memory_space<semaphore_mem>>, %arg30: memref<!tpu.dma_semaphore, #tpu.memory_space<semaphore_mem>>, %arg31: memref<!tpu.dma_semaphore, #tpu.memory_space<semaphore_mem>>, %arg32: memref<!tpu.dma_semaphore, #tpu.memory_space<semaphore_mem>>, %arg33: memref<!tpu.dma_semaphore, #tpu.memory_space<semaphore_mem>>) attributes {dimension_semantics = [#tpu.dimension_semantics<core_parallel>, #tpu.dimension_semantics<subcore_parallel>], iteration_bounds = array<i64: 2, 16>, scalar_prefetch = 0 : i64, scratch_operands = 28 : i64, tpu.core_type = #tpu.core_type<sc_vector_subcore>, window_params = [{transform_indices = #map}, {transform_indices = #map1}, {transform_indices = #map1}, {transform_indices = #map2}]} {
    %mul3A = arith.constant 2 : i32
    %mul3A_0 = arith.muli %arg1, %mul3A : i32
    %add3A = arith.addi %mul3A_0, %arg0 : i32
    %mul3A_1 = arith.constant 640 : i32
    %mul3A_2 = arith.muli %arg1, %mul3A_1 : i32
    %dma_start3A = arith.constant 0 : i32
    %dma_start3A_3 = tpu.memref_slice %arg16[%mul3A_2, %dma_start3A] : memref<10240x32xf32, #tpu.memory_space<vmem_shared>> -> memref<640x32xf32, #tpu.memory_space<vmem_shared>>
    %dma_start3A_4 = arith.constant 0 : i32
    %dma_start3A_5 = tpu.memref_slice %arg4[%mul3A_2, %dma_start3A_4] : memref<10240x32xf32, #tpu.memory_space<hbm>> -> memref<640x32xf32, #tpu.memory_space<hbm>>
    tpu.enqueue_dma source(%dma_start3A_5 : memref<640x32xf32, #tpu.memory_space<hbm>>) target(%dma_start3A_3 : memref<640x32xf32, #tpu.memory_space<vmem_shared>>) target_semaphore(%arg33 : memref<!tpu.dma_semaphore, #tpu.memory_space<semaphore_mem>>)
    %run_scoped3A = arith.constant 0 : i32
    "tpu.region"() ({
      %run_scoped3A_72 = tpu.sem_alloc : memref<!tpu.dma_semaphore, #tpu.memory_space<semaphore_mem>>
      %dma_start3A_73 = arith.constant 0 : i32
      %dma_start3A_74 = arith.constant 0 : i32
      %dma_start3A_75 = tpu.memref_slice %arg2[%run_scoped3A, %add3A, %dma_start3A_73, %dma_start3A_74] : memref<2x32x80x125xi32, #tpu.memory_space<hbm>> -> memref<1x1x80x125xi32, #tpu.memory_space<hbm>>
      %dma_start3A_76 = tpu.memref_squeeze %dma_start3A_75 : memref<1x1x80x125xi32, #tpu.memory_space<hbm>> -> memref<80x125xi32, #tpu.memory_space<hbm>>
      %dma_start3A_77 = arith.constant 0 : i32
      %dma_start3A_78 = arith.constant 0 : i32
      %dma_start3A_79 = tpu.memref_slice %arg2[%run_scoped3A, %add3A, %dma_start3A_77, %dma_start3A_78] : memref<2x32x80x125xi32, #tpu.memory_space<hbm>> -> memref<1x1x80x125xi32, #tpu.memory_space<hbm>>
      %dma_start3A_80 = tpu.memref_squeeze %dma_start3A_79 : memref<1x1x80x125xi32, #tpu.memory_space<hbm>> -> memref<80x125xi32, #tpu.memory_space<hbm>>
      tpu.enqueue_dma source(%dma_start3A_80 : memref<80x125xi32, #tpu.memory_space<hbm>>) target(%arg6 : memref<80x125xi32, #tpu.memory_space<vmem>>) target_semaphore(%run_scoped3A_72 : memref<!tpu.dma_semaphore, #tpu.memory_space<semaphore_mem>>)
      %dma_wait3A_81 = arith.constant 0 : i32
      %dma_wait3A_82 = arith.constant 0 : i32
      %dma_wait3A_83 = tpu.memref_slice %arg2[%run_scoped3A, %add3A, %dma_wait3A_81, %dma_wait3A_82] : memref<2x32x80x125xi32, #tpu.memory_space<hbm>> -> memref<1x1x80x125xi32, #tpu.memory_space<hbm>>
      %dma_wait3A_84 = tpu.memref_squeeze %dma_wait3A_83 : memref<1x1x80x125xi32, #tpu.memory_space<hbm>> -> memref<80x125xi32, #tpu.memory_space<hbm>>
      %dma_wait3A_85 = arith.constant 0 : i32
      %dma_wait3A_86 = arith.constant 0 : i32
      %dma_wait3A_87 = tpu.memref_slice %arg2[%run_scoped3A, %add3A, %dma_wait3A_85, %dma_wait3A_86] : memref<2x32x80x125xi32, #tpu.memory_space<hbm>> -> memref<1x1x80x125xi32, #tpu.memory_space<hbm>>
      %dma_wait3A_88 = tpu.memref_squeeze %dma_wait3A_87 : memref<1x1x80x125xi32, #tpu.memory_space<hbm>> -> memref<80x125xi32, #tpu.memory_space<hbm>>
      tpu.wait_dma2 semaphore(%run_scoped3A_72 : memref<!tpu.dma_semaphore, #tpu.memory_space<semaphore_mem>>) src(%dma_wait3A_88 : memref<80x125xi32, #tpu.memory_space<hbm>>) dst(%arg6 : memref<80x125xi32, #tpu.memory_space<vmem>>)
      tpu.yield
    }) : () -> ()
    %run_scoped3A_6 = arith.constant 1 : i32
    "tpu.region"() ({
      %run_scoped3A_72 = tpu.sem_alloc : memref<!tpu.dma_semaphore, #tpu.memory_space<semaphore_mem>>
      %dma_start3A_73 = arith.constant 0 : i32
      %dma_start3A_74 = arith.constant 0 : i32
      %dma_start3A_75 = tpu.memref_slice %arg2[%run_scoped3A_6, %add3A, %dma_start3A_73, %dma_start3A_74] : memref<2x32x80x125xi32, #tpu.memory_space<hbm>> -> memref<1x1x80x125xi32, #tpu.memory_space<hbm>>
      %dma_start3A_76 = tpu.memref_squeeze %dma_start3A_75 : memref<1x1x80x125xi32, #tpu.memory_space<hbm>> -> memref<80x125xi32, #tpu.memory_space<hbm>>
      %dma_start3A_77 = arith.constant 0 : i32
      %dma_start3A_78 = arith.constant 0 : i32
      %dma_start3A_79 = tpu.memref_slice %arg2[%run_scoped3A_6, %add3A, %dma_start3A_77, %dma_start3A_78] : memref<2x32x80x125xi32, #tpu.memory_space<hbm>> -> memref<1x1x80x125xi32, #tpu.memory_space<hbm>>
      %dma_start3A_80 = tpu.memref_squeeze %dma_start3A_79 : memref<1x1x80x125xi32, #tpu.memory_space<hbm>> -> memref<80x125xi32, #tpu.memory_space<hbm>>
      tpu.enqueue_dma source(%dma_start3A_80 : memref<80x125xi32, #tpu.memory_space<hbm>>) target(%arg7 : memref<80x125xi32, #tpu.memory_space<vmem>>) target_semaphore(%run_scoped3A_72 : memref<!tpu.dma_semaphore, #tpu.memory_space<semaphore_mem>>)
      %dma_wait3A_81 = arith.constant 0 : i32
      %dma_wait3A_82 = arith.constant 0 : i32
      %dma_wait3A_83 = tpu.memref_slice %arg2[%run_scoped3A_6, %add3A, %dma_wait3A_81, %dma_wait3A_82] : memref<2x32x80x125xi32, #tpu.memory_space<hbm>> -> memref<1x1x80x125xi32, #tpu.memory_space<hbm>>
      %dma_wait3A_84 = tpu.memref_squeeze %dma_wait3A_83 : memref<1x1x80x125xi32, #tpu.memory_space<hbm>> -> memref<80x125xi32, #tpu.memory_space<hbm>>
      %dma_wait3A_85 = arith.constant 0 : i32
      %dma_wait3A_86 = arith.constant 0 : i32
      %dma_wait3A_87 = tpu.memref_slice %arg2[%run_scoped3A_6, %add3A, %dma_wait3A_85, %dma_wait3A_86] : memref<2x32x80x125xi32, #tpu.memory_space<hbm>> -> memref<1x1x80x125xi32, #tpu.memory_space<hbm>>
      %dma_wait3A_88 = tpu.memref_squeeze %dma_wait3A_87 : memref<1x1x80x125xi32, #tpu.memory_space<hbm>> -> memref<80x125xi32, #tpu.memory_space<hbm>>
      tpu.wait_dma2 semaphore(%run_scoped3A_72 : memref<!tpu.dma_semaphore, #tpu.memory_space<semaphore_mem>>) src(%dma_wait3A_88 : memref<80x125xi32, #tpu.memory_space<hbm>>) dst(%arg7 : memref<80x125xi32, #tpu.memory_space<vmem>>)
      tpu.yield
    }) : () -> ()
    %dma_start3A_7 = arith.constant 0 : i32
    %dma_start3A_8 = arith.constant 0 : i32
    %dma_start3A_9 = tpu.memref_slice %arg6[%dma_start3A_7, %dma_start3A_8] : memref<80x125xi32, #tpu.memory_space<vmem>> -> memref<1x125xi32, #tpu.memory_space<vmem>>
    %dma_start3A_10 = tpu.memref_squeeze %dma_start3A_9 : memref<1x125xi32, #tpu.memory_space<vmem>> -> memref<125xi32, #tpu.memory_space<vmem>>
    %dma_start3A_11 = arith.constant 0 : i32
    %dma_start3A_12 = arith.constant 0 : i32
    %dma_start3A_13 = tpu.memref_slice %arg3[%dma_start3A_11, %dma_start3A_12] : memref<10240x32xf32, #tpu.memory_space<hbm>> -> memref<10240x32xf32, #tpu.memory_space<hbm>>
    tpu.enqueue_indirect_dma source(%dma_start3A_13 : memref<10240x32xf32, #tpu.memory_space<hbm>>) target(%arg8 : memref<125x32xf32, #tpu.memory_space<vmem>>) offsets(%dma_start3A_10 : memref<125xi32, #tpu.memory_space<vmem>>) semaphore(%arg17 : memref<!tpu.dma_semaphore, #tpu.memory_space<semaphore_mem>>)
    %dma_start3A_14 = arith.constant 1 : i32
    %dma_start3A_15 = arith.constant 0 : i32
    %dma_start3A_16 = tpu.memref_slice %arg6[%dma_start3A_14, %dma_start3A_15] : memref<80x125xi32, #tpu.memory_space<vmem>> -> memref<1x125xi32, #tpu.memory_space<vmem>>
    %dma_start3A_17 = tpu.memref_squeeze %dma_start3A_16 : memref<1x125xi32, #tpu.memory_space<vmem>> -> memref<125xi32, #tpu.memory_space<vmem>>
    %dma_start3A_18 = arith.constant 0 : i32
    %dma_start3A_19 = arith.constant 0 : i32
    %dma_start3A_20 = tpu.memref_slice %arg3[%dma_start3A_18, %dma_start3A_19] : memref<10240x32xf32, #tpu.memory_space<hbm>> -> memref<10240x32xf32, #tpu.memory_space<hbm>>
    tpu.enqueue_indirect_dma source(%dma_start3A_20 : memref<10240x32xf32, #tpu.memory_space<hbm>>) target(%arg9 : memref<125x32xf32, #tpu.memory_space<vmem>>) offsets(%dma_start3A_17 : memref<125xi32, #tpu.memory_space<vmem>>) semaphore(%arg18 : memref<!tpu.dma_semaphore, #tpu.memory_space<semaphore_mem>>)
    %dma_start3A_21 = arith.constant 2 : i32
    %dma_start3A_22 = arith.constant 0 : i32
    %dma_start3A_23 = tpu.memref_slice %arg6[%dma_start3A_21, %dma_start3A_22] : memref<80x125xi32, #tpu.memory_space<vmem>> -> memref<1x125xi32, #tpu.memory_space<vmem>>
    %dma_start3A_24 = tpu.memref_squeeze %dma_start3A_23 : memref<1x125xi32, #tpu.memory_space<vmem>> -> memref<125xi32, #tpu.memory_space<vmem>>
    %dma_start3A_25 = arith.constant 0 : i32
    %dma_start3A_26 = arith.constant 0 : i32
    %dma_start3A_27 = tpu.memref_slice %arg3[%dma_start3A_25, %dma_start3A_26] : memref<10240x32xf32, #tpu.memory_space<hbm>> -> memref<10240x32xf32, #tpu.memory_space<hbm>>
    tpu.enqueue_indirect_dma source(%dma_start3A_27 : memref<10240x32xf32, #tpu.memory_space<hbm>>) target(%arg10 : memref<125x32xf32, #tpu.memory_space<vmem>>) offsets(%dma_start3A_24 : memref<125xi32, #tpu.memory_space<vmem>>) semaphore(%arg19 : memref<!tpu.dma_semaphore, #tpu.memory_space<semaphore_mem>>)
    %dma_start3A_28 = arith.constant 3 : i32
    %dma_start3A_29 = arith.constant 0 : i32
    %dma_start3A_30 = tpu.memref_slice %arg6[%dma_start3A_28, %dma_start3A_29] : memref<80x125xi32, #tpu.memory_space<vmem>> -> memref<1x125xi32, #tpu.memory_space<vmem>>
    %dma_start3A_31 = tpu.memref_squeeze %dma_start3A_30 : memref<1x125xi32, #tpu.memory_space<vmem>> -> memref<125xi32, #tpu.memory_space<vmem>>
    %dma_start3A_32 = arith.constant 0 : i32
    %dma_start3A_33 = arith.constant 0 : i32
    %dma_start3A_34 = tpu.memref_slice %arg3[%dma_start3A_32, %dma_start3A_33] : memref<10240x32xf32, #tpu.memory_space<hbm>> -> memref<10240x32xf32, #tpu.memory_space<hbm>>
    tpu.enqueue_indirect_dma source(%dma_start3A_34 : memref<10240x32xf32, #tpu.memory_space<hbm>>) target(%arg11 : memref<125x32xf32, #tpu.memory_space<vmem>>) offsets(%dma_start3A_31 : memref<125xi32, #tpu.memory_space<vmem>>) semaphore(%arg20 : memref<!tpu.dma_semaphore, #tpu.memory_space<semaphore_mem>>)
    %dma_start3A_35 = arith.constant 4 : i32
    %dma_start3A_36 = arith.constant 0 : i32
    %dma_start3A_37 = tpu.memref_slice %arg6[%dma_start3A_35, %dma_start3A_36] : memref<80x125xi32, #tpu.memory_space<vmem>> -> memref<1x125xi32, #tpu.memory_space<vmem>>
    %dma_start3A_38 = tpu.memref_squeeze %dma_start3A_37 : memref<1x125xi32, #tpu.memory_space<vmem>> -> memref<125xi32, #tpu.memory_space<vmem>>
    %dma_start3A_39 = arith.constant 0 : i32
    %dma_start3A_40 = arith.constant 0 : i32
    %dma_start3A_41 = tpu.memref_slice %arg3[%dma_start3A_39, %dma_start3A_40] : memref<10240x32xf32, #tpu.memory_space<hbm>> -> memref<10240x32xf32, #tpu.memory_space<hbm>>
    tpu.enqueue_indirect_dma source(%dma_start3A_41 : memref<10240x32xf32, #tpu.memory_space<hbm>>) target(%arg12 : memref<125x32xf32, #tpu.memory_space<vmem>>) offsets(%dma_start3A_38 : memref<125xi32, #tpu.memory_space<vmem>>) semaphore(%arg21 : memref<!tpu.dma_semaphore, #tpu.memory_space<semaphore_mem>>)
    %dma_start3A_42 = arith.constant 5 : i32
    %dma_start3A_43 = arith.constant 0 : i32
    %dma_start3A_44 = tpu.memref_slice %arg6[%dma_start3A_42, %dma_start3A_43] : memref<80x125xi32, #tpu.memory_space<vmem>> -> memref<1x125xi32, #tpu.memory_space<vmem>>
    %dma_start3A_45 = tpu.memref_squeeze %dma_start3A_44 : memref<1x125xi32, #tpu.memory_space<vmem>> -> memref<125xi32, #tpu.memory_space<vmem>>
    %dma_start3A_46 = arith.constant 0 : i32
    %dma_start3A_47 = arith.constant 0 : i32
    %dma_start3A_48 = tpu.memref_slice %arg3[%dma_start3A_46, %dma_start3A_47] : memref<10240x32xf32, #tpu.memory_space<hbm>> -> memref<10240x32xf32, #tpu.memory_space<hbm>>
    tpu.enqueue_indirect_dma source(%dma_start3A_48 : memref<10240x32xf32, #tpu.memory_space<hbm>>) target(%arg13 : memref<125x32xf32, #tpu.memory_space<vmem>>) offsets(%dma_start3A_45 : memref<125xi32, #tpu.memory_space<vmem>>) semaphore(%arg22 : memref<!tpu.dma_semaphore, #tpu.memory_space<semaphore_mem>>)
    %dma_start3A_49 = arith.constant 6 : i32
    %dma_start3A_50 = arith.constant 0 : i32
    %dma_start3A_51 = tpu.memref_slice %arg6[%dma_start3A_49, %dma_start3A_50] : memref<80x125xi32, #tpu.memory_space<vmem>> -> memref<1x125xi32, #tpu.memory_space<vmem>>
    %dma_start3A_52 = tpu.memref_squeeze %dma_start3A_51 : memref<1x125xi32, #tpu.memory_space<vmem>> -> memref<125xi32, #tpu.memory_space<vmem>>
    %dma_start3A_53 = arith.constant 0 : i32
    %dma_start3A_54 = arith.constant 0 : i32
    %dma_start3A_55 = tpu.memref_slice %arg3[%dma_start3A_53, %dma_start3A_54] : memref<10240x32xf32, #tpu.memory_space<hbm>> -> memref<10240x32xf32, #tpu.memory_space<hbm>>
    tpu.enqueue_indirect_dma source(%dma_start3A_55 : memref<10240x32xf32, #tpu.memory_space<hbm>>) target(%arg14 : memref<125x32xf32, #tpu.memory_space<vmem>>) offsets(%dma_start3A_52 : memref<125xi32, #tpu.memory_space<vmem>>) semaphore(%arg23 : memref<!tpu.dma_semaphore, #tpu.memory_space<semaphore_mem>>)
    %dma_start3A_56 = arith.constant 7 : i32
    %dma_start3A_57 = arith.constant 0 : i32
    %dma_start3A_58 = tpu.memref_slice %arg6[%dma_start3A_56, %dma_start3A_57] : memref<80x125xi32, #tpu.memory_space<vmem>> -> memref<1x125xi32, #tpu.memory_space<vmem>>
    %dma_start3A_59 = tpu.memref_squeeze %dma_start3A_58 : memref<1x125xi32, #tpu.memory_space<vmem>> -> memref<125xi32, #tpu.memory_space<vmem>>
    %dma_start3A_60 = arith.constant 0 : i32
    %dma_start3A_61 = arith.constant 0 : i32
    %dma_start3A_62 = tpu.memref_slice %arg3[%dma_start3A_60, %dma_start3A_61] : memref<10240x32xf32, #tpu.memory_space<hbm>> -> memref<10240x32xf32, #tpu.memory_space<hbm>>
    tpu.enqueue_indirect_dma source(%dma_start3A_62 : memref<10240x32xf32, #tpu.memory_space<hbm>>) target(%arg15 : memref<125x32xf32, #tpu.memory_space<vmem>>) offsets(%dma_start3A_59 : memref<125xi32, #tpu.memory_space<vmem>>) semaphore(%arg24 : memref<!tpu.dma_semaphore, #tpu.memory_space<semaphore_mem>>)
    %dma_wait3A = arith.constant 0 : i32
    %dma_wait3A_63 = tpu.memref_slice %arg16[%mul3A_2, %dma_wait3A] : memref<10240x32xf32, #tpu.memory_space<vmem_shared>> -> memref<640x32xf32, #tpu.memory_space<vmem_shared>>
    %dma_wait3A_64 = arith.constant 0 : i32
    %dma_wait3A_65 = tpu.memref_slice %arg4[%mul3A_2, %dma_wait3A_64] : memref<10240x32xf32, #tpu.memory_space<hbm>> -> memref<640x32xf32, #tpu.memory_space<hbm>>
    tpu.wait_dma2 semaphore(%arg33 : memref<!tpu.dma_semaphore, #tpu.memory_space<semaphore_mem>>) src(%dma_wait3A_65 : memref<640x32xf32, #tpu.memory_space<hbm>>) dst(%dma_wait3A_63 : memref<640x32xf32, #tpu.memory_space<vmem_shared>>)
    %barrier3A = arith.constant 0 : index
    tpu.barrier barrier_id(%barrier3A)
    %scan3A = arith.constant 0 : i32
    %scan3A_66 = arith.constant 0 : i32
    %scan3A_67 = arith.constant 10 : i32
    %scan3A_68 = arith.addi %scan3A_66, %scan3A_67 : i32
    %scan3A_69 = arith.constant 1 : i32
    scf.for %scan3A_72 = %scan3A_66 to %scan3A_68 step %scan3A_69  : i32 {
      %mul3A_73 = arith.constant 8 : i32
      %mul3A_74 = arith.muli %mul3A_73, %scan3A_72 : i32
      %add3A_75 = arith.constant 0 : i32
      %add3A_76 = arith.addi %mul3A_74, %add3A_75 : i32
      %dma_wait3A_77 = arith.constant 0 : i32
      %dma_wait3A_78 = tpu.memref_slice %arg6[%add3A_76, %dma_wait3A_77] : memref<80x125xi32, #tpu.memory_space<vmem>> -> memref<1x125xi32, #tpu.memory_space<vmem>>
      %dma_wait3A_79 = tpu.memref_squeeze %dma_wait3A_78 : memref<1x125xi32, #tpu.memory_space<vmem>> -> memref<125xi32, #tpu.memory_space<vmem>>
      %dma_wait3A_80 = arith.constant 0 : i32
      %dma_wait3A_81 = arith.constant 0 : i32
      %dma_wait3A_82 = tpu.memref_slice %arg3[%dma_wait3A_80, %dma_wait3A_81] : memref<10240x32xf32, #tpu.memory_space<hbm>> -> memref<10240x32xf32, #tpu.memory_space<hbm>>
      tpu.wait_indirect_dma semaphore(%arg17 : memref<!tpu.dma_semaphore, #tpu.memory_space<semaphore_mem>>) src(%dma_wait3A_82 : memref<10240x32xf32, #tpu.memory_space<hbm>>) dst(%arg8 : memref<125x32xf32, #tpu.memory_space<vmem>>)
      %dma_start3A_83 = arith.constant 0 : i32
      %dma_start3A_84 = tpu.memref_slice %arg7[%add3A_76, %dma_start3A_83] : memref<80x125xi32, #tpu.memory_space<vmem>> -> memref<1x125xi32, #tpu.memory_space<vmem>>
      %dma_start3A_85 = tpu.memref_squeeze %dma_start3A_84 : memref<1x125xi32, #tpu.memory_space<vmem>> -> memref<125xi32, #tpu.memory_space<vmem>>
      %dma_start3A_86 = arith.constant 0 : i32
      %dma_start3A_87 = arith.constant 0 : i32
      %dma_start3A_88 = tpu.memref_slice %arg16[%dma_start3A_86, %dma_start3A_87] : memref<10240x32xf32, #tpu.memory_space<vmem_shared>> -> memref<10240x32xf32, #tpu.memory_space<vmem_shared>>
      tpu.enqueue_indirect_dma source(%arg8 : memref<125x32xf32, #tpu.memory_space<vmem>>) target(%dma_start3A_88 : memref<10240x32xf32, #tpu.memory_space<vmem_shared>>) offsets(%dma_start3A_85 : memref<125xi32, #tpu.memory_space<vmem>>) semaphore(%arg25 : memref<!tpu.dma_semaphore, #tpu.memory_space<semaphore_mem>>) {add = true}
      %mul3A_89 = arith.constant 8 : i32
      %mul3A_90 = arith.muli %mul3A_89, %scan3A_72 : i32
      %add3A_91 = arith.constant 1 : i32
      %add3A_92 = arith.addi %mul3A_90, %add3A_91 : i32
      %dma_wait3A_93 = arith.constant 0 : i32
      %dma_wait3A_94 = tpu.memref_slice %arg6[%add3A_92, %dma_wait3A_93] : memref<80x125xi32, #tpu.memory_space<vmem>> -> memref<1x125xi32, #tpu.memory_space<vmem>>
      %dma_wait3A_95 = tpu.memref_squeeze %dma_wait3A_94 : memref<1x125xi32, #tpu.memory_space<vmem>> -> memref<125xi32, #tpu.memory_space<vmem>>
      %dma_wait3A_96 = arith.constant 0 : i32
      %dma_wait3A_97 = arith.constant 0 : i32
      %dma_wait3A_98 = tpu.memref_slice %arg3[%dma_wait3A_96, %dma_wait3A_97] : memref<10240x32xf32, #tpu.memory_space<hbm>> -> memref<10240x32xf32, #tpu.memory_space<hbm>>
      tpu.wait_indirect_dma semaphore(%arg18 : memref<!tpu.dma_semaphore, #tpu.memory_space<semaphore_mem>>) src(%dma_wait3A_98 : memref<10240x32xf32, #tpu.memory_space<hbm>>) dst(%arg9 : memref<125x32xf32, #tpu.memory_space<vmem>>)
      %dma_start3A_99 = arith.constant 0 : i32
      %dma_start3A_100 = tpu.memref_slice %arg7[%add3A_92, %dma_start3A_99] : memref<80x125xi32, #tpu.memory_space<vmem>> -> memref<1x125xi32, #tpu.memory_space<vmem>>
      %dma_start3A_101 = tpu.memref_squeeze %dma_start3A_100 : memref<1x125xi32, #tpu.memory_space<vmem>> -> memref<125xi32, #tpu.memory_space<vmem>>
      %dma_start3A_102 = arith.constant 0 : i32
      %dma_start3A_103 = arith.constant 0 : i32
      %dma_start3A_104 = tpu.memref_slice %arg16[%dma_start3A_102, %dma_start3A_103] : memref<10240x32xf32, #tpu.memory_space<vmem_shared>> -> memref<10240x32xf32, #tpu.memory_space<vmem_shared>>
      tpu.enqueue_indirect_dma source(%arg9 : memref<125x32xf32, #tpu.memory_space<vmem>>) target(%dma_start3A_104 : memref<10240x32xf32, #tpu.memory_space<vmem_shared>>) offsets(%dma_start3A_101 : memref<125xi32, #tpu.memory_space<vmem>>) semaphore(%arg26 : memref<!tpu.dma_semaphore, #tpu.memory_space<semaphore_mem>>) {add = true}
      %mul3A_105 = arith.constant 8 : i32
      %mul3A_106 = arith.muli %mul3A_105, %scan3A_72 : i32
      %add3A_107 = arith.constant 2 : i32
      %add3A_108 = arith.addi %mul3A_106, %add3A_107 : i32
      %dma_wait3A_109 = arith.constant 0 : i32
      %dma_wait3A_110 = tpu.memref_slice %arg6[%add3A_108, %dma_wait3A_109] : memref<80x125xi32, #tpu.memory_space<vmem>> -> memref<1x125xi32, #tpu.memory_space<vmem>>
      %dma_wait3A_111 = tpu.memref_squeeze %dma_wait3A_110 : memref<1x125xi32, #tpu.memory_space<vmem>> -> memref<125xi32, #tpu.memory_space<vmem>>
      %dma_wait3A_112 = arith.constant 0 : i32
      %dma_wait3A_113 = arith.constant 0 : i32
      %dma_wait3A_114 = tpu.memref_slice %arg3[%dma_wait3A_112, %dma_wait3A_113] : memref<10240x32xf32, #tpu.memory_space<hbm>> -> memref<10240x32xf32, #tpu.memory_space<hbm>>
      tpu.wait_indirect_dma semaphore(%arg19 : memref<!tpu.dma_semaphore, #tpu.memory_space<semaphore_mem>>) src(%dma_wait3A_114 : memref<10240x32xf32, #tpu.memory_space<hbm>>) dst(%arg10 : memref<125x32xf32, #tpu.memory_space<vmem>>)
      %dma_start3A_115 = arith.constant 0 : i32
      %dma_start3A_116 = tpu.memref_slice %arg7[%add3A_108, %dma_start3A_115] : memref<80x125xi32, #tpu.memory_space<vmem>> -> memref<1x125xi32, #tpu.memory_space<vmem>>
      %dma_start3A_117 = tpu.memref_squeeze %dma_start3A_116 : memref<1x125xi32, #tpu.memory_space<vmem>> -> memref<125xi32, #tpu.memory_space<vmem>>
      %dma_start3A_118 = arith.constant 0 : i32
      %dma_start3A_119 = arith.constant 0 : i32
      %dma_start3A_120 = tpu.memref_slice %arg16[%dma_start3A_118, %dma_start3A_119] : memref<10240x32xf32, #tpu.memory_space<vmem_shared>> -> memref<10240x32xf32, #tpu.memory_space<vmem_shared>>
      tpu.enqueue_indirect_dma source(%arg10 : memref<125x32xf32, #tpu.memory_space<vmem>>) target(%dma_start3A_120 : memref<10240x32xf32, #tpu.memory_space<vmem_shared>>) offsets(%dma_start3A_117 : memref<125xi32, #tpu.memory_space<vmem>>) semaphore(%arg27 : memref<!tpu.dma_semaphore, #tpu.memory_space<semaphore_mem>>) {add = true}
      %mul3A_121 = arith.constant 8 : i32
      %mul3A_122 = arith.muli %mul3A_121, %scan3A_72 : i32
      %add3A_123 = arith.constant 3 : i32
      %add3A_124 = arith.addi %mul3A_122, %add3A_123 : i32
      %dma_wait3A_125 = arith.constant 0 : i32
      %dma_wait3A_126 = tpu.memref_slice %arg6[%add3A_124, %dma_wait3A_125] : memref<80x125xi32, #tpu.memory_space<vmem>> -> memref<1x125xi32, #tpu.memory_space<vmem>>
      %dma_wait3A_127 = tpu.memref_squeeze %dma_wait3A_126 : memref<1x125xi32, #tpu.memory_space<vmem>> -> memref<125xi32, #tpu.memory_space<vmem>>
      %dma_wait3A_128 = arith.constant 0 : i32
      %dma_wait3A_129 = arith.constant 0 : i32
      %dma_wait3A_130 = tpu.memref_slice %arg3[%dma_wait3A_128, %dma_wait3A_129] : memref<10240x32xf32, #tpu.memory_space<hbm>> -> memref<10240x32xf32, #tpu.memory_space<hbm>>
      tpu.wait_indirect_dma semaphore(%arg20 : memref<!tpu.dma_semaphore, #tpu.memory_space<semaphore_mem>>) src(%dma_wait3A_130 : memref<10240x32xf32, #tpu.memory_space<hbm>>) dst(%arg11 : memref<125x32xf32, #tpu.memory_space<vmem>>)
      %dma_start3A_131 = arith.constant 0 : i32
      %dma_start3A_132 = tpu.memref_slice %arg7[%add3A_124, %dma_start3A_131] : memref<80x125xi32, #tpu.memory_space<vmem>> -> memref<1x125xi32, #tpu.memory_space<vmem>>
      %dma_start3A_133 = tpu.memref_squeeze %dma_start3A_132 : memref<1x125xi32, #tpu.memory_space<vmem>> -> memref<125xi32, #tpu.memory_space<vmem>>
      %dma_start3A_134 = arith.constant 0 : i32
      %dma_start3A_135 = arith.constant 0 : i32
      %dma_start3A_136 = tpu.memref_slice %arg16[%dma_start3A_134, %dma_start3A_135] : memref<10240x32xf32, #tpu.memory_space<vmem_shared>> -> memref<10240x32xf32, #tpu.memory_space<vmem_shared>>
      tpu.enqueue_indirect_dma source(%arg11 : memref<125x32xf32, #tpu.memory_space<vmem>>) target(%dma_start3A_136 : memref<10240x32xf32, #tpu.memory_space<vmem_shared>>) offsets(%dma_start3A_133 : memref<125xi32, #tpu.memory_space<vmem>>) semaphore(%arg28 : memref<!tpu.dma_semaphore, #tpu.memory_space<semaphore_mem>>) {add = true}
      %mul3A_137 = arith.constant 8 : i32
      %mul3A_138 = arith.muli %mul3A_137, %scan3A_72 : i32
      %add3A_139 = arith.constant 4 : i32
      %add3A_140 = arith.addi %mul3A_138, %add3A_139 : i32
      %dma_wait3A_141 = arith.constant 0 : i32
      %dma_wait3A_142 = tpu.memref_slice %arg6[%add3A_140, %dma_wait3A_141] : memref<80x125xi32, #tpu.memory_space<vmem>> -> memref<1x125xi32, #tpu.memory_space<vmem>>
      %dma_wait3A_143 = tpu.memref_squeeze %dma_wait3A_142 : memref<1x125xi32, #tpu.memory_space<vmem>> -> memref<125xi32, #tpu.memory_space<vmem>>
      %dma_wait3A_144 = arith.constant 0 : i32
      %dma_wait3A_145 = arith.constant 0 : i32
      %dma_wait3A_146 = tpu.memref_slice %arg3[%dma_wait3A_144, %dma_wait3A_145] : memref<10240x32xf32, #tpu.memory_space<hbm>> -> memref<10240x32xf32, #tpu.memory_space<hbm>>
      tpu.wait_indirect_dma semaphore(%arg21 : memref<!tpu.dma_semaphore, #tpu.memory_space<semaphore_mem>>) src(%dma_wait3A_146 : memref<10240x32xf32, #tpu.memory_space<hbm>>) dst(%arg12 : memref<125x32xf32, #tpu.memory_space<vmem>>)
      %dma_start3A_147 = arith.constant 0 : i32
      %dma_start3A_148 = tpu.memref_slice %arg7[%add3A_140, %dma_start3A_147] : memref<80x125xi32, #tpu.memory_space<vmem>> -> memref<1x125xi32, #tpu.memory_space<vmem>>
      %dma_start3A_149 = tpu.memref_squeeze %dma_start3A_148 : memref<1x125xi32, #tpu.memory_space<vmem>> -> memref<125xi32, #tpu.memory_space<vmem>>
      %dma_start3A_150 = arith.constant 0 : i32
      %dma_start3A_151 = arith.constant 0 : i32
      %dma_start3A_152 = tpu.memref_slice %arg16[%dma_start3A_150, %dma_start3A_151] : memref<10240x32xf32, #tpu.memory_space<vmem_shared>> -> memref<10240x32xf32, #tpu.memory_space<vmem_shared>>
      tpu.enqueue_indirect_dma source(%arg12 : memref<125x32xf32, #tpu.memory_space<vmem>>) target(%dma_start3A_152 : memref<10240x32xf32, #tpu.memory_space<vmem_shared>>) offsets(%dma_start3A_149 : memref<125xi32, #tpu.memory_space<vmem>>) semaphore(%arg29 : memref<!tpu.dma_semaphore, #tpu.memory_space<semaphore_mem>>) {add = true}
      %mul3A_153 = arith.constant 8 : i32
      %mul3A_154 = arith.muli %mul3A_153, %scan3A_72 : i32
      %add3A_155 = arith.constant 5 : i32
      %add3A_156 = arith.addi %mul3A_154, %add3A_155 : i32
      %dma_wait3A_157 = arith.constant 0 : i32
      %dma_wait3A_158 = tpu.memref_slice %arg6[%add3A_156, %dma_wait3A_157] : memref<80x125xi32, #tpu.memory_space<vmem>> -> memref<1x125xi32, #tpu.memory_space<vmem>>
      %dma_wait3A_159 = tpu.memref_squeeze %dma_wait3A_158 : memref<1x125xi32, #tpu.memory_space<vmem>> -> memref<125xi32, #tpu.memory_space<vmem>>
      %dma_wait3A_160 = arith.constant 0 : i32
      %dma_wait3A_161 = arith.constant 0 : i32
      %dma_wait3A_162 = tpu.memref_slice %arg3[%dma_wait3A_160, %dma_wait3A_161] : memref<10240x32xf32, #tpu.memory_space<hbm>> -> memref<10240x32xf32, #tpu.memory_space<hbm>>
      tpu.wait_indirect_dma semaphore(%arg22 : memref<!tpu.dma_semaphore, #tpu.memory_space<semaphore_mem>>) src(%dma_wait3A_162 : memref<10240x32xf32, #tpu.memory_space<hbm>>) dst(%arg13 : memref<125x32xf32, #tpu.memory_space<vmem>>)
      %dma_start3A_163 = arith.constant 0 : i32
      %dma_start3A_164 = tpu.memref_slice %arg7[%add3A_156, %dma_start3A_163] : memref<80x125xi32, #tpu.memory_space<vmem>> -> memref<1x125xi32, #tpu.memory_space<vmem>>
      %dma_start3A_165 = tpu.memref_squeeze %dma_start3A_164 : memref<1x125xi32, #tpu.memory_space<vmem>> -> memref<125xi32, #tpu.memory_space<vmem>>
      %dma_start3A_166 = arith.constant 0 : i32
      %dma_start3A_167 = arith.constant 0 : i32
      %dma_start3A_168 = tpu.memref_slice %arg16[%dma_start3A_166, %dma_start3A_167] : memref<10240x32xf32, #tpu.memory_space<vmem_shared>> -> memref<10240x32xf32, #tpu.memory_space<vmem_shared>>
      tpu.enqueue_indirect_dma source(%arg13 : memref<125x32xf32, #tpu.memory_space<vmem>>) target(%dma_start3A_168 : memref<10240x32xf32, #tpu.memory_space<vmem_shared>>) offsets(%dma_start3A_165 : memref<125xi32, #tpu.memory_space<vmem>>) semaphore(%arg30 : memref<!tpu.dma_semaphore, #tpu.memory_space<semaphore_mem>>) {add = true}
      %mul3A_169 = arith.constant 8 : i32
      %mul3A_170 = arith.muli %mul3A_169, %scan3A_72 : i32
      %add3A_171 = arith.constant 6 : i32
      %add3A_172 = arith.addi %mul3A_170, %add3A_171 : i32
      %dma_wait3A_173 = arith.constant 0 : i32
      %dma_wait3A_174 = tpu.memref_slice %arg6[%add3A_172, %dma_wait3A_173] : memref<80x125xi32, #tpu.memory_space<vmem>> -> memref<1x125xi32, #tpu.memory_space<vmem>>
      %dma_wait3A_175 = tpu.memref_squeeze %dma_wait3A_174 : memref<1x125xi32, #tpu.memory_space<vmem>> -> memref<125xi32, #tpu.memory_space<vmem>>
      %dma_wait3A_176 = arith.constant 0 : i32
      %dma_wait3A_177 = arith.constant 0 : i32
      %dma_wait3A_178 = tpu.memref_slice %arg3[%dma_wait3A_176, %dma_wait3A_177] : memref<10240x32xf32, #tpu.memory_space<hbm>> -> memref<10240x32xf32, #tpu.memory_space<hbm>>
      tpu.wait_indirect_dma semaphore(%arg23 : memref<!tpu.dma_semaphore, #tpu.memory_space<semaphore_mem>>) src(%dma_wait3A_178 : memref<10240x32xf32, #tpu.memory_space<hbm>>) dst(%arg14 : memref<125x32xf32, #tpu.memory_space<vmem>>)
      %dma_start3A_179 = arith.constant 0 : i32
      %dma_start3A_180 = tpu.memref_slice %arg7[%add3A_172, %dma_start3A_179] : memref<80x125xi32, #tpu.memory_space<vmem>> -> memref<1x125xi32, #tpu.memory_space<vmem>>
      %dma_start3A_181 = tpu.memref_squeeze %dma_start3A_180 : memref<1x125xi32, #tpu.memory_space<vmem>> -> memref<125xi32, #tpu.memory_space<vmem>>
      %dma_start3A_182 = arith.constant 0 : i32
      %dma_start3A_183 = arith.constant 0 : i32
      %dma_start3A_184 = tpu.memref_slice %arg16[%dma_start3A_182, %dma_start3A_183] : memref<10240x32xf32, #tpu.memory_space<vmem_shared>> -> memref<10240x32xf32, #tpu.memory_space<vmem_shared>>
      tpu.enqueue_indirect_dma source(%arg14 : memref<125x32xf32, #tpu.memory_space<vmem>>) target(%dma_start3A_184 : memref<10240x32xf32, #tpu.memory_space<vmem_shared>>) offsets(%dma_start3A_181 : memref<125xi32, #tpu.memory_space<vmem>>) semaphore(%arg31 : memref<!tpu.dma_semaphore, #tpu.memory_space<semaphore_mem>>) {add = true}
      %mul3A_185 = arith.constant 8 : i32
      %mul3A_186 = arith.muli %mul3A_185, %scan3A_72 : i32
      %add3A_187 = arith.constant 7 : i32
      %add3A_188 = arith.addi %mul3A_186, %add3A_187 : i32
      %dma_wait3A_189 = arith.constant 0 : i32
      %dma_wait3A_190 = tpu.memref_slice %arg6[%add3A_188, %dma_wait3A_189] : memref<80x125xi32, #tpu.memory_space<vmem>> -> memref<1x125xi32, #tpu.memory_space<vmem>>
      %dma_wait3A_191 = tpu.memref_squeeze %dma_wait3A_190 : memref<1x125xi32, #tpu.memory_space<vmem>> -> memref<125xi32, #tpu.memory_space<vmem>>
      %dma_wait3A_192 = arith.constant 0 : i32
      %dma_wait3A_193 = arith.constant 0 : i32
      %dma_wait3A_194 = tpu.memref_slice %arg3[%dma_wait3A_192, %dma_wait3A_193] : memref<10240x32xf32, #tpu.memory_space<hbm>> -> memref<10240x32xf32, #tpu.memory_space<hbm>>
      tpu.wait_indirect_dma semaphore(%arg24 : memref<!tpu.dma_semaphore, #tpu.memory_space<semaphore_mem>>) src(%dma_wait3A_194 : memref<10240x32xf32, #tpu.memory_space<hbm>>) dst(%arg15 : memref<125x32xf32, #tpu.memory_space<vmem>>)
      %dma_start3A_195 = arith.constant 0 : i32
      %dma_start3A_196 = tpu.memref_slice %arg7[%add3A_188, %dma_start3A_195] : memref<80x125xi32, #tpu.memory_space<vmem>> -> memref<1x125xi32, #tpu.memory_space<vmem>>
      %dma_start3A_197 = tpu.memref_squeeze %dma_start3A_196 : memref<1x125xi32, #tpu.memory_space<vmem>> -> memref<125xi32, #tpu.memory_space<vmem>>
      %dma_start3A_198 = arith.constant 0 : i32
      %dma_start3A_199 = arith.constant 0 : i32
      %dma_start3A_200 = tpu.memref_slice %arg16[%dma_start3A_198, %dma_start3A_199] : memref<10240x32xf32, #tpu.memory_space<vmem_shared>> -> memref<10240x32xf32, #tpu.memory_space<vmem_shared>>
      tpu.enqueue_indirect_dma source(%arg15 : memref<125x32xf32, #tpu.memory_space<vmem>>) target(%dma_start3A_200 : memref<10240x32xf32, #tpu.memory_space<vmem_shared>>) offsets(%dma_start3A_197 : memref<125xi32, #tpu.memory_space<vmem>>) semaphore(%arg32 : memref<!tpu.dma_semaphore, #tpu.memory_space<semaphore_mem>>) {add = true}
      %mul3A_201 = arith.constant 8 : i32
      %mul3A_202 = arith.muli %mul3A_201, %scan3A_72 : i32
      %add3A_203 = arith.constant 0 : i32
      %add3A_204 = arith.addi %mul3A_202, %add3A_203 : i32
      %dma_wait3A_205 = arith.constant 0 : i32
      %dma_wait3A_206 = tpu.memref_slice %arg7[%add3A_204, %dma_wait3A_205] : memref<80x125xi32, #tpu.memory_space<vmem>> -> memref<1x125xi32, #tpu.memory_space<vmem>>
      %dma_wait3A_207 = tpu.memref_squeeze %dma_wait3A_206 : memref<1x125xi32, #tpu.memory_space<vmem>> -> memref<125xi32, #tpu.memory_space<vmem>>
      %dma_wait3A_208 = arith.constant 0 : i32
      %dma_wait3A_209 = arith.constant 0 : i32
      %dma_wait3A_210 = tpu.memref_slice %arg16[%dma_wait3A_208, %dma_wait3A_209] : memref<10240x32xf32, #tpu.memory_space<vmem_shared>> -> memref<10240x32xf32, #tpu.memory_space<vmem_shared>>
      tpu.wait_indirect_dma semaphore(%arg25 : memref<!tpu.dma_semaphore, #tpu.memory_space<semaphore_mem>>) src(%arg8 : memref<125x32xf32, #tpu.memory_space<vmem>>) dst(%dma_wait3A_210 : memref<10240x32xf32, #tpu.memory_space<vmem_shared>>)
      %add3A_211 = arith.constant 8 : i32
      %add3A_212 = arith.addi %add3A_204, %add3A_211 : i32
      %lt3A = arith.constant 80 : i32
      %lt3A_213 = arith.cmpi slt, %add3A_212, %lt3A : i32
      %convert_element_type3A = arith.extui %lt3A_213 : i1 to i32
      %cond3A = arith.constant 0 : i32
      %cond3A_214 = arith.cmpi ne, %convert_element_type3A, %cond3A : i32
      scf.if %cond3A_214 {
        %add3A_334 = arith.constant 8 : i32
        %add3A_335 = arith.addi %add3A_204, %add3A_334 : i32
        %dma_start3A_336 = arith.constant 0 : i32
        %dma_start3A_337 = tpu.memref_slice %arg6[%add3A_335, %dma_start3A_336] : memref<80x125xi32, #tpu.memory_space<vmem>> -> memref<1x125xi32, #tpu.memory_space<vmem>>
        %dma_start3A_338 = tpu.memref_squeeze %dma_start3A_337 : memref<1x125xi32, #tpu.memory_space<vmem>> -> memref<125xi32, #tpu.memory_space<vmem>>
        %dma_start3A_339 = arith.constant 0 : i32
        %dma_start3A_340 = arith.constant 0 : i32
        %dma_start3A_341 = tpu.memref_slice %arg3[%dma_start3A_339, %dma_start3A_340] : memref<10240x32xf32, #tpu.memory_space<hbm>> -> memref<10240x32xf32, #tpu.memory_space<hbm>>
        tpu.enqueue_indirect_dma source(%dma_start3A_341 : memref<10240x32xf32, #tpu.memory_space<hbm>>) target(%arg8 : memref<125x32xf32, #tpu.memory_space<vmem>>) offsets(%dma_start3A_338 : memref<125xi32, #tpu.memory_space<vmem>>) semaphore(%arg17 : memref<!tpu.dma_semaphore, #tpu.memory_space<semaphore_mem>>)
      } else {
      }
      %mul3A_215 = arith.constant 8 : i32
      %mul3A_216 = arith.muli %mul3A_215, %scan3A_72 : i32
      %add3A_217 = arith.constant 1 : i32
      %add3A_218 = arith.addi %mul3A_216, %add3A_217 : i32
      %dma_wait3A_219 = arith.constant 0 : i32
      %dma_wait3A_220 = tpu.memref_slice %arg7[%add3A_218, %dma_wait3A_219] : memref<80x125xi32, #tpu.memory_space<vmem>> -> memref<1x125xi32, #tpu.memory_space<vmem>>
      %dma_wait3A_221 = tpu.memref_squeeze %dma_wait3A_220 : memref<1x125xi32, #tpu.memory_space<vmem>> -> memref<125xi32, #tpu.memory_space<vmem>>
      %dma_wait3A_222 = arith.constant 0 : i32
      %dma_wait3A_223 = arith.constant 0 : i32
      %dma_wait3A_224 = tpu.memref_slice %arg16[%dma_wait3A_222, %dma_wait3A_223] : memref<10240x32xf32, #tpu.memory_space<vmem_shared>> -> memref<10240x32xf32, #tpu.memory_space<vmem_shared>>
      tpu.wait_indirect_dma semaphore(%arg26 : memref<!tpu.dma_semaphore, #tpu.memory_space<semaphore_mem>>) src(%arg9 : memref<125x32xf32, #tpu.memory_space<vmem>>) dst(%dma_wait3A_224 : memref<10240x32xf32, #tpu.memory_space<vmem_shared>>)
      %add3A_225 = arith.constant 8 : i32
      %add3A_226 = arith.addi %add3A_218, %add3A_225 : i32
      %lt3A_227 = arith.constant 80 : i32
      %lt3A_228 = arith.cmpi slt, %add3A_226, %lt3A_227 : i32
      %convert_element_type3A_229 = arith.extui %lt3A_228 : i1 to i32
      %cond3A_230 = arith.constant 0 : i32
      %cond3A_231 = arith.cmpi ne, %convert_element_type3A_229, %cond3A_230 : i32
      scf.if %cond3A_231 {
        %add3A_334 = arith.constant 8 : i32
        %add3A_335 = arith.addi %add3A_218, %add3A_334 : i32
        %dma_start3A_336 = arith.constant 0 : i32
        %dma_start3A_337 = tpu.memref_slice %arg6[%add3A_335, %dma_start3A_336] : memref<80x125xi32, #tpu.memory_space<vmem>> -> memref<1x125xi32, #tpu.memory_space<vmem>>
        %dma_start3A_338 = tpu.memref_squeeze %dma_start3A_337 : memref<1x125xi32, #tpu.memory_space<vmem>> -> memref<125xi32, #tpu.memory_space<vmem>>
        %dma_start3A_339 = arith.constant 0 : i32
        %dma_start3A_340 = arith.constant 0 : i32
        %dma_start3A_341 = tpu.memref_slice %arg3[%dma_start3A_339, %dma_start3A_340] : memref<10240x32xf32, #tpu.memory_space<hbm>> -> memref<10240x32xf32, #tpu.memory_space<hbm>>
        tpu.enqueue_indirect_dma source(%dma_start3A_341 : memref<10240x32xf32, #tpu.memory_space<hbm>>) target(%arg9 : memref<125x32xf32, #tpu.memory_space<vmem>>) offsets(%dma_start3A_338 : memref<125xi32, #tpu.memory_space<vmem>>) semaphore(%arg18 : memref<!tpu.dma_semaphore, #tpu.memory_space<semaphore_mem>>)
      } else {
      }
      %mul3A_232 = arith.constant 8 : i32
      %mul3A_233 = arith.muli %mul3A_232, %scan3A_72 : i32
      %add3A_234 = arith.constant 2 : i32
      %add3A_235 = arith.addi %mul3A_233, %add3A_234 : i32
      %dma_wait3A_236 = arith.constant 0 : i32
      %dma_wait3A_237 = tpu.memref_slice %arg7[%add3A_235, %dma_wait3A_236] : memref<80x125xi32, #tpu.memory_space<vmem>> -> memref<1x125xi32, #tpu.memory_space<vmem>>
      %dma_wait3A_238 = tpu.memref_squeeze %dma_wait3A_237 : memref<1x125xi32, #tpu.memory_space<vmem>> -> memref<125xi32, #tpu.memory_space<vmem>>
      %dma_wait3A_239 = arith.constant 0 : i32
      %dma_wait3A_240 = arith.constant 0 : i32
      %dma_wait3A_241 = tpu.memref_slice %arg16[%dma_wait3A_239, %dma_wait3A_240] : memref<10240x32xf32, #tpu.memory_space<vmem_shared>> -> memref<10240x32xf32, #tpu.memory_space<vmem_shared>>
      tpu.wait_indirect_dma semaphore(%arg27 : memref<!tpu.dma_semaphore, #tpu.memory_space<semaphore_mem>>) src(%arg10 : memref<125x32xf32, #tpu.memory_space<vmem>>) dst(%dma_wait3A_241 : memref<10240x32xf32, #tpu.memory_space<vmem_shared>>)
      %add3A_242 = arith.constant 8 : i32
      %add3A_243 = arith.addi %add3A_235, %add3A_242 : i32
      %lt3A_244 = arith.constant 80 : i32
      %lt3A_245 = arith.cmpi slt, %add3A_243, %lt3A_244 : i32
      %convert_element_type3A_246 = arith.extui %lt3A_245 : i1 to i32
      %cond3A_247 = arith.constant 0 : i32
      %cond3A_248 = arith.cmpi ne, %convert_element_type3A_246, %cond3A_247 : i32
      scf.if %cond3A_248 {
        %add3A_334 = arith.constant 8 : i32
        %add3A_335 = arith.addi %add3A_235, %add3A_334 : i32
        %dma_start3A_336 = arith.constant 0 : i32
        %dma_start3A_337 = tpu.memref_slice %arg6[%add3A_335, %dma_start3A_336] : memref<80x125xi32, #tpu.memory_space<vmem>> -> memref<1x125xi32, #tpu.memory_space<vmem>>
        %dma_start3A_338 = tpu.memref_squeeze %dma_start3A_337 : memref<1x125xi32, #tpu.memory_space<vmem>> -> memref<125xi32, #tpu.memory_space<vmem>>
        %dma_start3A_339 = arith.constant 0 : i32
        %dma_start3A_340 = arith.constant 0 : i32
        %dma_start3A_341 = tpu.memref_slice %arg3[%dma_start3A_339, %dma_start3A_340] : memref<10240x32xf32, #tpu.memory_space<hbm>> -> memref<10240x32xf32, #tpu.memory_space<hbm>>
        tpu.enqueue_indirect_dma source(%dma_start3A_341 : memref<10240x32xf32, #tpu.memory_space<hbm>>) target(%arg10 : memref<125x32xf32, #tpu.memory_space<vmem>>) offsets(%dma_start3A_338 : memref<125xi32, #tpu.memory_space<vmem>>) semaphore(%arg19 : memref<!tpu.dma_semaphore, #tpu.memory_space<semaphore_mem>>)
      } else {
      }
      %mul3A_249 = arith.constant 8 : i32
      %mul3A_250 = arith.muli %mul3A_249, %scan3A_72 : i32
      %add3A_251 = arith.constant 3 : i32
      %add3A_252 = arith.addi %mul3A_250, %add3A_251 : i32
      %dma_wait3A_253 = arith.constant 0 : i32
      %dma_wait3A_254 = tpu.memref_slice %arg7[%add3A_252, %dma_wait3A_253] : memref<80x125xi32, #tpu.memory_space<vmem>> -> memref<1x125xi32, #tpu.memory_space<vmem>>
      %dma_wait3A_255 = tpu.memref_squeeze %dma_wait3A_254 : memref<1x125xi32, #tpu.memory_space<vmem>> -> memref<125xi32, #tpu.memory_space<vmem>>
      %dma_wait3A_256 = arith.constant 0 : i32
      %dma_wait3A_257 = arith.constant 0 : i32
      %dma_wait3A_258 = tpu.memref_slice %arg16[%dma_wait3A_256, %dma_wait3A_257] : memref<10240x32xf32, #tpu.memory_space<vmem_shared>> -> memref<10240x32xf32, #tpu.memory_space<vmem_shared>>
      tpu.wait_indirect_dma semaphore(%arg28 : memref<!tpu.dma_semaphore, #tpu.memory_space<semaphore_mem>>) src(%arg11 : memref<125x32xf32, #tpu.memory_space<vmem>>) dst(%dma_wait3A_258 : memref<10240x32xf32, #tpu.memory_space<vmem_shared>>)
      %add3A_259 = arith.constant 8 : i32
      %add3A_260 = arith.addi %add3A_252, %add3A_259 : i32
      %lt3A_261 = arith.constant 80 : i32
      %lt3A_262 = arith.cmpi slt, %add3A_260, %lt3A_261 : i32
      %convert_element_type3A_263 = arith.extui %lt3A_262 : i1 to i32
      %cond3A_264 = arith.constant 0 : i32
      %cond3A_265 = arith.cmpi ne, %convert_element_type3A_263, %cond3A_264 : i32
      scf.if %cond3A_265 {
        %add3A_334 = arith.constant 8 : i32
        %add3A_335 = arith.addi %add3A_252, %add3A_334 : i32
        %dma_start3A_336 = arith.constant 0 : i32
        %dma_start3A_337 = tpu.memref_slice %arg6[%add3A_335, %dma_start3A_336] : memref<80x125xi32, #tpu.memory_space<vmem>> -> memref<1x125xi32, #tpu.memory_space<vmem>>
        %dma_start3A_338 = tpu.memref_squeeze %dma_start3A_337 : memref<1x125xi32, #tpu.memory_space<vmem>> -> memref<125xi32, #tpu.memory_space<vmem>>
        %dma_start3A_339 = arith.constant 0 : i32
        %dma_start3A_340 = arith.constant 0 : i32
        %dma_start3A_341 = tpu.memref_slice %arg3[%dma_start3A_339, %dma_start3A_340] : memref<10240x32xf32, #tpu.memory_space<hbm>> -> memref<10240x32xf32, #tpu.memory_space<hbm>>
        tpu.enqueue_indirect_dma source(%dma_start3A_341 : memref<10240x32xf32, #tpu.memory_space<hbm>>) target(%arg11 : memref<125x32xf32, #tpu.memory_space<vmem>>) offsets(%dma_start3A_338 : memref<125xi32, #tpu.memory_space<vmem>>) semaphore(%arg20 : memref<!tpu.dma_semaphore, #tpu.memory_space<semaphore_mem>>)
      } else {
      }
      %mul3A_266 = arith.constant 8 : i32
      %mul3A_267 = arith.muli %mul3A_266, %scan3A_72 : i32
      %add3A_268 = arith.constant 4 : i32
      %add3A_269 = arith.addi %mul3A_267, %add3A_268 : i32
      %dma_wait3A_270 = arith.constant 0 : i32
      %dma_wait3A_271 = tpu.memref_slice %arg7[%add3A_269, %dma_wait3A_270] : memref<80x125xi32, #tpu.memory_space<vmem>> -> memref<1x125xi32, #tpu.memory_space<vmem>>
      %dma_wait3A_272 = tpu.memref_squeeze %dma_wait3A_271 : memref<1x125xi32, #tpu.memory_space<vmem>> -> memref<125xi32, #tpu.memory_space<vmem>>
      %dma_wait3A_273 = arith.constant 0 : i32
      %dma_wait3A_274 = arith.constant 0 : i32
      %dma_wait3A_275 = tpu.memref_slice %arg16[%dma_wait3A_273, %dma_wait3A_274] : memref<10240x32xf32, #tpu.memory_space<vmem_shared>> -> memref<10240x32xf32, #tpu.memory_space<vmem_shared>>
      tpu.wait_indirect_dma semaphore(%arg29 : memref<!tpu.dma_semaphore, #tpu.memory_space<semaphore_mem>>) src(%arg12 : memref<125x32xf32, #tpu.memory_space<vmem>>) dst(%dma_wait3A_275 : memref<10240x32xf32, #tpu.memory_space<vmem_shared>>)
      %add3A_276 = arith.constant 8 : i32
      %add3A_277 = arith.addi %add3A_269, %add3A_276 : i32
      %lt3A_278 = arith.constant 80 : i32
      %lt3A_279 = arith.cmpi slt, %add3A_277, %lt3A_278 : i32
      %convert_element_type3A_280 = arith.extui %lt3A_279 : i1 to i32
      %cond3A_281 = arith.constant 0 : i32
      %cond3A_282 = arith.cmpi ne, %convert_element_type3A_280, %cond3A_281 : i32
      scf.if %cond3A_282 {
        %add3A_334 = arith.constant 8 : i32
        %add3A_335 = arith.addi %add3A_269, %add3A_334 : i32
        %dma_start3A_336 = arith.constant 0 : i32
        %dma_start3A_337 = tpu.memref_slice %arg6[%add3A_335, %dma_start3A_336] : memref<80x125xi32, #tpu.memory_space<vmem>> -> memref<1x125xi32, #tpu.memory_space<vmem>>
        %dma_start3A_338 = tpu.memref_squeeze %dma_start3A_337 : memref<1x125xi32, #tpu.memory_space<vmem>> -> memref<125xi32, #tpu.memory_space<vmem>>
        %dma_start3A_339 = arith.constant 0 : i32
        %dma_start3A_340 = arith.constant 0 : i32
        %dma_start3A_341 = tpu.memref_slice %arg3[%dma_start3A_339, %dma_start3A_340] : memref<10240x32xf32, #tpu.memory_space<hbm>> -> memref<10240x32xf32, #tpu.memory_space<hbm>>
        tpu.enqueue_indirect_dma source(%dma_start3A_341 : memref<10240x32xf32, #tpu.memory_space<hbm>>) target(%arg12 : memref<125x32xf32, #tpu.memory_space<vmem>>) offsets(%dma_start3A_338 : memref<125xi32, #tpu.memory_space<vmem>>) semaphore(%arg21 : memref<!tpu.dma_semaphore, #tpu.memory_space<semaphore_mem>>)
      } else {
      }
      %mul3A_283 = arith.constant 8 : i32
      %mul3A_284 = arith.muli %mul3A_283, %scan3A_72 : i32
      %add3A_285 = arith.constant 5 : i32
      %add3A_286 = arith.addi %mul3A_284, %add3A_285 : i32
      %dma_wait3A_287 = arith.constant 0 : i32
      %dma_wait3A_288 = tpu.memref_slice %arg7[%add3A_286, %dma_wait3A_287] : memref<80x125xi32, #tpu.memory_space<vmem>> -> memref<1x125xi32, #tpu.memory_space<vmem>>
      %dma_wait3A_289 = tpu.memref_squeeze %dma_wait3A_288 : memref<1x125xi32, #tpu.memory_space<vmem>> -> memref<125xi32, #tpu.memory_space<vmem>>
      %dma_wait3A_290 = arith.constant 0 : i32
      %dma_wait3A_291 = arith.constant 0 : i32
      %dma_wait3A_292 = tpu.memref_slice %arg16[%dma_wait3A_290, %dma_wait3A_291] : memref<10240x32xf32, #tpu.memory_space<vmem_shared>> -> memref<10240x32xf32, #tpu.memory_space<vmem_shared>>
      tpu.wait_indirect_dma semaphore(%arg30 : memref<!tpu.dma_semaphore, #tpu.memory_space<semaphore_mem>>) src(%arg13 : memref<125x32xf32, #tpu.memory_space<vmem>>) dst(%dma_wait3A_292 : memref<10240x32xf32, #tpu.memory_space<vmem_shared>>)
      %add3A_293 = arith.constant 8 : i32
      %add3A_294 = arith.addi %add3A_286, %add3A_293 : i32
      %lt3A_295 = arith.constant 80 : i32
      %lt3A_296 = arith.cmpi slt, %add3A_294, %lt3A_295 : i32
      %convert_element_type3A_297 = arith.extui %lt3A_296 : i1 to i32
      %cond3A_298 = arith.constant 0 : i32
      %cond3A_299 = arith.cmpi ne, %convert_element_type3A_297, %cond3A_298 : i32
      scf.if %cond3A_299 {
        %add3A_334 = arith.constant 8 : i32
        %add3A_335 = arith.addi %add3A_286, %add3A_334 : i32
        %dma_start3A_336 = arith.constant 0 : i32
        %dma_start3A_337 = tpu.memref_slice %arg6[%add3A_335, %dma_start3A_336] : memref<80x125xi32, #tpu.memory_space<vmem>> -> memref<1x125xi32, #tpu.memory_space<vmem>>
        %dma_start3A_338 = tpu.memref_squeeze %dma_start3A_337 : memref<1x125xi32, #tpu.memory_space<vmem>> -> memref<125xi32, #tpu.memory_space<vmem>>
        %dma_start3A_339 = arith.constant 0 : i32
        %dma_start3A_340 = arith.constant 0 : i32
        %dma_start3A_341 = tpu.memref_slice %arg3[%dma_start3A_339, %dma_start3A_340] : memref<10240x32xf32, #tpu.memory_space<hbm>> -> memref<10240x32xf32, #tpu.memory_space<hbm>>
        tpu.enqueue_indirect_dma source(%dma_start3A_341 : memref<10240x32xf32, #tpu.memory_space<hbm>>) target(%arg13 : memref<125x32xf32, #tpu.memory_space<vmem>>) offsets(%dma_start3A_338 : memref<125xi32, #tpu.memory_space<vmem>>) semaphore(%arg22 : memref<!tpu.dma_semaphore, #tpu.memory_space<semaphore_mem>>)
      } else {
      }
      %mul3A_300 = arith.constant 8 : i32
      %mul3A_301 = arith.muli %mul3A_300, %scan3A_72 : i32
      %add3A_302 = arith.constant 6 : i32
      %add3A_303 = arith.addi %mul3A_301, %add3A_302 : i32
      %dma_wait3A_304 = arith.constant 0 : i32
      %dma_wait3A_305 = tpu.memref_slice %arg7[%add3A_303, %dma_wait3A_304] : memref<80x125xi32, #tpu.memory_space<vmem>> -> memref<1x125xi32, #tpu.memory_space<vmem>>
      %dma_wait3A_306 = tpu.memref_squeeze %dma_wait3A_305 : memref<1x125xi32, #tpu.memory_space<vmem>> -> memref<125xi32, #tpu.memory_space<vmem>>
      %dma_wait3A_307 = arith.constant 0 : i32
      %dma_wait3A_308 = arith.constant 0 : i32
      %dma_wait3A_309 = tpu.memref_slice %arg16[%dma_wait3A_307, %dma_wait3A_308] : memref<10240x32xf32, #tpu.memory_space<vmem_shared>> -> memref<10240x32xf32, #tpu.memory_space<vmem_shared>>
      tpu.wait_indirect_dma semaphore(%arg31 : memref<!tpu.dma_semaphore, #tpu.memory_space<semaphore_mem>>) src(%arg14 : memref<125x32xf32, #tpu.memory_space<vmem>>) dst(%dma_wait3A_309 : memref<10240x32xf32, #tpu.memory_space<vmem_shared>>)
      %add3A_310 = arith.constant 8 : i32
      %add3A_311 = arith.addi %add3A_303, %add3A_310 : i32
      %lt3A_312 = arith.constant 80 : i32
      %lt3A_313 = arith.cmpi slt, %add3A_311, %lt3A_312 : i32
      %convert_element_type3A_314 = arith.extui %lt3A_313 : i1 to i32
      %cond3A_315 = arith.constant 0 : i32
      %cond3A_316 = arith.cmpi ne, %convert_element_type3A_314, %cond3A_315 : i32
      scf.if %cond3A_316 {
        %add3A_334 = arith.constant 8 : i32
        %add3A_335 = arith.addi %add3A_303, %add3A_334 : i32
        %dma_start3A_336 = arith.constant 0 : i32
        %dma_start3A_337 = tpu.memref_slice %arg6[%add3A_335, %dma_start3A_336] : memref<80x125xi32, #tpu.memory_space<vmem>> -> memref<1x125xi32, #tpu.memory_space<vmem>>
        %dma_start3A_338 = tpu.memref_squeeze %dma_start3A_337 : memref<1x125xi32, #tpu.memory_space<vmem>> -> memref<125xi32, #tpu.memory_space<vmem>>
        %dma_start3A_339 = arith.constant 0 : i32
        %dma_start3A_340 = arith.constant 0 : i32
        %dma_start3A_341 = tpu.memref_slice %arg3[%dma_start3A_339, %dma_start3A_340] : memref<10240x32xf32, #tpu.memory_space<hbm>> -> memref<10240x32xf32, #tpu.memory_space<hbm>>
        tpu.enqueue_indirect_dma source(%dma_start3A_341 : memref<10240x32xf32, #tpu.memory_space<hbm>>) target(%arg14 : memref<125x32xf32, #tpu.memory_space<vmem>>) offsets(%dma_start3A_338 : memref<125xi32, #tpu.memory_space<vmem>>) semaphore(%arg23 : memref<!tpu.dma_semaphore, #tpu.memory_space<semaphore_mem>>)
      } else {
      }
      %mul3A_317 = arith.constant 8 : i32
      %mul3A_318 = arith.muli %mul3A_317, %scan3A_72 : i32
      %add3A_319 = arith.constant 7 : i32
      %add3A_320 = arith.addi %mul3A_318, %add3A_319 : i32
      %dma_wait3A_321 = arith.constant 0 : i32
      %dma_wait3A_322 = tpu.memref_slice %arg7[%add3A_320, %dma_wait3A_321] : memref<80x125xi32, #tpu.memory_space<vmem>> -> memref<1x125xi32, #tpu.memory_space<vmem>>
      %dma_wait3A_323 = tpu.memref_squeeze %dma_wait3A_322 : memref<1x125xi32, #tpu.memory_space<vmem>> -> memref<125xi32, #tpu.memory_space<vmem>>
      %dma_wait3A_324 = arith.constant 0 : i32
      %dma_wait3A_325 = arith.constant 0 : i32
      %dma_wait3A_326 = tpu.memref_slice %arg16[%dma_wait3A_324, %dma_wait3A_325] : memref<10240x32xf32, #tpu.memory_space<vmem_shared>> -> memref<10240x32xf32, #tpu.memory_space<vmem_shared>>
      tpu.wait_indirect_dma semaphore(%arg32 : memref<!tpu.dma_semaphore, #tpu.memory_space<semaphore_mem>>) src(%arg15 : memref<125x32xf32, #tpu.memory_space<vmem>>) dst(%dma_wait3A_326 : memref<10240x32xf32, #tpu.memory_space<vmem_shared>>)
      %add3A_327 = arith.constant 8 : i32
      %add3A_328 = arith.addi %add3A_320, %add3A_327 : i32
      %lt3A_329 = arith.constant 80 : i32
      %lt3A_330 = arith.cmpi slt, %add3A_328, %lt3A_329 : i32
      %convert_element_type3A_331 = arith.extui %lt3A_330 : i1 to i32
      %cond3A_332 = arith.constant 0 : i32
      %cond3A_333 = arith.cmpi ne, %convert_element_type3A_331, %cond3A_332 : i32
      scf.if %cond3A_333 {
        %add3A_334 = arith.constant 8 : i32
        %add3A_335 = arith.addi %add3A_320, %add3A_334 : i32
        %dma_start3A_336 = arith.constant 0 : i32
        %dma_start3A_337 = tpu.memref_slice %arg6[%add3A_335, %dma_start3A_336] : memref<80x125xi32, #tpu.memory_space<vmem>> -> memref<1x125xi32, #tpu.memory_space<vmem>>
        %dma_start3A_338 = tpu.memref_squeeze %dma_start3A_337 : memref<1x125xi32, #tpu.memory_space<vmem>> -> memref<125xi32, #tpu.memory_space<vmem>>
        %dma_start3A_339 = arith.constant 0 : i32
        %dma_start3A_340 = arith.constant 0 : i32
        %dma_start3A_341 = tpu.memref_slice %arg3[%dma_start3A_339, %dma_start3A_340] : memref<10240x32xf32, #tpu.memory_space<hbm>> -> memref<10240x32xf32, #tpu.memory_space<hbm>>
        tpu.enqueue_indirect_dma source(%dma_start3A_341 : memref<10240x32xf32, #tpu.memory_space<hbm>>) target(%arg15 : memref<125x32xf32, #tpu.memory_space<vmem>>) offsets(%dma_start3A_338 : memref<125xi32, #tpu.memory_space<vmem>>) semaphore(%arg24 : memref<!tpu.dma_semaphore, #tpu.memory_space<semaphore_mem>>)
      } else {
      }
    }
    %scan3A_70 = arith.constant 10 : i32
    %barrier3A_71 = arith.constant 0 : index
    tpu.barrier barrier_id(%barrier3A_71)
    "tpu.region"() ({
      %run_scoped3A_72 = tpu.sem_alloc : memref<!tpu.dma_semaphore, #tpu.memory_space<semaphore_mem>>
      %dma_start3A_73 = arith.constant 0 : i32
      %dma_start3A_74 = tpu.memref_slice %arg5[%arg0, %mul3A_2, %dma_start3A_73] : memref<2x10240x32xf32, #tpu.memory_space<hbm>> -> memref<1x640x32xf32, #tpu.memory_space<hbm>>
      %dma_start3A_75 = tpu.memref_squeeze %dma_start3A_74 : memref<1x640x32xf32, #tpu.memory_space<hbm>> -> memref<640x32xf32, #tpu.memory_space<hbm>>
      %dma_start3A_76 = arith.constant 0 : i32
      %dma_start3A_77 = tpu.memref_slice %arg16[%mul3A_2, %dma_start3A_76] : memref<10240x32xf32, #tpu.memory_space<vmem_shared>> -> memref<640x32xf32, #tpu.memory_space<vmem_shared>>
      tpu.enqueue_dma source(%dma_start3A_77 : memref<640x32xf32, #tpu.memory_space<vmem_shared>>) target(%dma_start3A_75 : memref<640x32xf32, #tpu.memory_space<hbm>>) target_semaphore(%run_scoped3A_72 : memref<!tpu.dma_semaphore, #tpu.memory_space<semaphore_mem>>)
      %dma_wait3A_78 = arith.constant 0 : i32
      %dma_wait3A_79 = tpu.memref_slice %arg5[%arg0, %mul3A_2, %dma_wait3A_78] : memref<2x10240x32xf32, #tpu.memory_space<hbm>> -> memref<1x640x32xf32, #tpu.memory_space<hbm>>
      %dma_wait3A_80 = tpu.memref_squeeze %dma_wait3A_79 : memref<1x640x32xf32, #tpu.memory_space<hbm>> -> memref<640x32xf32, #tpu.memory_space<hbm>>
      %dma_wait3A_81 = arith.constant 0 : i32
      %dma_wait3A_82 = tpu.memref_slice %arg16[%mul3A_2, %dma_wait3A_81] : memref<10240x32xf32, #tpu.memory_space<vmem_shared>> -> memref<640x32xf32, #tpu.memory_space<vmem_shared>>
      tpu.wait_dma2 semaphore(%run_scoped3A_72 : memref<!tpu.dma_semaphore, #tpu.memory_space<semaphore_mem>>) src(%dma_wait3A_82 : memref<640x32xf32, #tpu.memory_space<vmem_shared>>) dst(%dma_wait3A_80 : memref<640x32xf32, #tpu.memory_space<hbm>>)
      tpu.yield
    }) : () -> ()
    return
  }
}

#map = affine_map<(d0, d1) -> (0, 0, 0, 0)>
#map1 = affine_map<(d0, d1) -> (0, 0)>
#map2 = affine_map<(d0, d1) -> (0, 0, 0)>
module attributes {stable_mosaic.version = 14 : i64} {
  func.func @deg_kernel(%arg0: i32, %arg1: i32, %arg2: memref<2x32x80x125xi32, #tpu.memory_space<hbm>>, %arg3: memref<125x8xf32, #tpu.memory_space<hbm>>, %arg4: memref<10240x8xf32, #tpu.memory_space<hbm>>, %arg5: memref<2x10240x32xf32, #tpu.memory_space<hbm>>, %arg6: memref<80x125xi32, #tpu.memory_space<vmem>>, %arg7: memref<125x8xf32, #tpu.memory_space<vmem>>, %arg8: memref<640x8xf32, #tpu.memory_space<vmem>>, %arg9: memref<640x32xf32, #tpu.memory_space<vmem>>, %arg10: memref<10240x8xf32, #tpu.memory_space<vmem_shared>>, %arg11: memref<!tpu.dma_semaphore, #tpu.memory_space<semaphore_mem>>, %arg12: memref<!tpu.dma_semaphore, #tpu.memory_space<semaphore_mem>>, %arg13: memref<!tpu.dma_semaphore, #tpu.memory_space<semaphore_mem>>, %arg14: memref<!tpu.dma_semaphore, #tpu.memory_space<semaphore_mem>>) attributes {dimension_semantics = [#tpu.dimension_semantics<core_parallel>, #tpu.dimension_semantics<subcore_parallel>], iteration_bounds = array<i64: 2, 16>, scalar_prefetch = 0 : i64, scratch_operands = 9 : i64, tpu.core_type = #tpu.core_type<sc_vector_subcore>, window_params = [{transform_indices = #map}, {transform_indices = #map1}, {transform_indices = #map1}, {transform_indices = #map2}]} {
    %mul3A = arith.constant 2 : i32
    %mul3A_0 = arith.muli %arg1, %mul3A : i32
    %add3A = arith.addi %mul3A_0, %arg0 : i32
    %mul3A_1 = arith.constant 640 : i32
    %mul3A_2 = arith.muli %arg1, %mul3A_1 : i32
    "tpu.region"() ({
      %run_scoped3A_43 = tpu.sem_alloc : memref<!tpu.dma_semaphore, #tpu.memory_space<semaphore_mem>>
      %dma_start3A = arith.constant 0 : i32
      %dma_start3A_44 = tpu.memref_slice %arg10[%mul3A_2, %dma_start3A] : memref<10240x8xf32, #tpu.memory_space<vmem_shared>> -> memref<640x8xf32, #tpu.memory_space<vmem_shared>>
      %dma_start3A_45 = arith.constant 0 : i32
      %dma_start3A_46 = tpu.memref_slice %arg4[%mul3A_2, %dma_start3A_45] : memref<10240x8xf32, #tpu.memory_space<hbm>> -> memref<640x8xf32, #tpu.memory_space<hbm>>
      tpu.enqueue_dma source(%dma_start3A_46 : memref<640x8xf32, #tpu.memory_space<hbm>>) target(%dma_start3A_44 : memref<640x8xf32, #tpu.memory_space<vmem_shared>>) target_semaphore(%run_scoped3A_43 : memref<!tpu.dma_semaphore, #tpu.memory_space<semaphore_mem>>)
      %dma_wait3A_47 = arith.constant 0 : i32
      %dma_wait3A_48 = tpu.memref_slice %arg10[%mul3A_2, %dma_wait3A_47] : memref<10240x8xf32, #tpu.memory_space<vmem_shared>> -> memref<640x8xf32, #tpu.memory_space<vmem_shared>>
      %dma_wait3A_49 = arith.constant 0 : i32
      %dma_wait3A_50 = tpu.memref_slice %arg4[%mul3A_2, %dma_wait3A_49] : memref<10240x8xf32, #tpu.memory_space<hbm>> -> memref<640x8xf32, #tpu.memory_space<hbm>>
      tpu.wait_dma2 semaphore(%run_scoped3A_43 : memref<!tpu.dma_semaphore, #tpu.memory_space<semaphore_mem>>) src(%dma_wait3A_50 : memref<640x8xf32, #tpu.memory_space<hbm>>) dst(%dma_wait3A_48 : memref<640x8xf32, #tpu.memory_space<vmem_shared>>)
      tpu.yield
    }) : () -> ()
    "tpu.region"() ({
      %run_scoped3A_43 = tpu.sem_alloc : memref<!tpu.dma_semaphore, #tpu.memory_space<semaphore_mem>>
      tpu.enqueue_dma source(%arg3 : memref<125x8xf32, #tpu.memory_space<hbm>>) target(%arg7 : memref<125x8xf32, #tpu.memory_space<vmem>>) target_semaphore(%run_scoped3A_43 : memref<!tpu.dma_semaphore, #tpu.memory_space<semaphore_mem>>)
      tpu.wait_dma2 semaphore(%run_scoped3A_43 : memref<!tpu.dma_semaphore, #tpu.memory_space<semaphore_mem>>) src(%arg3 : memref<125x8xf32, #tpu.memory_space<hbm>>) dst(%arg7 : memref<125x8xf32, #tpu.memory_space<vmem>>)
      tpu.yield
    }) : () -> ()
    %run_scoped3A = arith.constant 1 : i32
    "tpu.region"() ({
      %run_scoped3A_43 = tpu.sem_alloc : memref<!tpu.dma_semaphore, #tpu.memory_space<semaphore_mem>>
      %dma_start3A = arith.constant 0 : i32
      %dma_start3A_44 = arith.constant 0 : i32
      %dma_start3A_45 = tpu.memref_slice %arg2[%run_scoped3A, %add3A, %dma_start3A, %dma_start3A_44] : memref<2x32x80x125xi32, #tpu.memory_space<hbm>> -> memref<1x1x80x125xi32, #tpu.memory_space<hbm>>
      %dma_start3A_46 = tpu.memref_squeeze %dma_start3A_45 : memref<1x1x80x125xi32, #tpu.memory_space<hbm>> -> memref<80x125xi32, #tpu.memory_space<hbm>>
      %dma_start3A_47 = arith.constant 0 : i32
      %dma_start3A_48 = arith.constant 0 : i32
      %dma_start3A_49 = tpu.memref_slice %arg2[%run_scoped3A, %add3A, %dma_start3A_47, %dma_start3A_48] : memref<2x32x80x125xi32, #tpu.memory_space<hbm>> -> memref<1x1x80x125xi32, #tpu.memory_space<hbm>>
      %dma_start3A_50 = tpu.memref_squeeze %dma_start3A_49 : memref<1x1x80x125xi32, #tpu.memory_space<hbm>> -> memref<80x125xi32, #tpu.memory_space<hbm>>
      tpu.enqueue_dma source(%dma_start3A_50 : memref<80x125xi32, #tpu.memory_space<hbm>>) target(%arg6 : memref<80x125xi32, #tpu.memory_space<vmem>>) target_semaphore(%run_scoped3A_43 : memref<!tpu.dma_semaphore, #tpu.memory_space<semaphore_mem>>)
      %dma_wait3A_51 = arith.constant 0 : i32
      %dma_wait3A_52 = arith.constant 0 : i32
      %dma_wait3A_53 = tpu.memref_slice %arg2[%run_scoped3A, %add3A, %dma_wait3A_51, %dma_wait3A_52] : memref<2x32x80x125xi32, #tpu.memory_space<hbm>> -> memref<1x1x80x125xi32, #tpu.memory_space<hbm>>
      %dma_wait3A_54 = tpu.memref_squeeze %dma_wait3A_53 : memref<1x1x80x125xi32, #tpu.memory_space<hbm>> -> memref<80x125xi32, #tpu.memory_space<hbm>>
      %dma_wait3A_55 = arith.constant 0 : i32
      %dma_wait3A_56 = arith.constant 0 : i32
      %dma_wait3A_57 = tpu.memref_slice %arg2[%run_scoped3A, %add3A, %dma_wait3A_55, %dma_wait3A_56] : memref<2x32x80x125xi32, #tpu.memory_space<hbm>> -> memref<1x1x80x125xi32, #tpu.memory_space<hbm>>
      %dma_wait3A_58 = tpu.memref_squeeze %dma_wait3A_57 : memref<1x1x80x125xi32, #tpu.memory_space<hbm>> -> memref<80x125xi32, #tpu.memory_space<hbm>>
      tpu.wait_dma2 semaphore(%run_scoped3A_43 : memref<!tpu.dma_semaphore, #tpu.memory_space<semaphore_mem>>) src(%dma_wait3A_58 : memref<80x125xi32, #tpu.memory_space<hbm>>) dst(%arg6 : memref<80x125xi32, #tpu.memory_space<vmem>>)
      tpu.yield
    }) : () -> ()
    %barrier3A = arith.constant 0 : index
    tpu.barrier barrier_id(%barrier3A)
    %scan3A = arith.constant 0 : i32
    %scan3A_3 = arith.constant 0 : i32
    %scan3A_4 = arith.constant 20 : i32
    %scan3A_5 = arith.addi %scan3A_3, %scan3A_4 : i32
    %scan3A_6 = arith.constant 1 : i32
    scf.for %scan3A_43 = %scan3A_3 to %scan3A_5 step %scan3A_6  : i32 {
      %mul3A_44 = arith.constant 4 : i32
      %mul3A_45 = arith.muli %mul3A_44, %scan3A_43 : i32
      %add3A_46 = arith.constant 0 : i32
      %add3A_47 = arith.addi %mul3A_45, %add3A_46 : i32
      %gt3A = arith.constant 0 : i32
      %gt3A_48 = arith.cmpi sgt, %scan3A_43, %gt3A : i32
      %convert_element_type3A = arith.extui %gt3A_48 : i1 to i32
      %cond3A = arith.constant 0 : i32
      %cond3A_49 = arith.cmpi ne, %convert_element_type3A, %cond3A : i32
      scf.if %cond3A_49 {
        %sub3A = arith.constant 4 : i32
        %sub3A_100 = arith.subi %add3A_47, %sub3A : i32
        %dma_wait3A_101 = arith.constant 0 : i32
        %dma_wait3A_102 = tpu.memref_slice %arg6[%sub3A_100, %dma_wait3A_101] : memref<80x125xi32, #tpu.memory_space<vmem>> -> memref<1x125xi32, #tpu.memory_space<vmem>>
        %dma_wait3A_103 = tpu.memref_squeeze %dma_wait3A_102 : memref<1x125xi32, #tpu.memory_space<vmem>> -> memref<125xi32, #tpu.memory_space<vmem>>
        %dma_wait3A_104 = arith.constant 0 : i32
        %dma_wait3A_105 = arith.constant 0 : i32
        %dma_wait3A_106 = tpu.memref_slice %arg10[%dma_wait3A_104, %dma_wait3A_105] : memref<10240x8xf32, #tpu.memory_space<vmem_shared>> -> memref<10240x8xf32, #tpu.memory_space<vmem_shared>>
        tpu.wait_indirect_dma semaphore(%arg11 : memref<!tpu.dma_semaphore, #tpu.memory_space<semaphore_mem>>) src(%arg7 : memref<125x8xf32, #tpu.memory_space<vmem>>) dst(%dma_wait3A_106 : memref<10240x8xf32, #tpu.memory_space<vmem_shared>>)
      } else {
      }
      %dma_start3A = arith.constant 0 : i32
      %dma_start3A_50 = tpu.memref_slice %arg6[%add3A_47, %dma_start3A] : memref<80x125xi32, #tpu.memory_space<vmem>> -> memref<1x125xi32, #tpu.memory_space<vmem>>
      %dma_start3A_51 = tpu.memref_squeeze %dma_start3A_50 : memref<1x125xi32, #tpu.memory_space<vmem>> -> memref<125xi32, #tpu.memory_space<vmem>>
      %dma_start3A_52 = arith.constant 0 : i32
      %dma_start3A_53 = arith.constant 0 : i32
      %dma_start3A_54 = tpu.memref_slice %arg10[%dma_start3A_52, %dma_start3A_53] : memref<10240x8xf32, #tpu.memory_space<vmem_shared>> -> memref<10240x8xf32, #tpu.memory_space<vmem_shared>>
      tpu.enqueue_indirect_dma source(%arg7 : memref<125x8xf32, #tpu.memory_space<vmem>>) target(%dma_start3A_54 : memref<10240x8xf32, #tpu.memory_space<vmem_shared>>) offsets(%dma_start3A_51 : memref<125xi32, #tpu.memory_space<vmem>>) semaphore(%arg11 : memref<!tpu.dma_semaphore, #tpu.memory_space<semaphore_mem>>) {add = true}
      %mul3A_55 = arith.constant 4 : i32
      %mul3A_56 = arith.muli %mul3A_55, %scan3A_43 : i32
      %add3A_57 = arith.constant 1 : i32
      %add3A_58 = arith.addi %mul3A_56, %add3A_57 : i32
      %gt3A_59 = arith.constant 0 : i32
      %gt3A_60 = arith.cmpi sgt, %scan3A_43, %gt3A_59 : i32
      %convert_element_type3A_61 = arith.extui %gt3A_60 : i1 to i32
      %cond3A_62 = arith.constant 0 : i32
      %cond3A_63 = arith.cmpi ne, %convert_element_type3A_61, %cond3A_62 : i32
      scf.if %cond3A_63 {
        %sub3A = arith.constant 4 : i32
        %sub3A_100 = arith.subi %add3A_58, %sub3A : i32
        %dma_wait3A_101 = arith.constant 0 : i32
        %dma_wait3A_102 = tpu.memref_slice %arg6[%sub3A_100, %dma_wait3A_101] : memref<80x125xi32, #tpu.memory_space<vmem>> -> memref<1x125xi32, #tpu.memory_space<vmem>>
        %dma_wait3A_103 = tpu.memref_squeeze %dma_wait3A_102 : memref<1x125xi32, #tpu.memory_space<vmem>> -> memref<125xi32, #tpu.memory_space<vmem>>
        %dma_wait3A_104 = arith.constant 0 : i32
        %dma_wait3A_105 = arith.constant 0 : i32
        %dma_wait3A_106 = tpu.memref_slice %arg10[%dma_wait3A_104, %dma_wait3A_105] : memref<10240x8xf32, #tpu.memory_space<vmem_shared>> -> memref<10240x8xf32, #tpu.memory_space<vmem_shared>>
        tpu.wait_indirect_dma semaphore(%arg12 : memref<!tpu.dma_semaphore, #tpu.memory_space<semaphore_mem>>) src(%arg7 : memref<125x8xf32, #tpu.memory_space<vmem>>) dst(%dma_wait3A_106 : memref<10240x8xf32, #tpu.memory_space<vmem_shared>>)
      } else {
      }
      %dma_start3A_64 = arith.constant 0 : i32
      %dma_start3A_65 = tpu.memref_slice %arg6[%add3A_58, %dma_start3A_64] : memref<80x125xi32, #tpu.memory_space<vmem>> -> memref<1x125xi32, #tpu.memory_space<vmem>>
      %dma_start3A_66 = tpu.memref_squeeze %dma_start3A_65 : memref<1x125xi32, #tpu.memory_space<vmem>> -> memref<125xi32, #tpu.memory_space<vmem>>
      %dma_start3A_67 = arith.constant 0 : i32
      %dma_start3A_68 = arith.constant 0 : i32
      %dma_start3A_69 = tpu.memref_slice %arg10[%dma_start3A_67, %dma_start3A_68] : memref<10240x8xf32, #tpu.memory_space<vmem_shared>> -> memref<10240x8xf32, #tpu.memory_space<vmem_shared>>
      tpu.enqueue_indirect_dma source(%arg7 : memref<125x8xf32, #tpu.memory_space<vmem>>) target(%dma_start3A_69 : memref<10240x8xf32, #tpu.memory_space<vmem_shared>>) offsets(%dma_start3A_66 : memref<125xi32, #tpu.memory_space<vmem>>) semaphore(%arg12 : memref<!tpu.dma_semaphore, #tpu.memory_space<semaphore_mem>>) {add = true}
      %mul3A_70 = arith.constant 4 : i32
      %mul3A_71 = arith.muli %mul3A_70, %scan3A_43 : i32
      %add3A_72 = arith.constant 2 : i32
      %add3A_73 = arith.addi %mul3A_71, %add3A_72 : i32
      %gt3A_74 = arith.constant 0 : i32
      %gt3A_75 = arith.cmpi sgt, %scan3A_43, %gt3A_74 : i32
      %convert_element_type3A_76 = arith.extui %gt3A_75 : i1 to i32
      %cond3A_77 = arith.constant 0 : i32
      %cond3A_78 = arith.cmpi ne, %convert_element_type3A_76, %cond3A_77 : i32
      scf.if %cond3A_78 {
        %sub3A = arith.constant 4 : i32
        %sub3A_100 = arith.subi %add3A_73, %sub3A : i32
        %dma_wait3A_101 = arith.constant 0 : i32
        %dma_wait3A_102 = tpu.memref_slice %arg6[%sub3A_100, %dma_wait3A_101] : memref<80x125xi32, #tpu.memory_space<vmem>> -> memref<1x125xi32, #tpu.memory_space<vmem>>
        %dma_wait3A_103 = tpu.memref_squeeze %dma_wait3A_102 : memref<1x125xi32, #tpu.memory_space<vmem>> -> memref<125xi32, #tpu.memory_space<vmem>>
        %dma_wait3A_104 = arith.constant 0 : i32
        %dma_wait3A_105 = arith.constant 0 : i32
        %dma_wait3A_106 = tpu.memref_slice %arg10[%dma_wait3A_104, %dma_wait3A_105] : memref<10240x8xf32, #tpu.memory_space<vmem_shared>> -> memref<10240x8xf32, #tpu.memory_space<vmem_shared>>
        tpu.wait_indirect_dma semaphore(%arg13 : memref<!tpu.dma_semaphore, #tpu.memory_space<semaphore_mem>>) src(%arg7 : memref<125x8xf32, #tpu.memory_space<vmem>>) dst(%dma_wait3A_106 : memref<10240x8xf32, #tpu.memory_space<vmem_shared>>)
      } else {
      }
      %dma_start3A_79 = arith.constant 0 : i32
      %dma_start3A_80 = tpu.memref_slice %arg6[%add3A_73, %dma_start3A_79] : memref<80x125xi32, #tpu.memory_space<vmem>> -> memref<1x125xi32, #tpu.memory_space<vmem>>
      %dma_start3A_81 = tpu.memref_squeeze %dma_start3A_80 : memref<1x125xi32, #tpu.memory_space<vmem>> -> memref<125xi32, #tpu.memory_space<vmem>>
      %dma_start3A_82 = arith.constant 0 : i32
      %dma_start3A_83 = arith.constant 0 : i32
      %dma_start3A_84 = tpu.memref_slice %arg10[%dma_start3A_82, %dma_start3A_83] : memref<10240x8xf32, #tpu.memory_space<vmem_shared>> -> memref<10240x8xf32, #tpu.memory_space<vmem_shared>>
      tpu.enqueue_indirect_dma source(%arg7 : memref<125x8xf32, #tpu.memory_space<vmem>>) target(%dma_start3A_84 : memref<10240x8xf32, #tpu.memory_space<vmem_shared>>) offsets(%dma_start3A_81 : memref<125xi32, #tpu.memory_space<vmem>>) semaphore(%arg13 : memref<!tpu.dma_semaphore, #tpu.memory_space<semaphore_mem>>) {add = true}
      %mul3A_85 = arith.constant 4 : i32
      %mul3A_86 = arith.muli %mul3A_85, %scan3A_43 : i32
      %add3A_87 = arith.constant 3 : i32
      %add3A_88 = arith.addi %mul3A_86, %add3A_87 : i32
      %gt3A_89 = arith.constant 0 : i32
      %gt3A_90 = arith.cmpi sgt, %scan3A_43, %gt3A_89 : i32
      %convert_element_type3A_91 = arith.extui %gt3A_90 : i1 to i32
      %cond3A_92 = arith.constant 0 : i32
      %cond3A_93 = arith.cmpi ne, %convert_element_type3A_91, %cond3A_92 : i32
      scf.if %cond3A_93 {
        %sub3A = arith.constant 4 : i32
        %sub3A_100 = arith.subi %add3A_88, %sub3A : i32
        %dma_wait3A_101 = arith.constant 0 : i32
        %dma_wait3A_102 = tpu.memref_slice %arg6[%sub3A_100, %dma_wait3A_101] : memref<80x125xi32, #tpu.memory_space<vmem>> -> memref<1x125xi32, #tpu.memory_space<vmem>>
        %dma_wait3A_103 = tpu.memref_squeeze %dma_wait3A_102 : memref<1x125xi32, #tpu.memory_space<vmem>> -> memref<125xi32, #tpu.memory_space<vmem>>
        %dma_wait3A_104 = arith.constant 0 : i32
        %dma_wait3A_105 = arith.constant 0 : i32
        %dma_wait3A_106 = tpu.memref_slice %arg10[%dma_wait3A_104, %dma_wait3A_105] : memref<10240x8xf32, #tpu.memory_space<vmem_shared>> -> memref<10240x8xf32, #tpu.memory_space<vmem_shared>>
        tpu.wait_indirect_dma semaphore(%arg14 : memref<!tpu.dma_semaphore, #tpu.memory_space<semaphore_mem>>) src(%arg7 : memref<125x8xf32, #tpu.memory_space<vmem>>) dst(%dma_wait3A_106 : memref<10240x8xf32, #tpu.memory_space<vmem_shared>>)
      } else {
      }
      %dma_start3A_94 = arith.constant 0 : i32
      %dma_start3A_95 = tpu.memref_slice %arg6[%add3A_88, %dma_start3A_94] : memref<80x125xi32, #tpu.memory_space<vmem>> -> memref<1x125xi32, #tpu.memory_space<vmem>>
      %dma_start3A_96 = tpu.memref_squeeze %dma_start3A_95 : memref<1x125xi32, #tpu.memory_space<vmem>> -> memref<125xi32, #tpu.memory_space<vmem>>
      %dma_start3A_97 = arith.constant 0 : i32
      %dma_start3A_98 = arith.constant 0 : i32
      %dma_start3A_99 = tpu.memref_slice %arg10[%dma_start3A_97, %dma_start3A_98] : memref<10240x8xf32, #tpu.memory_space<vmem_shared>> -> memref<10240x8xf32, #tpu.memory_space<vmem_shared>>
      tpu.enqueue_indirect_dma source(%arg7 : memref<125x8xf32, #tpu.memory_space<vmem>>) target(%dma_start3A_99 : memref<10240x8xf32, #tpu.memory_space<vmem_shared>>) offsets(%dma_start3A_96 : memref<125xi32, #tpu.memory_space<vmem>>) semaphore(%arg14 : memref<!tpu.dma_semaphore, #tpu.memory_space<semaphore_mem>>) {add = true}
    }
    %scan3A_7 = arith.constant 20 : i32
    %dma_wait3A = arith.constant 76 : i32
    %dma_wait3A_8 = arith.constant 0 : i32
    %dma_wait3A_9 = tpu.memref_slice %arg6[%dma_wait3A, %dma_wait3A_8] : memref<80x125xi32, #tpu.memory_space<vmem>> -> memref<1x125xi32, #tpu.memory_space<vmem>>
    %dma_wait3A_10 = tpu.memref_squeeze %dma_wait3A_9 : memref<1x125xi32, #tpu.memory_space<vmem>> -> memref<125xi32, #tpu.memory_space<vmem>>
    %dma_wait3A_11 = arith.constant 0 : i32
    %dma_wait3A_12 = arith.constant 0 : i32
    %dma_wait3A_13 = tpu.memref_slice %arg10[%dma_wait3A_11, %dma_wait3A_12] : memref<10240x8xf32, #tpu.memory_space<vmem_shared>> -> memref<10240x8xf32, #tpu.memory_space<vmem_shared>>
    tpu.wait_indirect_dma semaphore(%arg11 : memref<!tpu.dma_semaphore, #tpu.memory_space<semaphore_mem>>) src(%arg7 : memref<125x8xf32, #tpu.memory_space<vmem>>) dst(%dma_wait3A_13 : memref<10240x8xf32, #tpu.memory_space<vmem_shared>>)
    %dma_wait3A_14 = arith.constant 77 : i32
    %dma_wait3A_15 = arith.constant 0 : i32
    %dma_wait3A_16 = tpu.memref_slice %arg6[%dma_wait3A_14, %dma_wait3A_15] : memref<80x125xi32, #tpu.memory_space<vmem>> -> memref<1x125xi32, #tpu.memory_space<vmem>>
    %dma_wait3A_17 = tpu.memref_squeeze %dma_wait3A_16 : memref<1x125xi32, #tpu.memory_space<vmem>> -> memref<125xi32, #tpu.memory_space<vmem>>
    %dma_wait3A_18 = arith.constant 0 : i32
    %dma_wait3A_19 = arith.constant 0 : i32
    %dma_wait3A_20 = tpu.memref_slice %arg10[%dma_wait3A_18, %dma_wait3A_19] : memref<10240x8xf32, #tpu.memory_space<vmem_shared>> -> memref<10240x8xf32, #tpu.memory_space<vmem_shared>>
    tpu.wait_indirect_dma semaphore(%arg12 : memref<!tpu.dma_semaphore, #tpu.memory_space<semaphore_mem>>) src(%arg7 : memref<125x8xf32, #tpu.memory_space<vmem>>) dst(%dma_wait3A_20 : memref<10240x8xf32, #tpu.memory_space<vmem_shared>>)
    %dma_wait3A_21 = arith.constant 78 : i32
    %dma_wait3A_22 = arith.constant 0 : i32
    %dma_wait3A_23 = tpu.memref_slice %arg6[%dma_wait3A_21, %dma_wait3A_22] : memref<80x125xi32, #tpu.memory_space<vmem>> -> memref<1x125xi32, #tpu.memory_space<vmem>>
    %dma_wait3A_24 = tpu.memref_squeeze %dma_wait3A_23 : memref<1x125xi32, #tpu.memory_space<vmem>> -> memref<125xi32, #tpu.memory_space<vmem>>
    %dma_wait3A_25 = arith.constant 0 : i32
    %dma_wait3A_26 = arith.constant 0 : i32
    %dma_wait3A_27 = tpu.memref_slice %arg10[%dma_wait3A_25, %dma_wait3A_26] : memref<10240x8xf32, #tpu.memory_space<vmem_shared>> -> memref<10240x8xf32, #tpu.memory_space<vmem_shared>>
    tpu.wait_indirect_dma semaphore(%arg13 : memref<!tpu.dma_semaphore, #tpu.memory_space<semaphore_mem>>) src(%arg7 : memref<125x8xf32, #tpu.memory_space<vmem>>) dst(%dma_wait3A_27 : memref<10240x8xf32, #tpu.memory_space<vmem_shared>>)
    %dma_wait3A_28 = arith.constant 79 : i32
    %dma_wait3A_29 = arith.constant 0 : i32
    %dma_wait3A_30 = tpu.memref_slice %arg6[%dma_wait3A_28, %dma_wait3A_29] : memref<80x125xi32, #tpu.memory_space<vmem>> -> memref<1x125xi32, #tpu.memory_space<vmem>>
    %dma_wait3A_31 = tpu.memref_squeeze %dma_wait3A_30 : memref<1x125xi32, #tpu.memory_space<vmem>> -> memref<125xi32, #tpu.memory_space<vmem>>
    %dma_wait3A_32 = arith.constant 0 : i32
    %dma_wait3A_33 = arith.constant 0 : i32
    %dma_wait3A_34 = tpu.memref_slice %arg10[%dma_wait3A_32, %dma_wait3A_33] : memref<10240x8xf32, #tpu.memory_space<vmem_shared>> -> memref<10240x8xf32, #tpu.memory_space<vmem_shared>>
    tpu.wait_indirect_dma semaphore(%arg14 : memref<!tpu.dma_semaphore, #tpu.memory_space<semaphore_mem>>) src(%arg7 : memref<125x8xf32, #tpu.memory_space<vmem>>) dst(%dma_wait3A_34 : memref<10240x8xf32, #tpu.memory_space<vmem_shared>>)
    %barrier3A_35 = arith.constant 0 : index
    tpu.barrier barrier_id(%barrier3A_35)
    "tpu.region"() ({
      %run_scoped3A_43 = tpu.sem_alloc : memref<!tpu.dma_semaphore, #tpu.memory_space<semaphore_mem>>
      %dma_start3A = arith.constant 0 : i32
      %dma_start3A_44 = tpu.memref_slice %arg10[%mul3A_2, %dma_start3A] : memref<10240x8xf32, #tpu.memory_space<vmem_shared>> -> memref<640x8xf32, #tpu.memory_space<vmem_shared>>
      %dma_start3A_45 = arith.constant 0 : i32
      %dma_start3A_46 = tpu.memref_slice %arg10[%mul3A_2, %dma_start3A_45] : memref<10240x8xf32, #tpu.memory_space<vmem_shared>> -> memref<640x8xf32, #tpu.memory_space<vmem_shared>>
      tpu.enqueue_dma source(%dma_start3A_46 : memref<640x8xf32, #tpu.memory_space<vmem_shared>>) target(%arg8 : memref<640x8xf32, #tpu.memory_space<vmem>>) target_semaphore(%run_scoped3A_43 : memref<!tpu.dma_semaphore, #tpu.memory_space<semaphore_mem>>)
      %dma_wait3A_47 = arith.constant 0 : i32
      %dma_wait3A_48 = tpu.memref_slice %arg10[%mul3A_2, %dma_wait3A_47] : memref<10240x8xf32, #tpu.memory_space<vmem_shared>> -> memref<640x8xf32, #tpu.memory_space<vmem_shared>>
      %dma_wait3A_49 = arith.constant 0 : i32
      %dma_wait3A_50 = tpu.memref_slice %arg10[%mul3A_2, %dma_wait3A_49] : memref<10240x8xf32, #tpu.memory_space<vmem_shared>> -> memref<640x8xf32, #tpu.memory_space<vmem_shared>>
      tpu.wait_dma2 semaphore(%run_scoped3A_43 : memref<!tpu.dma_semaphore, #tpu.memory_space<semaphore_mem>>) src(%dma_wait3A_50 : memref<640x8xf32, #tpu.memory_space<vmem_shared>>) dst(%arg8 : memref<640x8xf32, #tpu.memory_space<vmem>>)
      tpu.yield
    }) : () -> ()
    %broadcast_in_dim3A = arith.constant 0 : i32
    %broadcast_in_dim3A_36 = vector.broadcast %broadcast_in_dim3A : i32 to vector<16xi32>
    %scan3A_37 = arith.constant 0 : i32
    %scan3A_38 = arith.constant 0 : i32
    %scan3A_39 = arith.constant 640 : i32
    %scan3A_40 = arith.addi %scan3A_38, %scan3A_39 : i32
    %scan3A_41 = arith.constant 1 : i32
    scf.for %scan3A_43 = %scan3A_38 to %scan3A_40 step %scan3A_41  : i32 {
      %broadcast_in_dim3A_44 = vector.broadcast %scan3A_43 : i32 to vector<16xi32>
      %gather3A = tpu.vector_load_idx %arg8[%broadcast_in_dim3A_44, %broadcast_in_dim3A_36] : memref<640x8xf32, #tpu.memory_space<vmem>>[vector<16xi32>, vector<16xi32>], vector<16xf32>,
      %swap3A = arith.index_cast %scan3A_43 : i32 to index
      %swap3A_45 = arith.constant 0 : index
      %swap3A_46 = tpu.vector_load %arg9[%swap3A, %swap3A_45] {strides = array<i32>} : memref<640x32xf32, #tpu.memory_space<vmem>>, vector<16xf32>,
      tpu.vector_store %arg9[%swap3A, %swap3A_45], %gather3A {strides = array<i32>} : memref<640x32xf32, #tpu.memory_space<vmem>>, vector<16xf32>,
      %swap3A_47 = arith.index_cast %scan3A_43 : i32 to index
      %swap3A_48 = arith.constant 16 : index
      %swap3A_49 = tpu.vector_load %arg9[%swap3A_47, %swap3A_48] {strides = array<i32>} : memref<640x32xf32, #tpu.memory_space<vmem>>, vector<16xf32>,
      tpu.vector_store %arg9[%swap3A_47, %swap3A_48], %gather3A {strides = array<i32>} : memref<640x32xf32, #tpu.memory_space<vmem>>, vector<16xf32>,
    }
    %scan3A_42 = arith.constant 640 : i32
    "tpu.region"() ({
      %run_scoped3A_43 = tpu.sem_alloc : memref<!tpu.dma_semaphore, #tpu.memory_space<semaphore_mem>>
      %dma_start3A = arith.constant 0 : i32
      %dma_start3A_44 = tpu.memref_slice %arg5[%arg0, %mul3A_2, %dma_start3A] : memref<2x10240x32xf32, #tpu.memory_space<hbm>> -> memref<1x640x32xf32, #tpu.memory_space<hbm>>
      %dma_start3A_45 = tpu.memref_squeeze %dma_start3A_44 : memref<1x640x32xf32, #tpu.memory_space<hbm>> -> memref<640x32xf32, #tpu.memory_space<hbm>>
      %dma_start3A_46 = arith.constant 0 : i32
      %dma_start3A_47 = tpu.memref_slice %arg5[%arg0, %mul3A_2, %dma_start3A_46] : memref<2x10240x32xf32, #tpu.memory_space<hbm>> -> memref<1x640x32xf32, #tpu.memory_space<hbm>>
      %dma_start3A_48 = tpu.memref_squeeze %dma_start3A_47 : memref<1x640x32xf32, #tpu.memory_space<hbm>> -> memref<640x32xf32, #tpu.memory_space<hbm>>
      tpu.enqueue_dma source(%arg9 : memref<640x32xf32, #tpu.memory_space<vmem>>) target(%dma_start3A_48 : memref<640x32xf32, #tpu.memory_space<hbm>>) target_semaphore(%run_scoped3A_43 : memref<!tpu.dma_semaphore, #tpu.memory_space<semaphore_mem>>)
      %dma_wait3A_49 = arith.constant 0 : i32
      %dma_wait3A_50 = tpu.memref_slice %arg5[%arg0, %mul3A_2, %dma_wait3A_49] : memref<2x10240x32xf32, #tpu.memory_space<hbm>> -> memref<1x640x32xf32, #tpu.memory_space<hbm>>
      %dma_wait3A_51 = tpu.memref_squeeze %dma_wait3A_50 : memref<1x640x32xf32, #tpu.memory_space<hbm>> -> memref<640x32xf32, #tpu.memory_space<hbm>>
      %dma_wait3A_52 = arith.constant 0 : i32
      %dma_wait3A_53 = tpu.memref_slice %arg5[%arg0, %mul3A_2, %dma_wait3A_52] : memref<2x10240x32xf32, #tpu.memory_space<hbm>> -> memref<1x640x32xf32, #tpu.memory_space<hbm>>
      %dma_wait3A_54 = tpu.memref_squeeze %dma_wait3A_53 : memref<1x640x32xf32, #tpu.memory_space<hbm>> -> memref<640x32xf32, #tpu.memory_space<hbm>>
      tpu.wait_dma2 semaphore(%run_scoped3A_43 : memref<!tpu.dma_semaphore, #tpu.memory_space<semaphore_mem>>) src(%arg9 : memref<640x32xf32, #tpu.memory_space<vmem>>) dst(%dma_wait3A_54 : memref<640x32xf32, #tpu.memory_space<hbm>>)
      tpu.yield
    }) : () -> ()
    return
  }
}

#map = affine_map<(d0, d1) -> (0, 0, 0, 0)>
#map1 = affine_map<(d0, d1) -> (0, 0)>
#map2 = affine_map<(d0, d1) -> (0, 0, 0)>
module attributes {stable_mosaic.version = 14 : i64} {
  func.func @edge_kernel(%arg0: i32, %arg1: i32, %arg2: memref<2x32x80x125xi32, #tpu.memory_space<hbm>>, %arg3: memref<10240x32xf32, #tpu.memory_space<hbm>>, %arg4: memref<10240x32xf32, #tpu.memory_space<hbm>>, %arg5: memref<2x10240x32xf32, #tpu.memory_space<hbm>>, %arg6: memref<80x125xi32, #tpu.memory_space<vmem>>, %arg7: memref<80x125xi32, #tpu.memory_space<vmem>>, %arg8: memref<125x32xf32, #tpu.memory_space<vmem>>, %arg9: memref<125x32xf32, #tpu.memory_space<vmem>>, %arg10: memref<125x32xf32, #tpu.memory_space<vmem>>, %arg11: memref<125x32xf32, #tpu.memory_space<vmem>>, %arg12: memref<125x32xf32, #tpu.memory_space<vmem>>, %arg13: memref<125x32xf32, #tpu.memory_space<vmem>>, %arg14: memref<125x32xf32, #tpu.memory_space<vmem>>, %arg15: memref<125x32xf32, #tpu.memory_space<vmem>>, %arg16: memref<10240x32xf32, #tpu.memory_space<vmem_shared>>, %arg17: memref<!tpu.dma_semaphore, #tpu.memory_space<semaphore_mem>>, %arg18: memref<!tpu.dma_semaphore, #tpu.memory_space<semaphore_mem>>, %arg19: memref<!tpu.dma_semaphore, #tpu.memory_space<semaphore_mem>>, %arg20: memref<!tpu.dma_semaphore, #tpu.memory_space<semaphore_mem>>, %arg21: memref<!tpu.dma_semaphore, #tpu.memory_space<semaphore_mem>>, %arg22: memref<!tpu.dma_semaphore, #tpu.memory_space<semaphore_mem>>, %arg23: memref<!tpu.dma_semaphore, #tpu.memory_space<semaphore_mem>>, %arg24: memref<!tpu.dma_semaphore, #tpu.memory_space<semaphore_mem>>, %arg25: memref<!tpu.dma_semaphore, #tpu.memory_space<semaphore_mem>>, %arg26: memref<!tpu.dma_semaphore, #tpu.memory_space<semaphore_mem>>, %arg27: memref<!tpu.dma_semaphore, #tpu.memory_space<semaphore_mem>>, %arg28: memref<!tpu.dma_semaphore, #tpu.memory_space<semaphore_mem>>, %arg29: memref<!tpu.dma_semaphore, #tpu.memory_space<semaphore_mem>>, %arg30: memref<!tpu.dma_semaphore, #tpu.memory_space<semaphore_mem>>, %arg31: memref<!tpu.dma_semaphore, #tpu.memory_space<semaphore_mem>>, %arg32: memref<!tpu.dma_semaphore, #tpu.memory_space<semaphore_mem>>, %arg33: memref<!tpu.dma_semaphore, #tpu.memory_space<semaphore_mem>>) attributes {dimension_semantics = [#tpu.dimension_semantics<core_parallel>, #tpu.dimension_semantics<subcore_parallel>], iteration_bounds = array<i64: 2, 16>, scalar_prefetch = 0 : i64, scratch_operands = 28 : i64, tpu.core_type = #tpu.core_type<sc_vector_subcore>, window_params = [{transform_indices = #map}, {transform_indices = #map1}, {transform_indices = #map1}, {transform_indices = #map2}]} {
    %mul3A = arith.constant 2 : i32
    %mul3A_0 = arith.muli %arg1, %mul3A : i32
    %add3A = arith.addi %mul3A_0, %arg0 : i32
    %mul3A_1 = arith.constant 640 : i32
    %mul3A_2 = arith.muli %arg1, %mul3A_1 : i32
    %dma_start3A = arith.constant 0 : i32
    %dma_start3A_3 = tpu.memref_slice %arg16[%mul3A_2, %dma_start3A] : memref<10240x32xf32, #tpu.memory_space<vmem_shared>> -> memref<640x32xf32, #tpu.memory_space<vmem_shared>>
    %dma_start3A_4 = arith.constant 0 : i32
    %dma_start3A_5 = tpu.memref_slice %arg4[%mul3A_2, %dma_start3A_4] : memref<10240x32xf32, #tpu.memory_space<hbm>> -> memref<640x32xf32, #tpu.memory_space<hbm>>
    tpu.enqueue_dma source(%dma_start3A_5 : memref<640x32xf32, #tpu.memory_space<hbm>>) target(%dma_start3A_3 : memref<640x32xf32, #tpu.memory_space<vmem_shared>>) target_semaphore(%arg33 : memref<!tpu.dma_semaphore, #tpu.memory_space<semaphore_mem>>)
    %run_scoped3A = arith.constant 0 : i32
    "tpu.region"() ({
      %run_scoped3A_72 = tpu.sem_alloc : memref<!tpu.dma_semaphore, #tpu.memory_space<semaphore_mem>>
      %dma_start3A_73 = arith.constant 0 : i32
      %dma_start3A_74 = arith.constant 0 : i32
      %dma_start3A_75 = tpu.memref_slice %arg2[%run_scoped3A, %add3A, %dma_start3A_73, %dma_start3A_74] : memref<2x32x80x125xi32, #tpu.memory_space<hbm>> -> memref<1x1x80x125xi32, #tpu.memory_space<hbm>>
      %dma_start3A_76 = tpu.memref_squeeze %dma_start3A_75 : memref<1x1x80x125xi32, #tpu.memory_space<hbm>> -> memref<80x125xi32, #tpu.memory_space<hbm>>
      %dma_start3A_77 = arith.constant 0 : i32
      %dma_start3A_78 = arith.constant 0 : i32
      %dma_start3A_79 = tpu.memref_slice %arg2[%run_scoped3A, %add3A, %dma_start3A_77, %dma_start3A_78] : memref<2x32x80x125xi32, #tpu.memory_space<hbm>> -> memref<1x1x80x125xi32, #tpu.memory_space<hbm>>
      %dma_start3A_80 = tpu.memref_squeeze %dma_start3A_79 : memref<1x1x80x125xi32, #tpu.memory_space<hbm>> -> memref<80x125xi32, #tpu.memory_space<hbm>>
      tpu.enqueue_dma source(%dma_start3A_80 : memref<80x125xi32, #tpu.memory_space<hbm>>) target(%arg6 : memref<80x125xi32, #tpu.memory_space<vmem>>) target_semaphore(%run_scoped3A_72 : memref<!tpu.dma_semaphore, #tpu.memory_space<semaphore_mem>>)
      %dma_wait3A_81 = arith.constant 0 : i32
      %dma_wait3A_82 = arith.constant 0 : i32
      %dma_wait3A_83 = tpu.memref_slice %arg2[%run_scoped3A, %add3A, %dma_wait3A_81, %dma_wait3A_82] : memref<2x32x80x125xi32, #tpu.memory_space<hbm>> -> memref<1x1x80x125xi32, #tpu.memory_space<hbm>>
      %dma_wait3A_84 = tpu.memref_squeeze %dma_wait3A_83 : memref<1x1x80x125xi32, #tpu.memory_space<hbm>> -> memref<80x125xi32, #tpu.memory_space<hbm>>
      %dma_wait3A_85 = arith.constant 0 : i32
      %dma_wait3A_86 = arith.constant 0 : i32
      %dma_wait3A_87 = tpu.memref_slice %arg2[%run_scoped3A, %add3A, %dma_wait3A_85, %dma_wait3A_86] : memref<2x32x80x125xi32, #tpu.memory_space<hbm>> -> memref<1x1x80x125xi32, #tpu.memory_space<hbm>>
      %dma_wait3A_88 = tpu.memref_squeeze %dma_wait3A_87 : memref<1x1x80x125xi32, #tpu.memory_space<hbm>> -> memref<80x125xi32, #tpu.memory_space<hbm>>
      tpu.wait_dma2 semaphore(%run_scoped3A_72 : memref<!tpu.dma_semaphore, #tpu.memory_space<semaphore_mem>>) src(%dma_wait3A_88 : memref<80x125xi32, #tpu.memory_space<hbm>>) dst(%arg6 : memref<80x125xi32, #tpu.memory_space<vmem>>)
      tpu.yield
    }) : () -> ()
    %run_scoped3A_6 = arith.constant 1 : i32
    "tpu.region"() ({
      %run_scoped3A_72 = tpu.sem_alloc : memref<!tpu.dma_semaphore, #tpu.memory_space<semaphore_mem>>
      %dma_start3A_73 = arith.constant 0 : i32
      %dma_start3A_74 = arith.constant 0 : i32
      %dma_start3A_75 = tpu.memref_slice %arg2[%run_scoped3A_6, %add3A, %dma_start3A_73, %dma_start3A_74] : memref<2x32x80x125xi32, #tpu.memory_space<hbm>> -> memref<1x1x80x125xi32, #tpu.memory_space<hbm>>
      %dma_start3A_76 = tpu.memref_squeeze %dma_start3A_75 : memref<1x1x80x125xi32, #tpu.memory_space<hbm>> -> memref<80x125xi32, #tpu.memory_space<hbm>>
      %dma_start3A_77 = arith.constant 0 : i32
      %dma_start3A_78 = arith.constant 0 : i32
      %dma_start3A_79 = tpu.memref_slice %arg2[%run_scoped3A_6, %add3A, %dma_start3A_77, %dma_start3A_78] : memref<2x32x80x125xi32, #tpu.memory_space<hbm>> -> memref<1x1x80x125xi32, #tpu.memory_space<hbm>>
      %dma_start3A_80 = tpu.memref_squeeze %dma_start3A_79 : memref<1x1x80x125xi32, #tpu.memory_space<hbm>> -> memref<80x125xi32, #tpu.memory_space<hbm>>
      tpu.enqueue_dma source(%dma_start3A_80 : memref<80x125xi32, #tpu.memory_space<hbm>>) target(%arg7 : memref<80x125xi32, #tpu.memory_space<vmem>>) target_semaphore(%run_scoped3A_72 : memref<!tpu.dma_semaphore, #tpu.memory_space<semaphore_mem>>)
      %dma_wait3A_81 = arith.constant 0 : i32
      %dma_wait3A_82 = arith.constant 0 : i32
      %dma_wait3A_83 = tpu.memref_slice %arg2[%run_scoped3A_6, %add3A, %dma_wait3A_81, %dma_wait3A_82] : memref<2x32x80x125xi32, #tpu.memory_space<hbm>> -> memref<1x1x80x125xi32, #tpu.memory_space<hbm>>
      %dma_wait3A_84 = tpu.memref_squeeze %dma_wait3A_83 : memref<1x1x80x125xi32, #tpu.memory_space<hbm>> -> memref<80x125xi32, #tpu.memory_space<hbm>>
      %dma_wait3A_85 = arith.constant 0 : i32
      %dma_wait3A_86 = arith.constant 0 : i32
      %dma_wait3A_87 = tpu.memref_slice %arg2[%run_scoped3A_6, %add3A, %dma_wait3A_85, %dma_wait3A_86] : memref<2x32x80x125xi32, #tpu.memory_space<hbm>> -> memref<1x1x80x125xi32, #tpu.memory_space<hbm>>
      %dma_wait3A_88 = tpu.memref_squeeze %dma_wait3A_87 : memref<1x1x80x125xi32, #tpu.memory_space<hbm>> -> memref<80x125xi32, #tpu.memory_space<hbm>>
      tpu.wait_dma2 semaphore(%run_scoped3A_72 : memref<!tpu.dma_semaphore, #tpu.memory_space<semaphore_mem>>) src(%dma_wait3A_88 : memref<80x125xi32, #tpu.memory_space<hbm>>) dst(%arg7 : memref<80x125xi32, #tpu.memory_space<vmem>>)
      tpu.yield
    }) : () -> ()
    %dma_start3A_7 = arith.constant 0 : i32
    %dma_start3A_8 = arith.constant 0 : i32
    %dma_start3A_9 = tpu.memref_slice %arg6[%dma_start3A_7, %dma_start3A_8] : memref<80x125xi32, #tpu.memory_space<vmem>> -> memref<1x125xi32, #tpu.memory_space<vmem>>
    %dma_start3A_10 = tpu.memref_squeeze %dma_start3A_9 : memref<1x125xi32, #tpu.memory_space<vmem>> -> memref<125xi32, #tpu.memory_space<vmem>>
    %dma_start3A_11 = arith.constant 0 : i32
    %dma_start3A_12 = arith.constant 0 : i32
    %dma_start3A_13 = tpu.memref_slice %arg3[%dma_start3A_11, %dma_start3A_12] : memref<10240x32xf32, #tpu.memory_space<hbm>> -> memref<10240x32xf32, #tpu.memory_space<hbm>>
    tpu.enqueue_indirect_dma source(%dma_start3A_13 : memref<10240x32xf32, #tpu.memory_space<hbm>>) target(%arg8 : memref<125x32xf32, #tpu.memory_space<vmem>>) offsets(%dma_start3A_10 : memref<125xi32, #tpu.memory_space<vmem>>) semaphore(%arg17 : memref<!tpu.dma_semaphore, #tpu.memory_space<semaphore_mem>>)
    %dma_start3A_14 = arith.constant 1 : i32
    %dma_start3A_15 = arith.constant 0 : i32
    %dma_start3A_16 = tpu.memref_slice %arg6[%dma_start3A_14, %dma_start3A_15] : memref<80x125xi32, #tpu.memory_space<vmem>> -> memref<1x125xi32, #tpu.memory_space<vmem>>
    %dma_start3A_17 = tpu.memref_squeeze %dma_start3A_16 : memref<1x125xi32, #tpu.memory_space<vmem>> -> memref<125xi32, #tpu.memory_space<vmem>>
    %dma_start3A_18 = arith.constant 0 : i32
    %dma_start3A_19 = arith.constant 0 : i32
    %dma_start3A_20 = tpu.memref_slice %arg3[%dma_start3A_18, %dma_start3A_19] : memref<10240x32xf32, #tpu.memory_space<hbm>> -> memref<10240x32xf32, #tpu.memory_space<hbm>>
    tpu.enqueue_indirect_dma source(%dma_start3A_20 : memref<10240x32xf32, #tpu.memory_space<hbm>>) target(%arg9 : memref<125x32xf32, #tpu.memory_space<vmem>>) offsets(%dma_start3A_17 : memref<125xi32, #tpu.memory_space<vmem>>) semaphore(%arg18 : memref<!tpu.dma_semaphore, #tpu.memory_space<semaphore_mem>>)
    %dma_start3A_21 = arith.constant 2 : i32
    %dma_start3A_22 = arith.constant 0 : i32
    %dma_start3A_23 = tpu.memref_slice %arg6[%dma_start3A_21, %dma_start3A_22] : memref<80x125xi32, #tpu.memory_space<vmem>> -> memref<1x125xi32, #tpu.memory_space<vmem>>
    %dma_start3A_24 = tpu.memref_squeeze %dma_start3A_23 : memref<1x125xi32, #tpu.memory_space<vmem>> -> memref<125xi32, #tpu.memory_space<vmem>>
    %dma_start3A_25 = arith.constant 0 : i32
    %dma_start3A_26 = arith.constant 0 : i32
    %dma_start3A_27 = tpu.memref_slice %arg3[%dma_start3A_25, %dma_start3A_26] : memref<10240x32xf32, #tpu.memory_space<hbm>> -> memref<10240x32xf32, #tpu.memory_space<hbm>>
    tpu.enqueue_indirect_dma source(%dma_start3A_27 : memref<10240x32xf32, #tpu.memory_space<hbm>>) target(%arg10 : memref<125x32xf32, #tpu.memory_space<vmem>>) offsets(%dma_start3A_24 : memref<125xi32, #tpu.memory_space<vmem>>) semaphore(%arg19 : memref<!tpu.dma_semaphore, #tpu.memory_space<semaphore_mem>>)
    %dma_start3A_28 = arith.constant 3 : i32
    %dma_start3A_29 = arith.constant 0 : i32
    %dma_start3A_30 = tpu.memref_slice %arg6[%dma_start3A_28, %dma_start3A_29] : memref<80x125xi32, #tpu.memory_space<vmem>> -> memref<1x125xi32, #tpu.memory_space<vmem>>
    %dma_start3A_31 = tpu.memref_squeeze %dma_start3A_30 : memref<1x125xi32, #tpu.memory_space<vmem>> -> memref<125xi32, #tpu.memory_space<vmem>>
    %dma_start3A_32 = arith.constant 0 : i32
    %dma_start3A_33 = arith.constant 0 : i32
    %dma_start3A_34 = tpu.memref_slice %arg3[%dma_start3A_32, %dma_start3A_33] : memref<10240x32xf32, #tpu.memory_space<hbm>> -> memref<10240x32xf32, #tpu.memory_space<hbm>>
    tpu.enqueue_indirect_dma source(%dma_start3A_34 : memref<10240x32xf32, #tpu.memory_space<hbm>>) target(%arg11 : memref<125x32xf32, #tpu.memory_space<vmem>>) offsets(%dma_start3A_31 : memref<125xi32, #tpu.memory_space<vmem>>) semaphore(%arg20 : memref<!tpu.dma_semaphore, #tpu.memory_space<semaphore_mem>>)
    %dma_start3A_35 = arith.constant 4 : i32
    %dma_start3A_36 = arith.constant 0 : i32
    %dma_start3A_37 = tpu.memref_slice %arg6[%dma_start3A_35, %dma_start3A_36] : memref<80x125xi32, #tpu.memory_space<vmem>> -> memref<1x125xi32, #tpu.memory_space<vmem>>
    %dma_start3A_38 = tpu.memref_squeeze %dma_start3A_37 : memref<1x125xi32, #tpu.memory_space<vmem>> -> memref<125xi32, #tpu.memory_space<vmem>>
    %dma_start3A_39 = arith.constant 0 : i32
    %dma_start3A_40 = arith.constant 0 : i32
    %dma_start3A_41 = tpu.memref_slice %arg3[%dma_start3A_39, %dma_start3A_40] : memref<10240x32xf32, #tpu.memory_space<hbm>> -> memref<10240x32xf32, #tpu.memory_space<hbm>>
    tpu.enqueue_indirect_dma source(%dma_start3A_41 : memref<10240x32xf32, #tpu.memory_space<hbm>>) target(%arg12 : memref<125x32xf32, #tpu.memory_space<vmem>>) offsets(%dma_start3A_38 : memref<125xi32, #tpu.memory_space<vmem>>) semaphore(%arg21 : memref<!tpu.dma_semaphore, #tpu.memory_space<semaphore_mem>>)
    %dma_start3A_42 = arith.constant 5 : i32
    %dma_start3A_43 = arith.constant 0 : i32
    %dma_start3A_44 = tpu.memref_slice %arg6[%dma_start3A_42, %dma_start3A_43] : memref<80x125xi32, #tpu.memory_space<vmem>> -> memref<1x125xi32, #tpu.memory_space<vmem>>
    %dma_start3A_45 = tpu.memref_squeeze %dma_start3A_44 : memref<1x125xi32, #tpu.memory_space<vmem>> -> memref<125xi32, #tpu.memory_space<vmem>>
    %dma_start3A_46 = arith.constant 0 : i32
    %dma_start3A_47 = arith.constant 0 : i32
    %dma_start3A_48 = tpu.memref_slice %arg3[%dma_start3A_46, %dma_start3A_47] : memref<10240x32xf32, #tpu.memory_space<hbm>> -> memref<10240x32xf32, #tpu.memory_space<hbm>>
    tpu.enqueue_indirect_dma source(%dma_start3A_48 : memref<10240x32xf32, #tpu.memory_space<hbm>>) target(%arg13 : memref<125x32xf32, #tpu.memory_space<vmem>>) offsets(%dma_start3A_45 : memref<125xi32, #tpu.memory_space<vmem>>) semaphore(%arg22 : memref<!tpu.dma_semaphore, #tpu.memory_space<semaphore_mem>>)
    %dma_start3A_49 = arith.constant 6 : i32
    %dma_start3A_50 = arith.constant 0 : i32
    %dma_start3A_51 = tpu.memref_slice %arg6[%dma_start3A_49, %dma_start3A_50] : memref<80x125xi32, #tpu.memory_space<vmem>> -> memref<1x125xi32, #tpu.memory_space<vmem>>
    %dma_start3A_52 = tpu.memref_squeeze %dma_start3A_51 : memref<1x125xi32, #tpu.memory_space<vmem>> -> memref<125xi32, #tpu.memory_space<vmem>>
    %dma_start3A_53 = arith.constant 0 : i32
    %dma_start3A_54 = arith.constant 0 : i32
    %dma_start3A_55 = tpu.memref_slice %arg3[%dma_start3A_53, %dma_start3A_54] : memref<10240x32xf32, #tpu.memory_space<hbm>> -> memref<10240x32xf32, #tpu.memory_space<hbm>>
    tpu.enqueue_indirect_dma source(%dma_start3A_55 : memref<10240x32xf32, #tpu.memory_space<hbm>>) target(%arg14 : memref<125x32xf32, #tpu.memory_space<vmem>>) offsets(%dma_start3A_52 : memref<125xi32, #tpu.memory_space<vmem>>) semaphore(%arg23 : memref<!tpu.dma_semaphore, #tpu.memory_space<semaphore_mem>>)
    %dma_start3A_56 = arith.constant 7 : i32
    %dma_start3A_57 = arith.constant 0 : i32
    %dma_start3A_58 = tpu.memref_slice %arg6[%dma_start3A_56, %dma_start3A_57] : memref<80x125xi32, #tpu.memory_space<vmem>> -> memref<1x125xi32, #tpu.memory_space<vmem>>
    %dma_start3A_59 = tpu.memref_squeeze %dma_start3A_58 : memref<1x125xi32, #tpu.memory_space<vmem>> -> memref<125xi32, #tpu.memory_space<vmem>>
    %dma_start3A_60 = arith.constant 0 : i32
    %dma_start3A_61 = arith.constant 0 : i32
    %dma_start3A_62 = tpu.memref_slice %arg3[%dma_start3A_60, %dma_start3A_61] : memref<10240x32xf32, #tpu.memory_space<hbm>> -> memref<10240x32xf32, #tpu.memory_space<hbm>>
    tpu.enqueue_indirect_dma source(%dma_start3A_62 : memref<10240x32xf32, #tpu.memory_space<hbm>>) target(%arg15 : memref<125x32xf32, #tpu.memory_space<vmem>>) offsets(%dma_start3A_59 : memref<125xi32, #tpu.memory_space<vmem>>) semaphore(%arg24 : memref<!tpu.dma_semaphore, #tpu.memory_space<semaphore_mem>>)
    %dma_wait3A = arith.constant 0 : i32
    %dma_wait3A_63 = tpu.memref_slice %arg16[%mul3A_2, %dma_wait3A] : memref<10240x32xf32, #tpu.memory_space<vmem_shared>> -> memref<640x32xf32, #tpu.memory_space<vmem_shared>>
    %dma_wait3A_64 = arith.constant 0 : i32
    %dma_wait3A_65 = tpu.memref_slice %arg4[%mul3A_2, %dma_wait3A_64] : memref<10240x32xf32, #tpu.memory_space<hbm>> -> memref<640x32xf32, #tpu.memory_space<hbm>>
    tpu.wait_dma2 semaphore(%arg33 : memref<!tpu.dma_semaphore, #tpu.memory_space<semaphore_mem>>) src(%dma_wait3A_65 : memref<640x32xf32, #tpu.memory_space<hbm>>) dst(%dma_wait3A_63 : memref<640x32xf32, #tpu.memory_space<vmem_shared>>)
    %barrier3A = arith.constant 0 : index
    tpu.barrier barrier_id(%barrier3A)
    %scan3A = arith.constant 0 : i32
    %scan3A_66 = arith.constant 0 : i32
    %scan3A_67 = arith.constant 10 : i32
    %scan3A_68 = arith.addi %scan3A_66, %scan3A_67 : i32
    %scan3A_69 = arith.constant 1 : i32
    scf.for %scan3A_72 = %scan3A_66 to %scan3A_68 step %scan3A_69  : i32 {
      %mul3A_73 = arith.constant 8 : i32
      %mul3A_74 = arith.muli %mul3A_73, %scan3A_72 : i32
      %add3A_75 = arith.constant 0 : i32
      %add3A_76 = arith.addi %mul3A_74, %add3A_75 : i32
      %dma_wait3A_77 = arith.constant 0 : i32
      %dma_wait3A_78 = tpu.memref_slice %arg6[%add3A_76, %dma_wait3A_77] : memref<80x125xi32, #tpu.memory_space<vmem>> -> memref<1x125xi32, #tpu.memory_space<vmem>>
      %dma_wait3A_79 = tpu.memref_squeeze %dma_wait3A_78 : memref<1x125xi32, #tpu.memory_space<vmem>> -> memref<125xi32, #tpu.memory_space<vmem>>
      %dma_wait3A_80 = arith.constant 0 : i32
      %dma_wait3A_81 = arith.constant 0 : i32
      %dma_wait3A_82 = tpu.memref_slice %arg3[%dma_wait3A_80, %dma_wait3A_81] : memref<10240x32xf32, #tpu.memory_space<hbm>> -> memref<10240x32xf32, #tpu.memory_space<hbm>>
      tpu.wait_indirect_dma semaphore(%arg17 : memref<!tpu.dma_semaphore, #tpu.memory_space<semaphore_mem>>) src(%dma_wait3A_82 : memref<10240x32xf32, #tpu.memory_space<hbm>>) dst(%arg8 : memref<125x32xf32, #tpu.memory_space<vmem>>)
      %dma_start3A_83 = arith.constant 0 : i32
      %dma_start3A_84 = tpu.memref_slice %arg7[%add3A_76, %dma_start3A_83] : memref<80x125xi32, #tpu.memory_space<vmem>> -> memref<1x125xi32, #tpu.memory_space<vmem>>
      %dma_start3A_85 = tpu.memref_squeeze %dma_start3A_84 : memref<1x125xi32, #tpu.memory_space<vmem>> -> memref<125xi32, #tpu.memory_space<vmem>>
      %dma_start3A_86 = arith.constant 0 : i32
      %dma_start3A_87 = arith.constant 0 : i32
      %dma_start3A_88 = tpu.memref_slice %arg16[%dma_start3A_86, %dma_start3A_87] : memref<10240x32xf32, #tpu.memory_space<vmem_shared>> -> memref<10240x32xf32, #tpu.memory_space<vmem_shared>>
      tpu.enqueue_indirect_dma source(%arg8 : memref<125x32xf32, #tpu.memory_space<vmem>>) target(%dma_start3A_88 : memref<10240x32xf32, #tpu.memory_space<vmem_shared>>) offsets(%dma_start3A_85 : memref<125xi32, #tpu.memory_space<vmem>>) semaphore(%arg25 : memref<!tpu.dma_semaphore, #tpu.memory_space<semaphore_mem>>) {add = true}
      %mul3A_89 = arith.constant 8 : i32
      %mul3A_90 = arith.muli %mul3A_89, %scan3A_72 : i32
      %add3A_91 = arith.constant 1 : i32
      %add3A_92 = arith.addi %mul3A_90, %add3A_91 : i32
      %dma_wait3A_93 = arith.constant 0 : i32
      %dma_wait3A_94 = tpu.memref_slice %arg6[%add3A_92, %dma_wait3A_93] : memref<80x125xi32, #tpu.memory_space<vmem>> -> memref<1x125xi32, #tpu.memory_space<vmem>>
      %dma_wait3A_95 = tpu.memref_squeeze %dma_wait3A_94 : memref<1x125xi32, #tpu.memory_space<vmem>> -> memref<125xi32, #tpu.memory_space<vmem>>
      %dma_wait3A_96 = arith.constant 0 : i32
      %dma_wait3A_97 = arith.constant 0 : i32
      %dma_wait3A_98 = tpu.memref_slice %arg3[%dma_wait3A_96, %dma_wait3A_97] : memref<10240x32xf32, #tpu.memory_space<hbm>> -> memref<10240x32xf32, #tpu.memory_space<hbm>>
      tpu.wait_indirect_dma semaphore(%arg18 : memref<!tpu.dma_semaphore, #tpu.memory_space<semaphore_mem>>) src(%dma_wait3A_98 : memref<10240x32xf32, #tpu.memory_space<hbm>>) dst(%arg9 : memref<125x32xf32, #tpu.memory_space<vmem>>)
      %dma_start3A_99 = arith.constant 0 : i32
      %dma_start3A_100 = tpu.memref_slice %arg7[%add3A_92, %dma_start3A_99] : memref<80x125xi32, #tpu.memory_space<vmem>> -> memref<1x125xi32, #tpu.memory_space<vmem>>
      %dma_start3A_101 = tpu.memref_squeeze %dma_start3A_100 : memref<1x125xi32, #tpu.memory_space<vmem>> -> memref<125xi32, #tpu.memory_space<vmem>>
      %dma_start3A_102 = arith.constant 0 : i32
      %dma_start3A_103 = arith.constant 0 : i32
      %dma_start3A_104 = tpu.memref_slice %arg16[%dma_start3A_102, %dma_start3A_103] : memref<10240x32xf32, #tpu.memory_space<vmem_shared>> -> memref<10240x32xf32, #tpu.memory_space<vmem_shared>>
      tpu.enqueue_indirect_dma source(%arg9 : memref<125x32xf32, #tpu.memory_space<vmem>>) target(%dma_start3A_104 : memref<10240x32xf32, #tpu.memory_space<vmem_shared>>) offsets(%dma_start3A_101 : memref<125xi32, #tpu.memory_space<vmem>>) semaphore(%arg26 : memref<!tpu.dma_semaphore, #tpu.memory_space<semaphore_mem>>) {add = true}
      %mul3A_105 = arith.constant 8 : i32
      %mul3A_106 = arith.muli %mul3A_105, %scan3A_72 : i32
      %add3A_107 = arith.constant 2 : i32
      %add3A_108 = arith.addi %mul3A_106, %add3A_107 : i32
      %dma_wait3A_109 = arith.constant 0 : i32
      %dma_wait3A_110 = tpu.memref_slice %arg6[%add3A_108, %dma_wait3A_109] : memref<80x125xi32, #tpu.memory_space<vmem>> -> memref<1x125xi32, #tpu.memory_space<vmem>>
      %dma_wait3A_111 = tpu.memref_squeeze %dma_wait3A_110 : memref<1x125xi32, #tpu.memory_space<vmem>> -> memref<125xi32, #tpu.memory_space<vmem>>
      %dma_wait3A_112 = arith.constant 0 : i32
      %dma_wait3A_113 = arith.constant 0 : i32
      %dma_wait3A_114 = tpu.memref_slice %arg3[%dma_wait3A_112, %dma_wait3A_113] : memref<10240x32xf32, #tpu.memory_space<hbm>> -> memref<10240x32xf32, #tpu.memory_space<hbm>>
      tpu.wait_indirect_dma semaphore(%arg19 : memref<!tpu.dma_semaphore, #tpu.memory_space<semaphore_mem>>) src(%dma_wait3A_114 : memref<10240x32xf32, #tpu.memory_space<hbm>>) dst(%arg10 : memref<125x32xf32, #tpu.memory_space<vmem>>)
      %dma_start3A_115 = arith.constant 0 : i32
      %dma_start3A_116 = tpu.memref_slice %arg7[%add3A_108, %dma_start3A_115] : memref<80x125xi32, #tpu.memory_space<vmem>> -> memref<1x125xi32, #tpu.memory_space<vmem>>
      %dma_start3A_117 = tpu.memref_squeeze %dma_start3A_116 : memref<1x125xi32, #tpu.memory_space<vmem>> -> memref<125xi32, #tpu.memory_space<vmem>>
      %dma_start3A_118 = arith.constant 0 : i32
      %dma_start3A_119 = arith.constant 0 : i32
      %dma_start3A_120 = tpu.memref_slice %arg16[%dma_start3A_118, %dma_start3A_119] : memref<10240x32xf32, #tpu.memory_space<vmem_shared>> -> memref<10240x32xf32, #tpu.memory_space<vmem_shared>>
      tpu.enqueue_indirect_dma source(%arg10 : memref<125x32xf32, #tpu.memory_space<vmem>>) target(%dma_start3A_120 : memref<10240x32xf32, #tpu.memory_space<vmem_shared>>) offsets(%dma_start3A_117 : memref<125xi32, #tpu.memory_space<vmem>>) semaphore(%arg27 : memref<!tpu.dma_semaphore, #tpu.memory_space<semaphore_mem>>) {add = true}
      %mul3A_121 = arith.constant 8 : i32
      %mul3A_122 = arith.muli %mul3A_121, %scan3A_72 : i32
      %add3A_123 = arith.constant 3 : i32
      %add3A_124 = arith.addi %mul3A_122, %add3A_123 : i32
      %dma_wait3A_125 = arith.constant 0 : i32
      %dma_wait3A_126 = tpu.memref_slice %arg6[%add3A_124, %dma_wait3A_125] : memref<80x125xi32, #tpu.memory_space<vmem>> -> memref<1x125xi32, #tpu.memory_space<vmem>>
      %dma_wait3A_127 = tpu.memref_squeeze %dma_wait3A_126 : memref<1x125xi32, #tpu.memory_space<vmem>> -> memref<125xi32, #tpu.memory_space<vmem>>
      %dma_wait3A_128 = arith.constant 0 : i32
      %dma_wait3A_129 = arith.constant 0 : i32
      %dma_wait3A_130 = tpu.memref_slice %arg3[%dma_wait3A_128, %dma_wait3A_129] : memref<10240x32xf32, #tpu.memory_space<hbm>> -> memref<10240x32xf32, #tpu.memory_space<hbm>>
      tpu.wait_indirect_dma semaphore(%arg20 : memref<!tpu.dma_semaphore, #tpu.memory_space<semaphore_mem>>) src(%dma_wait3A_130 : memref<10240x32xf32, #tpu.memory_space<hbm>>) dst(%arg11 : memref<125x32xf32, #tpu.memory_space<vmem>>)
      %dma_start3A_131 = arith.constant 0 : i32
      %dma_start3A_132 = tpu.memref_slice %arg7[%add3A_124, %dma_start3A_131] : memref<80x125xi32, #tpu.memory_space<vmem>> -> memref<1x125xi32, #tpu.memory_space<vmem>>
      %dma_start3A_133 = tpu.memref_squeeze %dma_start3A_132 : memref<1x125xi32, #tpu.memory_space<vmem>> -> memref<125xi32, #tpu.memory_space<vmem>>
      %dma_start3A_134 = arith.constant 0 : i32
      %dma_start3A_135 = arith.constant 0 : i32
      %dma_start3A_136 = tpu.memref_slice %arg16[%dma_start3A_134, %dma_start3A_135] : memref<10240x32xf32, #tpu.memory_space<vmem_shared>> -> memref<10240x32xf32, #tpu.memory_space<vmem_shared>>
      tpu.enqueue_indirect_dma source(%arg11 : memref<125x32xf32, #tpu.memory_space<vmem>>) target(%dma_start3A_136 : memref<10240x32xf32, #tpu.memory_space<vmem_shared>>) offsets(%dma_start3A_133 : memref<125xi32, #tpu.memory_space<vmem>>) semaphore(%arg28 : memref<!tpu.dma_semaphore, #tpu.memory_space<semaphore_mem>>) {add = true}
      %mul3A_137 = arith.constant 8 : i32
      %mul3A_138 = arith.muli %mul3A_137, %scan3A_72 : i32
      %add3A_139 = arith.constant 4 : i32
      %add3A_140 = arith.addi %mul3A_138, %add3A_139 : i32
      %dma_wait3A_141 = arith.constant 0 : i32
      %dma_wait3A_142 = tpu.memref_slice %arg6[%add3A_140, %dma_wait3A_141] : memref<80x125xi32, #tpu.memory_space<vmem>> -> memref<1x125xi32, #tpu.memory_space<vmem>>
      %dma_wait3A_143 = tpu.memref_squeeze %dma_wait3A_142 : memref<1x125xi32, #tpu.memory_space<vmem>> -> memref<125xi32, #tpu.memory_space<vmem>>
      %dma_wait3A_144 = arith.constant 0 : i32
      %dma_wait3A_145 = arith.constant 0 : i32
      %dma_wait3A_146 = tpu.memref_slice %arg3[%dma_wait3A_144, %dma_wait3A_145] : memref<10240x32xf32, #tpu.memory_space<hbm>> -> memref<10240x32xf32, #tpu.memory_space<hbm>>
      tpu.wait_indirect_dma semaphore(%arg21 : memref<!tpu.dma_semaphore, #tpu.memory_space<semaphore_mem>>) src(%dma_wait3A_146 : memref<10240x32xf32, #tpu.memory_space<hbm>>) dst(%arg12 : memref<125x32xf32, #tpu.memory_space<vmem>>)
      %dma_start3A_147 = arith.constant 0 : i32
      %dma_start3A_148 = tpu.memref_slice %arg7[%add3A_140, %dma_start3A_147] : memref<80x125xi32, #tpu.memory_space<vmem>> -> memref<1x125xi32, #tpu.memory_space<vmem>>
      %dma_start3A_149 = tpu.memref_squeeze %dma_start3A_148 : memref<1x125xi32, #tpu.memory_space<vmem>> -> memref<125xi32, #tpu.memory_space<vmem>>
      %dma_start3A_150 = arith.constant 0 : i32
      %dma_start3A_151 = arith.constant 0 : i32
      %dma_start3A_152 = tpu.memref_slice %arg16[%dma_start3A_150, %dma_start3A_151] : memref<10240x32xf32, #tpu.memory_space<vmem_shared>> -> memref<10240x32xf32, #tpu.memory_space<vmem_shared>>
      tpu.enqueue_indirect_dma source(%arg12 : memref<125x32xf32, #tpu.memory_space<vmem>>) target(%dma_start3A_152 : memref<10240x32xf32, #tpu.memory_space<vmem_shared>>) offsets(%dma_start3A_149 : memref<125xi32, #tpu.memory_space<vmem>>) semaphore(%arg29 : memref<!tpu.dma_semaphore, #tpu.memory_space<semaphore_mem>>) {add = true}
      %mul3A_153 = arith.constant 8 : i32
      %mul3A_154 = arith.muli %mul3A_153, %scan3A_72 : i32
      %add3A_155 = arith.constant 5 : i32
      %add3A_156 = arith.addi %mul3A_154, %add3A_155 : i32
      %dma_wait3A_157 = arith.constant 0 : i32
      %dma_wait3A_158 = tpu.memref_slice %arg6[%add3A_156, %dma_wait3A_157] : memref<80x125xi32, #tpu.memory_space<vmem>> -> memref<1x125xi32, #tpu.memory_space<vmem>>
      %dma_wait3A_159 = tpu.memref_squeeze %dma_wait3A_158 : memref<1x125xi32, #tpu.memory_space<vmem>> -> memref<125xi32, #tpu.memory_space<vmem>>
      %dma_wait3A_160 = arith.constant 0 : i32
      %dma_wait3A_161 = arith.constant 0 : i32
      %dma_wait3A_162 = tpu.memref_slice %arg3[%dma_wait3A_160, %dma_wait3A_161] : memref<10240x32xf32, #tpu.memory_space<hbm>> -> memref<10240x32xf32, #tpu.memory_space<hbm>>
      tpu.wait_indirect_dma semaphore(%arg22 : memref<!tpu.dma_semaphore, #tpu.memory_space<semaphore_mem>>) src(%dma_wait3A_162 : memref<10240x32xf32, #tpu.memory_space<hbm>>) dst(%arg13 : memref<125x32xf32, #tpu.memory_space<vmem>>)
      %dma_start3A_163 = arith.constant 0 : i32
      %dma_start3A_164 = tpu.memref_slice %arg7[%add3A_156, %dma_start3A_163] : memref<80x125xi32, #tpu.memory_space<vmem>> -> memref<1x125xi32, #tpu.memory_space<vmem>>
      %dma_start3A_165 = tpu.memref_squeeze %dma_start3A_164 : memref<1x125xi32, #tpu.memory_space<vmem>> -> memref<125xi32, #tpu.memory_space<vmem>>
      %dma_start3A_166 = arith.constant 0 : i32
      %dma_start3A_167 = arith.constant 0 : i32
      %dma_start3A_168 = tpu.memref_slice %arg16[%dma_start3A_166, %dma_start3A_167] : memref<10240x32xf32, #tpu.memory_space<vmem_shared>> -> memref<10240x32xf32, #tpu.memory_space<vmem_shared>>
      tpu.enqueue_indirect_dma source(%arg13 : memref<125x32xf32, #tpu.memory_space<vmem>>) target(%dma_start3A_168 : memref<10240x32xf32, #tpu.memory_space<vmem_shared>>) offsets(%dma_start3A_165 : memref<125xi32, #tpu.memory_space<vmem>>) semaphore(%arg30 : memref<!tpu.dma_semaphore, #tpu.memory_space<semaphore_mem>>) {add = true}
      %mul3A_169 = arith.constant 8 : i32
      %mul3A_170 = arith.muli %mul3A_169, %scan3A_72 : i32
      %add3A_171 = arith.constant 6 : i32
      %add3A_172 = arith.addi %mul3A_170, %add3A_171 : i32
      %dma_wait3A_173 = arith.constant 0 : i32
      %dma_wait3A_174 = tpu.memref_slice %arg6[%add3A_172, %dma_wait3A_173] : memref<80x125xi32, #tpu.memory_space<vmem>> -> memref<1x125xi32, #tpu.memory_space<vmem>>
      %dma_wait3A_175 = tpu.memref_squeeze %dma_wait3A_174 : memref<1x125xi32, #tpu.memory_space<vmem>> -> memref<125xi32, #tpu.memory_space<vmem>>
      %dma_wait3A_176 = arith.constant 0 : i32
      %dma_wait3A_177 = arith.constant 0 : i32
      %dma_wait3A_178 = tpu.memref_slice %arg3[%dma_wait3A_176, %dma_wait3A_177] : memref<10240x32xf32, #tpu.memory_space<hbm>> -> memref<10240x32xf32, #tpu.memory_space<hbm>>
      tpu.wait_indirect_dma semaphore(%arg23 : memref<!tpu.dma_semaphore, #tpu.memory_space<semaphore_mem>>) src(%dma_wait3A_178 : memref<10240x32xf32, #tpu.memory_space<hbm>>) dst(%arg14 : memref<125x32xf32, #tpu.memory_space<vmem>>)
      %dma_start3A_179 = arith.constant 0 : i32
      %dma_start3A_180 = tpu.memref_slice %arg7[%add3A_172, %dma_start3A_179] : memref<80x125xi32, #tpu.memory_space<vmem>> -> memref<1x125xi32, #tpu.memory_space<vmem>>
      %dma_start3A_181 = tpu.memref_squeeze %dma_start3A_180 : memref<1x125xi32, #tpu.memory_space<vmem>> -> memref<125xi32, #tpu.memory_space<vmem>>
      %dma_start3A_182 = arith.constant 0 : i32
      %dma_start3A_183 = arith.constant 0 : i32
      %dma_start3A_184 = tpu.memref_slice %arg16[%dma_start3A_182, %dma_start3A_183] : memref<10240x32xf32, #tpu.memory_space<vmem_shared>> -> memref<10240x32xf32, #tpu.memory_space<vmem_shared>>
      tpu.enqueue_indirect_dma source(%arg14 : memref<125x32xf32, #tpu.memory_space<vmem>>) target(%dma_start3A_184 : memref<10240x32xf32, #tpu.memory_space<vmem_shared>>) offsets(%dma_start3A_181 : memref<125xi32, #tpu.memory_space<vmem>>) semaphore(%arg31 : memref<!tpu.dma_semaphore, #tpu.memory_space<semaphore_mem>>) {add = true}
      %mul3A_185 = arith.constant 8 : i32
      %mul3A_186 = arith.muli %mul3A_185, %scan3A_72 : i32
      %add3A_187 = arith.constant 7 : i32
      %add3A_188 = arith.addi %mul3A_186, %add3A_187 : i32
      %dma_wait3A_189 = arith.constant 0 : i32
      %dma_wait3A_190 = tpu.memref_slice %arg6[%add3A_188, %dma_wait3A_189] : memref<80x125xi32, #tpu.memory_space<vmem>> -> memref<1x125xi32, #tpu.memory_space<vmem>>
      %dma_wait3A_191 = tpu.memref_squeeze %dma_wait3A_190 : memref<1x125xi32, #tpu.memory_space<vmem>> -> memref<125xi32, #tpu.memory_space<vmem>>
      %dma_wait3A_192 = arith.constant 0 : i32
      %dma_wait3A_193 = arith.constant 0 : i32
      %dma_wait3A_194 = tpu.memref_slice %arg3[%dma_wait3A_192, %dma_wait3A_193] : memref<10240x32xf32, #tpu.memory_space<hbm>> -> memref<10240x32xf32, #tpu.memory_space<hbm>>
      tpu.wait_indirect_dma semaphore(%arg24 : memref<!tpu.dma_semaphore, #tpu.memory_space<semaphore_mem>>) src(%dma_wait3A_194 : memref<10240x32xf32, #tpu.memory_space<hbm>>) dst(%arg15 : memref<125x32xf32, #tpu.memory_space<vmem>>)
      %dma_start3A_195 = arith.constant 0 : i32
      %dma_start3A_196 = tpu.memref_slice %arg7[%add3A_188, %dma_start3A_195] : memref<80x125xi32, #tpu.memory_space<vmem>> -> memref<1x125xi32, #tpu.memory_space<vmem>>
      %dma_start3A_197 = tpu.memref_squeeze %dma_start3A_196 : memref<1x125xi32, #tpu.memory_space<vmem>> -> memref<125xi32, #tpu.memory_space<vmem>>
      %dma_start3A_198 = arith.constant 0 : i32
      %dma_start3A_199 = arith.constant 0 : i32
      %dma_start3A_200 = tpu.memref_slice %arg16[%dma_start3A_198, %dma_start3A_199] : memref<10240x32xf32, #tpu.memory_space<vmem_shared>> -> memref<10240x32xf32, #tpu.memory_space<vmem_shared>>
      tpu.enqueue_indirect_dma source(%arg15 : memref<125x32xf32, #tpu.memory_space<vmem>>) target(%dma_start3A_200 : memref<10240x32xf32, #tpu.memory_space<vmem_shared>>) offsets(%dma_start3A_197 : memref<125xi32, #tpu.memory_space<vmem>>) semaphore(%arg32 : memref<!tpu.dma_semaphore, #tpu.memory_space<semaphore_mem>>) {add = true}
      %mul3A_201 = arith.constant 8 : i32
      %mul3A_202 = arith.muli %mul3A_201, %scan3A_72 : i32
      %add3A_203 = arith.constant 0 : i32
      %add3A_204 = arith.addi %mul3A_202, %add3A_203 : i32
      %dma_wait3A_205 = arith.constant 0 : i32
      %dma_wait3A_206 = tpu.memref_slice %arg7[%add3A_204, %dma_wait3A_205] : memref<80x125xi32, #tpu.memory_space<vmem>> -> memref<1x125xi32, #tpu.memory_space<vmem>>
      %dma_wait3A_207 = tpu.memref_squeeze %dma_wait3A_206 : memref<1x125xi32, #tpu.memory_space<vmem>> -> memref<125xi32, #tpu.memory_space<vmem>>
      %dma_wait3A_208 = arith.constant 0 : i32
      %dma_wait3A_209 = arith.constant 0 : i32
      %dma_wait3A_210 = tpu.memref_slice %arg16[%dma_wait3A_208, %dma_wait3A_209] : memref<10240x32xf32, #tpu.memory_space<vmem_shared>> -> memref<10240x32xf32, #tpu.memory_space<vmem_shared>>
      tpu.wait_indirect_dma semaphore(%arg25 : memref<!tpu.dma_semaphore, #tpu.memory_space<semaphore_mem>>) src(%arg8 : memref<125x32xf32, #tpu.memory_space<vmem>>) dst(%dma_wait3A_210 : memref<10240x32xf32, #tpu.memory_space<vmem_shared>>)
      %add3A_211 = arith.constant 8 : i32
      %add3A_212 = arith.addi %add3A_204, %add3A_211 : i32
      %lt3A = arith.constant 80 : i32
      %lt3A_213 = arith.cmpi slt, %add3A_212, %lt3A : i32
      %convert_element_type3A = arith.extui %lt3A_213 : i1 to i32
      %cond3A = arith.constant 0 : i32
      %cond3A_214 = arith.cmpi ne, %convert_element_type3A, %cond3A : i32
      scf.if %cond3A_214 {
        %add3A_334 = arith.constant 8 : i32
        %add3A_335 = arith.addi %add3A_204, %add3A_334 : i32
        %dma_start3A_336 = arith.constant 0 : i32
        %dma_start3A_337 = tpu.memref_slice %arg6[%add3A_335, %dma_start3A_336] : memref<80x125xi32, #tpu.memory_space<vmem>> -> memref<1x125xi32, #tpu.memory_space<vmem>>
        %dma_start3A_338 = tpu.memref_squeeze %dma_start3A_337 : memref<1x125xi32, #tpu.memory_space<vmem>> -> memref<125xi32, #tpu.memory_space<vmem>>
        %dma_start3A_339 = arith.constant 0 : i32
        %dma_start3A_340 = arith.constant 0 : i32
        %dma_start3A_341 = tpu.memref_slice %arg3[%dma_start3A_339, %dma_start3A_340] : memref<10240x32xf32, #tpu.memory_space<hbm>> -> memref<10240x32xf32, #tpu.memory_space<hbm>>
        tpu.enqueue_indirect_dma source(%dma_start3A_341 : memref<10240x32xf32, #tpu.memory_space<hbm>>) target(%arg8 : memref<125x32xf32, #tpu.memory_space<vmem>>) offsets(%dma_start3A_338 : memref<125xi32, #tpu.memory_space<vmem>>) semaphore(%arg17 : memref<!tpu.dma_semaphore, #tpu.memory_space<semaphore_mem>>)
      } else {
      }
      %mul3A_215 = arith.constant 8 : i32
      %mul3A_216 = arith.muli %mul3A_215, %scan3A_72 : i32
      %add3A_217 = arith.constant 1 : i32
      %add3A_218 = arith.addi %mul3A_216, %add3A_217 : i32
      %dma_wait3A_219 = arith.constant 0 : i32
      %dma_wait3A_220 = tpu.memref_slice %arg7[%add3A_218, %dma_wait3A_219] : memref<80x125xi32, #tpu.memory_space<vmem>> -> memref<1x125xi32, #tpu.memory_space<vmem>>
      %dma_wait3A_221 = tpu.memref_squeeze %dma_wait3A_220 : memref<1x125xi32, #tpu.memory_space<vmem>> -> memref<125xi32, #tpu.memory_space<vmem>>
      %dma_wait3A_222 = arith.constant 0 : i32
      %dma_wait3A_223 = arith.constant 0 : i32
      %dma_wait3A_224 = tpu.memref_slice %arg16[%dma_wait3A_222, %dma_wait3A_223] : memref<10240x32xf32, #tpu.memory_space<vmem_shared>> -> memref<10240x32xf32, #tpu.memory_space<vmem_shared>>
      tpu.wait_indirect_dma semaphore(%arg26 : memref<!tpu.dma_semaphore, #tpu.memory_space<semaphore_mem>>) src(%arg9 : memref<125x32xf32, #tpu.memory_space<vmem>>) dst(%dma_wait3A_224 : memref<10240x32xf32, #tpu.memory_space<vmem_shared>>)
      %add3A_225 = arith.constant 8 : i32
      %add3A_226 = arith.addi %add3A_218, %add3A_225 : i32
      %lt3A_227 = arith.constant 80 : i32
      %lt3A_228 = arith.cmpi slt, %add3A_226, %lt3A_227 : i32
      %convert_element_type3A_229 = arith.extui %lt3A_228 : i1 to i32
      %cond3A_230 = arith.constant 0 : i32
      %cond3A_231 = arith.cmpi ne, %convert_element_type3A_229, %cond3A_230 : i32
      scf.if %cond3A_231 {
        %add3A_334 = arith.constant 8 : i32
        %add3A_335 = arith.addi %add3A_218, %add3A_334 : i32
        %dma_start3A_336 = arith.constant 0 : i32
        %dma_start3A_337 = tpu.memref_slice %arg6[%add3A_335, %dma_start3A_336] : memref<80x125xi32, #tpu.memory_space<vmem>> -> memref<1x125xi32, #tpu.memory_space<vmem>>
        %dma_start3A_338 = tpu.memref_squeeze %dma_start3A_337 : memref<1x125xi32, #tpu.memory_space<vmem>> -> memref<125xi32, #tpu.memory_space<vmem>>
        %dma_start3A_339 = arith.constant 0 : i32
        %dma_start3A_340 = arith.constant 0 : i32
        %dma_start3A_341 = tpu.memref_slice %arg3[%dma_start3A_339, %dma_start3A_340] : memref<10240x32xf32, #tpu.memory_space<hbm>> -> memref<10240x32xf32, #tpu.memory_space<hbm>>
        tpu.enqueue_indirect_dma source(%dma_start3A_341 : memref<10240x32xf32, #tpu.memory_space<hbm>>) target(%arg9 : memref<125x32xf32, #tpu.memory_space<vmem>>) offsets(%dma_start3A_338 : memref<125xi32, #tpu.memory_space<vmem>>) semaphore(%arg18 : memref<!tpu.dma_semaphore, #tpu.memory_space<semaphore_mem>>)
      } else {
      }
      %mul3A_232 = arith.constant 8 : i32
      %mul3A_233 = arith.muli %mul3A_232, %scan3A_72 : i32
      %add3A_234 = arith.constant 2 : i32
      %add3A_235 = arith.addi %mul3A_233, %add3A_234 : i32
      %dma_wait3A_236 = arith.constant 0 : i32
      %dma_wait3A_237 = tpu.memref_slice %arg7[%add3A_235, %dma_wait3A_236] : memref<80x125xi32, #tpu.memory_space<vmem>> -> memref<1x125xi32, #tpu.memory_space<vmem>>
      %dma_wait3A_238 = tpu.memref_squeeze %dma_wait3A_237 : memref<1x125xi32, #tpu.memory_space<vmem>> -> memref<125xi32, #tpu.memory_space<vmem>>
      %dma_wait3A_239 = arith.constant 0 : i32
      %dma_wait3A_240 = arith.constant 0 : i32
      %dma_wait3A_241 = tpu.memref_slice %arg16[%dma_wait3A_239, %dma_wait3A_240] : memref<10240x32xf32, #tpu.memory_space<vmem_shared>> -> memref<10240x32xf32, #tpu.memory_space<vmem_shared>>
      tpu.wait_indirect_dma semaphore(%arg27 : memref<!tpu.dma_semaphore, #tpu.memory_space<semaphore_mem>>) src(%arg10 : memref<125x32xf32, #tpu.memory_space<vmem>>) dst(%dma_wait3A_241 : memref<10240x32xf32, #tpu.memory_space<vmem_shared>>)
      %add3A_242 = arith.constant 8 : i32
      %add3A_243 = arith.addi %add3A_235, %add3A_242 : i32
      %lt3A_244 = arith.constant 80 : i32
      %lt3A_245 = arith.cmpi slt, %add3A_243, %lt3A_244 : i32
      %convert_element_type3A_246 = arith.extui %lt3A_245 : i1 to i32
      %cond3A_247 = arith.constant 0 : i32
      %cond3A_248 = arith.cmpi ne, %convert_element_type3A_246, %cond3A_247 : i32
      scf.if %cond3A_248 {
        %add3A_334 = arith.constant 8 : i32
        %add3A_335 = arith.addi %add3A_235, %add3A_334 : i32
        %dma_start3A_336 = arith.constant 0 : i32
        %dma_start3A_337 = tpu.memref_slice %arg6[%add3A_335, %dma_start3A_336] : memref<80x125xi32, #tpu.memory_space<vmem>> -> memref<1x125xi32, #tpu.memory_space<vmem>>
        %dma_start3A_338 = tpu.memref_squeeze %dma_start3A_337 : memref<1x125xi32, #tpu.memory_space<vmem>> -> memref<125xi32, #tpu.memory_space<vmem>>
        %dma_start3A_339 = arith.constant 0 : i32
        %dma_start3A_340 = arith.constant 0 : i32
        %dma_start3A_341 = tpu.memref_slice %arg3[%dma_start3A_339, %dma_start3A_340] : memref<10240x32xf32, #tpu.memory_space<hbm>> -> memref<10240x32xf32, #tpu.memory_space<hbm>>
        tpu.enqueue_indirect_dma source(%dma_start3A_341 : memref<10240x32xf32, #tpu.memory_space<hbm>>) target(%arg10 : memref<125x32xf32, #tpu.memory_space<vmem>>) offsets(%dma_start3A_338 : memref<125xi32, #tpu.memory_space<vmem>>) semaphore(%arg19 : memref<!tpu.dma_semaphore, #tpu.memory_space<semaphore_mem>>)
      } else {
      }
      %mul3A_249 = arith.constant 8 : i32
      %mul3A_250 = arith.muli %mul3A_249, %scan3A_72 : i32
      %add3A_251 = arith.constant 3 : i32
      %add3A_252 = arith.addi %mul3A_250, %add3A_251 : i32
      %dma_wait3A_253 = arith.constant 0 : i32
      %dma_wait3A_254 = tpu.memref_slice %arg7[%add3A_252, %dma_wait3A_253] : memref<80x125xi32, #tpu.memory_space<vmem>> -> memref<1x125xi32, #tpu.memory_space<vmem>>
      %dma_wait3A_255 = tpu.memref_squeeze %dma_wait3A_254 : memref<1x125xi32, #tpu.memory_space<vmem>> -> memref<125xi32, #tpu.memory_space<vmem>>
      %dma_wait3A_256 = arith.constant 0 : i32
      %dma_wait3A_257 = arith.constant 0 : i32
      %dma_wait3A_258 = tpu.memref_slice %arg16[%dma_wait3A_256, %dma_wait3A_257] : memref<10240x32xf32, #tpu.memory_space<vmem_shared>> -> memref<10240x32xf32, #tpu.memory_space<vmem_shared>>
      tpu.wait_indirect_dma semaphore(%arg28 : memref<!tpu.dma_semaphore, #tpu.memory_space<semaphore_mem>>) src(%arg11 : memref<125x32xf32, #tpu.memory_space<vmem>>) dst(%dma_wait3A_258 : memref<10240x32xf32, #tpu.memory_space<vmem_shared>>)
      %add3A_259 = arith.constant 8 : i32
      %add3A_260 = arith.addi %add3A_252, %add3A_259 : i32
      %lt3A_261 = arith.constant 80 : i32
      %lt3A_262 = arith.cmpi slt, %add3A_260, %lt3A_261 : i32
      %convert_element_type3A_263 = arith.extui %lt3A_262 : i1 to i32
      %cond3A_264 = arith.constant 0 : i32
      %cond3A_265 = arith.cmpi ne, %convert_element_type3A_263, %cond3A_264 : i32
      scf.if %cond3A_265 {
        %add3A_334 = arith.constant 8 : i32
        %add3A_335 = arith.addi %add3A_252, %add3A_334 : i32
        %dma_start3A_336 = arith.constant 0 : i32
        %dma_start3A_337 = tpu.memref_slice %arg6[%add3A_335, %dma_start3A_336] : memref<80x125xi32, #tpu.memory_space<vmem>> -> memref<1x125xi32, #tpu.memory_space<vmem>>
        %dma_start3A_338 = tpu.memref_squeeze %dma_start3A_337 : memref<1x125xi32, #tpu.memory_space<vmem>> -> memref<125xi32, #tpu.memory_space<vmem>>
        %dma_start3A_339 = arith.constant 0 : i32
        %dma_start3A_340 = arith.constant 0 : i32
        %dma_start3A_341 = tpu.memref_slice %arg3[%dma_start3A_339, %dma_start3A_340] : memref<10240x32xf32, #tpu.memory_space<hbm>> -> memref<10240x32xf32, #tpu.memory_space<hbm>>
        tpu.enqueue_indirect_dma source(%dma_start3A_341 : memref<10240x32xf32, #tpu.memory_space<hbm>>) target(%arg11 : memref<125x32xf32, #tpu.memory_space<vmem>>) offsets(%dma_start3A_338 : memref<125xi32, #tpu.memory_space<vmem>>) semaphore(%arg20 : memref<!tpu.dma_semaphore, #tpu.memory_space<semaphore_mem>>)
      } else {
      }
      %mul3A_266 = arith.constant 8 : i32
      %mul3A_267 = arith.muli %mul3A_266, %scan3A_72 : i32
      %add3A_268 = arith.constant 4 : i32
      %add3A_269 = arith.addi %mul3A_267, %add3A_268 : i32
      %dma_wait3A_270 = arith.constant 0 : i32
      %dma_wait3A_271 = tpu.memref_slice %arg7[%add3A_269, %dma_wait3A_270] : memref<80x125xi32, #tpu.memory_space<vmem>> -> memref<1x125xi32, #tpu.memory_space<vmem>>
      %dma_wait3A_272 = tpu.memref_squeeze %dma_wait3A_271 : memref<1x125xi32, #tpu.memory_space<vmem>> -> memref<125xi32, #tpu.memory_space<vmem>>
      %dma_wait3A_273 = arith.constant 0 : i32
      %dma_wait3A_274 = arith.constant 0 : i32
      %dma_wait3A_275 = tpu.memref_slice %arg16[%dma_wait3A_273, %dma_wait3A_274] : memref<10240x32xf32, #tpu.memory_space<vmem_shared>> -> memref<10240x32xf32, #tpu.memory_space<vmem_shared>>
      tpu.wait_indirect_dma semaphore(%arg29 : memref<!tpu.dma_semaphore, #tpu.memory_space<semaphore_mem>>) src(%arg12 : memref<125x32xf32, #tpu.memory_space<vmem>>) dst(%dma_wait3A_275 : memref<10240x32xf32, #tpu.memory_space<vmem_shared>>)
      %add3A_276 = arith.constant 8 : i32
      %add3A_277 = arith.addi %add3A_269, %add3A_276 : i32
      %lt3A_278 = arith.constant 80 : i32
      %lt3A_279 = arith.cmpi slt, %add3A_277, %lt3A_278 : i32
      %convert_element_type3A_280 = arith.extui %lt3A_279 : i1 to i32
      %cond3A_281 = arith.constant 0 : i32
      %cond3A_282 = arith.cmpi ne, %convert_element_type3A_280, %cond3A_281 : i32
      scf.if %cond3A_282 {
        %add3A_334 = arith.constant 8 : i32
        %add3A_335 = arith.addi %add3A_269, %add3A_334 : i32
        %dma_start3A_336 = arith.constant 0 : i32
        %dma_start3A_337 = tpu.memref_slice %arg6[%add3A_335, %dma_start3A_336] : memref<80x125xi32, #tpu.memory_space<vmem>> -> memref<1x125xi32, #tpu.memory_space<vmem>>
        %dma_start3A_338 = tpu.memref_squeeze %dma_start3A_337 : memref<1x125xi32, #tpu.memory_space<vmem>> -> memref<125xi32, #tpu.memory_space<vmem>>
        %dma_start3A_339 = arith.constant 0 : i32
        %dma_start3A_340 = arith.constant 0 : i32
        %dma_start3A_341 = tpu.memref_slice %arg3[%dma_start3A_339, %dma_start3A_340] : memref<10240x32xf32, #tpu.memory_space<hbm>> -> memref<10240x32xf32, #tpu.memory_space<hbm>>
        tpu.enqueue_indirect_dma source(%dma_start3A_341 : memref<10240x32xf32, #tpu.memory_space<hbm>>) target(%arg12 : memref<125x32xf32, #tpu.memory_space<vmem>>) offsets(%dma_start3A_338 : memref<125xi32, #tpu.memory_space<vmem>>) semaphore(%arg21 : memref<!tpu.dma_semaphore, #tpu.memory_space<semaphore_mem>>)
      } else {
      }
      %mul3A_283 = arith.constant 8 : i32
      %mul3A_284 = arith.muli %mul3A_283, %scan3A_72 : i32
      %add3A_285 = arith.constant 5 : i32
      %add3A_286 = arith.addi %mul3A_284, %add3A_285 : i32
      %dma_wait3A_287 = arith.constant 0 : i32
      %dma_wait3A_288 = tpu.memref_slice %arg7[%add3A_286, %dma_wait3A_287] : memref<80x125xi32, #tpu.memory_space<vmem>> -> memref<1x125xi32, #tpu.memory_space<vmem>>
      %dma_wait3A_289 = tpu.memref_squeeze %dma_wait3A_288 : memref<1x125xi32, #tpu.memory_space<vmem>> -> memref<125xi32, #tpu.memory_space<vmem>>
      %dma_wait3A_290 = arith.constant 0 : i32
      %dma_wait3A_291 = arith.constant 0 : i32
      %dma_wait3A_292 = tpu.memref_slice %arg16[%dma_wait3A_290, %dma_wait3A_291] : memref<10240x32xf32, #tpu.memory_space<vmem_shared>> -> memref<10240x32xf32, #tpu.memory_space<vmem_shared>>
      tpu.wait_indirect_dma semaphore(%arg30 : memref<!tpu.dma_semaphore, #tpu.memory_space<semaphore_mem>>) src(%arg13 : memref<125x32xf32, #tpu.memory_space<vmem>>) dst(%dma_wait3A_292 : memref<10240x32xf32, #tpu.memory_space<vmem_shared>>)
      %add3A_293 = arith.constant 8 : i32
      %add3A_294 = arith.addi %add3A_286, %add3A_293 : i32
      %lt3A_295 = arith.constant 80 : i32
      %lt3A_296 = arith.cmpi slt, %add3A_294, %lt3A_295 : i32
      %convert_element_type3A_297 = arith.extui %lt3A_296 : i1 to i32
      %cond3A_298 = arith.constant 0 : i32
      %cond3A_299 = arith.cmpi ne, %convert_element_type3A_297, %cond3A_298 : i32
      scf.if %cond3A_299 {
        %add3A_334 = arith.constant 8 : i32
        %add3A_335 = arith.addi %add3A_286, %add3A_334 : i32
        %dma_start3A_336 = arith.constant 0 : i32
        %dma_start3A_337 = tpu.memref_slice %arg6[%add3A_335, %dma_start3A_336] : memref<80x125xi32, #tpu.memory_space<vmem>> -> memref<1x125xi32, #tpu.memory_space<vmem>>
        %dma_start3A_338 = tpu.memref_squeeze %dma_start3A_337 : memref<1x125xi32, #tpu.memory_space<vmem>> -> memref<125xi32, #tpu.memory_space<vmem>>
        %dma_start3A_339 = arith.constant 0 : i32
        %dma_start3A_340 = arith.constant 0 : i32
        %dma_start3A_341 = tpu.memref_slice %arg3[%dma_start3A_339, %dma_start3A_340] : memref<10240x32xf32, #tpu.memory_space<hbm>> -> memref<10240x32xf32, #tpu.memory_space<hbm>>
        tpu.enqueue_indirect_dma source(%dma_start3A_341 : memref<10240x32xf32, #tpu.memory_space<hbm>>) target(%arg13 : memref<125x32xf32, #tpu.memory_space<vmem>>) offsets(%dma_start3A_338 : memref<125xi32, #tpu.memory_space<vmem>>) semaphore(%arg22 : memref<!tpu.dma_semaphore, #tpu.memory_space<semaphore_mem>>)
      } else {
      }
      %mul3A_300 = arith.constant 8 : i32
      %mul3A_301 = arith.muli %mul3A_300, %scan3A_72 : i32
      %add3A_302 = arith.constant 6 : i32
      %add3A_303 = arith.addi %mul3A_301, %add3A_302 : i32
      %dma_wait3A_304 = arith.constant 0 : i32
      %dma_wait3A_305 = tpu.memref_slice %arg7[%add3A_303, %dma_wait3A_304] : memref<80x125xi32, #tpu.memory_space<vmem>> -> memref<1x125xi32, #tpu.memory_space<vmem>>
      %dma_wait3A_306 = tpu.memref_squeeze %dma_wait3A_305 : memref<1x125xi32, #tpu.memory_space<vmem>> -> memref<125xi32, #tpu.memory_space<vmem>>
      %dma_wait3A_307 = arith.constant 0 : i32
      %dma_wait3A_308 = arith.constant 0 : i32
      %dma_wait3A_309 = tpu.memref_slice %arg16[%dma_wait3A_307, %dma_wait3A_308] : memref<10240x32xf32, #tpu.memory_space<vmem_shared>> -> memref<10240x32xf32, #tpu.memory_space<vmem_shared>>
      tpu.wait_indirect_dma semaphore(%arg31 : memref<!tpu.dma_semaphore, #tpu.memory_space<semaphore_mem>>) src(%arg14 : memref<125x32xf32, #tpu.memory_space<vmem>>) dst(%dma_wait3A_309 : memref<10240x32xf32, #tpu.memory_space<vmem_shared>>)
      %add3A_310 = arith.constant 8 : i32
      %add3A_311 = arith.addi %add3A_303, %add3A_310 : i32
      %lt3A_312 = arith.constant 80 : i32
      %lt3A_313 = arith.cmpi slt, %add3A_311, %lt3A_312 : i32
      %convert_element_type3A_314 = arith.extui %lt3A_313 : i1 to i32
      %cond3A_315 = arith.constant 0 : i32
      %cond3A_316 = arith.cmpi ne, %convert_element_type3A_314, %cond3A_315 : i32
      scf.if %cond3A_316 {
        %add3A_334 = arith.constant 8 : i32
        %add3A_335 = arith.addi %add3A_303, %add3A_334 : i32
        %dma_start3A_336 = arith.constant 0 : i32
        %dma_start3A_337 = tpu.memref_slice %arg6[%add3A_335, %dma_start3A_336] : memref<80x125xi32, #tpu.memory_space<vmem>> -> memref<1x125xi32, #tpu.memory_space<vmem>>
        %dma_start3A_338 = tpu.memref_squeeze %dma_start3A_337 : memref<1x125xi32, #tpu.memory_space<vmem>> -> memref<125xi32, #tpu.memory_space<vmem>>
        %dma_start3A_339 = arith.constant 0 : i32
        %dma_start3A_340 = arith.constant 0 : i32
        %dma_start3A_341 = tpu.memref_slice %arg3[%dma_start3A_339, %dma_start3A_340] : memref<10240x32xf32, #tpu.memory_space<hbm>> -> memref<10240x32xf32, #tpu.memory_space<hbm>>
        tpu.enqueue_indirect_dma source(%dma_start3A_341 : memref<10240x32xf32, #tpu.memory_space<hbm>>) target(%arg14 : memref<125x32xf32, #tpu.memory_space<vmem>>) offsets(%dma_start3A_338 : memref<125xi32, #tpu.memory_space<vmem>>) semaphore(%arg23 : memref<!tpu.dma_semaphore, #tpu.memory_space<semaphore_mem>>)
      } else {
      }
      %mul3A_317 = arith.constant 8 : i32
      %mul3A_318 = arith.muli %mul3A_317, %scan3A_72 : i32
      %add3A_319 = arith.constant 7 : i32
      %add3A_320 = arith.addi %mul3A_318, %add3A_319 : i32
      %dma_wait3A_321 = arith.constant 0 : i32
      %dma_wait3A_322 = tpu.memref_slice %arg7[%add3A_320, %dma_wait3A_321] : memref<80x125xi32, #tpu.memory_space<vmem>> -> memref<1x125xi32, #tpu.memory_space<vmem>>
      %dma_wait3A_323 = tpu.memref_squeeze %dma_wait3A_322 : memref<1x125xi32, #tpu.memory_space<vmem>> -> memref<125xi32, #tpu.memory_space<vmem>>
      %dma_wait3A_324 = arith.constant 0 : i32
      %dma_wait3A_325 = arith.constant 0 : i32
      %dma_wait3A_326 = tpu.memref_slice %arg16[%dma_wait3A_324, %dma_wait3A_325] : memref<10240x32xf32, #tpu.memory_space<vmem_shared>> -> memref<10240x32xf32, #tpu.memory_space<vmem_shared>>
      tpu.wait_indirect_dma semaphore(%arg32 : memref<!tpu.dma_semaphore, #tpu.memory_space<semaphore_mem>>) src(%arg15 : memref<125x32xf32, #tpu.memory_space<vmem>>) dst(%dma_wait3A_326 : memref<10240x32xf32, #tpu.memory_space<vmem_shared>>)
      %add3A_327 = arith.constant 8 : i32
      %add3A_328 = arith.addi %add3A_320, %add3A_327 : i32
      %lt3A_329 = arith.constant 80 : i32
      %lt3A_330 = arith.cmpi slt, %add3A_328, %lt3A_329 : i32
      %convert_element_type3A_331 = arith.extui %lt3A_330 : i1 to i32
      %cond3A_332 = arith.constant 0 : i32
      %cond3A_333 = arith.cmpi ne, %convert_element_type3A_331, %cond3A_332 : i32
      scf.if %cond3A_333 {
        %add3A_334 = arith.constant 8 : i32
        %add3A_335 = arith.addi %add3A_320, %add3A_334 : i32
        %dma_start3A_336 = arith.constant 0 : i32
        %dma_start3A_337 = tpu.memref_slice %arg6[%add3A_335, %dma_start3A_336] : memref<80x125xi32, #tpu.memory_space<vmem>> -> memref<1x125xi32, #tpu.memory_space<vmem>>
        %dma_start3A_338 = tpu.memref_squeeze %dma_start3A_337 : memref<1x125xi32, #tpu.memory_space<vmem>> -> memref<125xi32, #tpu.memory_space<vmem>>
        %dma_start3A_339 = arith.constant 0 : i32
        %dma_start3A_340 = arith.constant 0 : i32
        %dma_start3A_341 = tpu.memref_slice %arg3[%dma_start3A_339, %dma_start3A_340] : memref<10240x32xf32, #tpu.memory_space<hbm>> -> memref<10240x32xf32, #tpu.memory_space<hbm>>
        tpu.enqueue_indirect_dma source(%dma_start3A_341 : memref<10240x32xf32, #tpu.memory_space<hbm>>) target(%arg15 : memref<125x32xf32, #tpu.memory_space<vmem>>) offsets(%dma_start3A_338 : memref<125xi32, #tpu.memory_space<vmem>>) semaphore(%arg24 : memref<!tpu.dma_semaphore, #tpu.memory_space<semaphore_mem>>)
      } else {
      }
    }
    %scan3A_70 = arith.constant 10 : i32
    %barrier3A_71 = arith.constant 0 : index
    tpu.barrier barrier_id(%barrier3A_71)
    "tpu.region"() ({
      %run_scoped3A_72 = tpu.sem_alloc : memref<!tpu.dma_semaphore, #tpu.memory_space<semaphore_mem>>
      %dma_start3A_73 = arith.constant 0 : i32
      %dma_start3A_74 = tpu.memref_slice %arg5[%arg0, %mul3A_2, %dma_start3A_73] : memref<2x10240x32xf32, #tpu.memory_space<hbm>> -> memref<1x640x32xf32, #tpu.memory_space<hbm>>
      %dma_start3A_75 = tpu.memref_squeeze %dma_start3A_74 : memref<1x640x32xf32, #tpu.memory_space<hbm>> -> memref<640x32xf32, #tpu.memory_space<hbm>>
      %dma_start3A_76 = arith.constant 0 : i32
      %dma_start3A_77 = tpu.memref_slice %arg16[%mul3A_2, %dma_start3A_76] : memref<10240x32xf32, #tpu.memory_space<vmem_shared>> -> memref<640x32xf32, #tpu.memory_space<vmem_shared>>
      tpu.enqueue_dma source(%dma_start3A_77 : memref<640x32xf32, #tpu.memory_space<vmem_shared>>) target(%dma_start3A_75 : memref<640x32xf32, #tpu.memory_space<hbm>>) target_semaphore(%run_scoped3A_72 : memref<!tpu.dma_semaphore, #tpu.memory_space<semaphore_mem>>)
      %dma_wait3A_78 = arith.constant 0 : i32
      %dma_wait3A_79 = tpu.memref_slice %arg5[%arg0, %mul3A_2, %dma_wait3A_78] : memref<2x10240x32xf32, #tpu.memory_space<hbm>> -> memref<1x640x32xf32, #tpu.memory_space<hbm>>
      %dma_wait3A_80 = tpu.memref_squeeze %dma_wait3A_79 : memref<1x640x32xf32, #tpu.memory_space<hbm>> -> memref<640x32xf32, #tpu.memory_space<hbm>>
      %dma_wait3A_81 = arith.constant 0 : i32
      %dma_wait3A_82 = tpu.memref_slice %arg16[%mul3A_2, %dma_wait3A_81] : memref<10240x32xf32, #tpu.memory_space<vmem_shared>> -> memref<640x32xf32, #tpu.memory_space<vmem_shared>>
      tpu.wait_dma2 semaphore(%run_scoped3A_72 : memref<!tpu.dma_semaphore, #tpu.memory_space<semaphore_mem>>) src(%dma_wait3A_82 : memref<640x32xf32, #tpu.memory_space<vmem_shared>>) dst(%dma_wait3A_80 : memref<640x32xf32, #tpu.memory_space<hbm>>)
      tpu.yield
    }) : () -> ()
    return
  }
}

module attributes {stable_mosaic.version = 14 : i64} {
  func.func @_enc_body(%arg0: memref<10000x128xf32, #tpu.memory_space<vmem>>, %arg1: memref<32x128xf32, #tpu.memory_space<vmem>>, %arg2: memref<1x32xf32, #tpu.memory_space<vmem>>, %arg3: memref<32x32xf32, #tpu.memory_space<vmem>>, %arg4: memref<10240x32xf32, #tpu.memory_space<vmem>>) attributes {dimension_semantics = [], scalar_prefetch = 0 : i64, scratch_operands = 0 : i64, tpu.core_type = #tpu.core_type<tc>} {
    %get3A = arith.constant 0 : index
    %get3A_0 = arith.constant 0 : index
    %get3A_1 = vector.load %arg0[%get3A, %get3A_0] : memref<10000x128xf32, #tpu.memory_space<vmem>>, vector<10000x128xf32>
    %get3A_2 = arith.constant 0 : index
    %get3A_3 = arith.constant 0 : index
    %get3A_4 = vector.load %arg1[%get3A_2, %get3A_3] : memref<32x128xf32, #tpu.memory_space<vmem>>, vector<32x128xf32>
    %transpose3A = tpu.transpose %get3A_4, [1, 0] : vector<32x128xf32> -> vector<128x32xf32>
    %dot_general3A = arith.constant dense<0.000000e+00> : vector<10000x32xf32>
    %dot_general3A_5 = tpu.matmul %get3A_1, %transpose3A, %dot_general3A {dimension_numbers = #tpu.dot_dimension_numbers<[1], [0], [0], [1], [0, 0, 1, 1], [], []>, transpose_lhs_hint = false} : vector<10000x128xf32>, vector<128x32xf32>, vector<10000x32xf32> -> vector<10000x32xf32>
    %get3A_6 = arith.constant 0 : index
    %get3A_7 = arith.constant 0 : index
    %get3A_8 = vector.load %arg2[%get3A_6, %get3A_7] : memref<1x32xf32, #tpu.memory_space<vmem>>, vector<1x32xf32>
    %add3A = vector.broadcast %get3A_8 : vector<1x32xf32> to vector<10000x32xf32>
    %add3A_9 = arith.addf %dot_general3A_5, %add3A : vector<10000x32xf32>
    %max3A = arith.constant 0.000000e+00 : f32
    %max3A_10 = vector.broadcast %max3A : f32 to vector<10000x32xf32>
    %max3A_11 = arith.maximumf %add3A_9, %max3A_10 : vector<10000x32xf32>
    %get3A_12 = arith.constant 0 : index
    %get3A_13 = arith.constant 0 : index
    %get3A_14 = vector.load %arg3[%get3A_12, %get3A_13] : memref<32x32xf32, #tpu.memory_space<vmem>>, vector<32x32xf32>
    %transpose3A_15 = tpu.transpose %get3A_14, [1, 0] : vector<32x32xf32> -> vector<32x32xf32>
    %dot_general3A_16 = arith.constant dense<0.000000e+00> : vector<10000x32xf32>
    %dot_general3A_17 = tpu.matmul %max3A_11, %transpose3A_15, %dot_general3A_16 {dimension_numbers = #tpu.dot_dimension_numbers<[1], [0], [0], [1], [0, 0, 1, 1], [], []>, transpose_lhs_hint = false} : vector<10000x32xf32>, vector<32x32xf32>, vector<10000x32xf32> -> vector<10000x32xf32>
    %broadcast_in_dim3A = arith.constant 0.000000e+00 : f32
    %broadcast_in_dim3A_18 = vector.broadcast %broadcast_in_dim3A : f32 to vector<240x32xf32>
    %concatenate3A = tpu.concatenate %dot_general3A_17, %broadcast_in_dim3A_18 in 0 : vector<10000x32xf32>, vector<240x32xf32> -> vector<10240x32xf32>
    %swap3A = arith.constant 0 : index
    %swap3A_19 = arith.constant 0 : index
    %swap3A_20 = vector.load %arg4[%swap3A, %swap3A_19] : memref<10240x32xf32, #tpu.memory_space<vmem>>, vector<10240x32xf32>
    tpu.vector_store %arg4[%swap3A, %swap3A_19], %concatenate3A {strides = array<i32>} : memref<10240x32xf32, #tpu.memory_space<vmem>>, vector<10240x32xf32>,
    return
  }
}

module attributes {stable_mosaic.version = 14 : i64} {
  func.func @_scale_body(%arg0: memref<2560x128xf32, #tpu.memory_space<vmem>>, %arg1: memref<2x2560x128xf32, #tpu.memory_space<vmem>>, %arg2: memref<2560x128xf32, #tpu.memory_space<vmem>>, %arg3: memref<2560x128xf32, #tpu.memory_space<vmem>>) attributes {dimension_semantics = [], scalar_prefetch = 0 : i64, scratch_operands = 0 : i64, tpu.core_type = #tpu.core_type<tc>} {
    %get3A = arith.constant 0 : index
    %get3A_0 = arith.constant 0 : index
    %get3A_1 = arith.constant 0 : index
    %get3A_2 = vector.load %arg1[%get3A, %get3A_0, %get3A_1] : memref<2x2560x128xf32, #tpu.memory_space<vmem>>, vector<1x2560x128xf32>
    %get3A_3 = vector.shape_cast %get3A_2 : vector<1x2560x128xf32> to vector<2560x128xf32>
    %get3A_4 = arith.constant 1 : index
    %get3A_5 = arith.constant 0 : index
    %get3A_6 = arith.constant 0 : index
    %get3A_7 = vector.load %arg1[%get3A_4, %get3A_5, %get3A_6] : memref<2x2560x128xf32, #tpu.memory_space<vmem>>, vector<1x2560x128xf32>
    %get3A_8 = vector.shape_cast %get3A_7 : vector<1x2560x128xf32> to vector<2560x128xf32>
    %add3A = arith.addf %get3A_3, %get3A_8 : vector<2560x128xf32>
    %add3A_9 = arith.constant 1.000000e+00 : f32
    %add3A_10 = vector.broadcast %add3A_9 : f32 to vector<2560x128xf32>
    %add3A_11 = arith.addf %add3A, %add3A_10 : vector<2560x128xf32>
    %rsqrt3A = math.rsqrt %add3A_11 : vector<2560x128xf32>
    %get3A_12 = arith.constant 0 : index
    %get3A_13 = arith.constant 0 : index
    %get3A_14 = vector.load %arg0[%get3A_12, %get3A_13] : memref<2560x128xf32, #tpu.memory_space<vmem>>, vector<2560x128xf32>
    %mul3A = arith.mulf %get3A_14, %rsqrt3A : vector<2560x128xf32>
    %swap3A = arith.constant 0 : index
    %swap3A_15 = arith.constant 0 : index
    %swap3A_16 = vector.load %arg2[%swap3A, %swap3A_15] : memref<2560x128xf32, #tpu.memory_space<vmem>>, vector<2560x128xf32>
    tpu.vector_store %arg2[%swap3A, %swap3A_15], %mul3A {strides = array<i32>} : memref<2560x128xf32, #tpu.memory_space<vmem>>, vector<2560x128xf32>,
    %swap3A_17 = arith.constant 0 : index
    %swap3A_18 = arith.constant 0 : index
    %swap3A_19 = vector.load %arg3[%swap3A_17, %swap3A_18] : memref<2560x128xf32, #tpu.memory_space<vmem>>, vector<2560x128xf32>
    tpu.vector_store %arg3[%swap3A_17, %swap3A_18], %rsqrt3A {strides = array<i32>} : memref<2560x128xf32, #tpu.memory_space<vmem>>, vector<2560x128xf32>,
    return
  }
}

module attributes {stable_mosaic.version = 14 : i64} {
  func.func @_layer1_body(%arg0: memref<2x2560x128xf32, #tpu.memory_space<vmem>>, %arg1: memref<2560x128xf32, #tpu.memory_space<vmem>>, %arg2: memref<2560x128xf32, #tpu.memory_space<vmem>>, %arg3: memref<1x128xf32, #tpu.memory_space<vmem>>, %arg4: memref<16x32xf32, #tpu.memory_space<vmem>>, %arg5: memref<2560x128xf32, #tpu.memory_space<vmem>>) attributes {dimension_semantics = [], scalar_prefetch = 0 : i64, scratch_operands = 0 : i64, tpu.core_type = #tpu.core_type<tc>} {
    %get3A = arith.constant 0 : index
    %get3A_0 = arith.constant 0 : index
    %get3A_1 = vector.load %arg2[%get3A, %get3A_0] : memref<2560x128xf32, #tpu.memory_space<vmem>>, vector<2560x128xf32>
    %get3A_2 = arith.constant 0 : index
    %get3A_3 = arith.constant 0 : index
    %get3A_4 = arith.constant 0 : index
    %get3A_5 = vector.load %arg0[%get3A_2, %get3A_3, %get3A_4] : memref<2x2560x128xf32, #tpu.memory_space<vmem>>, vector<1x2560x128xf32>
    %get3A_6 = vector.shape_cast %get3A_5 : vector<1x2560x128xf32> to vector<2560x128xf32>
    %get3A_7 = arith.constant 1 : index
    %get3A_8 = arith.constant 0 : index
    %get3A_9 = arith.constant 0 : index
    %get3A_10 = vector.load %arg0[%get3A_7, %get3A_8, %get3A_9] : memref<2x2560x128xf32, #tpu.memory_space<vmem>>, vector<1x2560x128xf32>
    %get3A_11 = vector.shape_cast %get3A_10 : vector<1x2560x128xf32> to vector<2560x128xf32>
    %add3A = arith.addf %get3A_6, %get3A_11 : vector<2560x128xf32>
    %get3A_12 = arith.constant 0 : index
    %get3A_13 = arith.constant 0 : index
    %get3A_14 = vector.load %arg1[%get3A_12, %get3A_13] : memref<2560x128xf32, #tpu.memory_space<vmem>>, vector<2560x128xf32>
    %add3A_15 = arith.addf %add3A, %get3A_14 : vector<2560x128xf32>
    %mul3A = arith.mulf %add3A_15, %get3A_1 : vector<2560x128xf32>
    %get3A_16 = arith.constant 0 : index
    %get3A_17 = arith.constant 0 : index
    %get3A_18 = vector.load %arg3[%get3A_16, %get3A_17] : memref<1x128xf32, #tpu.memory_space<vmem>>, vector<1x128xf32>
    %add3A_19 = vector.broadcast %get3A_18 : vector<1x128xf32> to vector<2560x128xf32>
    %add3A_20 = arith.addf %mul3A, %add3A_19 : vector<2560x128xf32>
    %max3A = arith.constant 0.000000e+00 : f32
    %max3A_21 = vector.broadcast %max3A : f32 to vector<2560x128xf32>
    %max3A_22 = arith.maximumf %add3A_20, %max3A_21 : vector<2560x128xf32>
    %get3A_23 = arith.constant 0 : index
    %get3A_24 = arith.constant 0 : index
    %get3A_25 = vector.load %arg4[%get3A_23, %get3A_24] : memref<16x32xf32, #tpu.memory_space<vmem>>, vector<16x32xf32>
    %broadcast_in_dim3A = arith.constant 0.000000e+00 : f32
    %broadcast_in_dim3A_26 = vector.broadcast %broadcast_in_dim3A : f32 to vector<16x32xf32>
    %concatenate3A = tpu.concatenate %get3A_25, %broadcast_in_dim3A_26 in 0 : vector<16x32xf32>, vector<16x32xf32> -> vector<32x32xf32>
    %slice3A = vector.extract_strided_slice %max3A_22 {offsets = [0, 0], sizes = [2560, 32], strides = [1, 1]} : vector<2560x128xf32> to vector<2560x32xf32>
    %transpose3A = tpu.transpose %concatenate3A, [1, 0] : vector<32x32xf32> -> vector<32x32xf32>
    %dot_general3A = arith.constant dense<0.000000e+00> : vector<2560x32xf32>
    %dot_general3A_27 = tpu.matmul %slice3A, %transpose3A, %dot_general3A {dimension_numbers = #tpu.dot_dimension_numbers<[1], [0], [0], [1], [0, 0, 1, 1], [], []>, transpose_lhs_hint = false} : vector<2560x32xf32>, vector<32x32xf32>, vector<2560x32xf32> -> vector<2560x32xf32>
    %slice3A_28 = vector.extract_strided_slice %max3A_22 {offsets = [0, 32], sizes = [2560, 32], strides = [1, 1]} : vector<2560x128xf32> to vector<2560x32xf32>
    %transpose3A_29 = tpu.transpose %concatenate3A, [1, 0] : vector<32x32xf32> -> vector<32x32xf32>
    %dot_general3A_30 = arith.constant dense<0.000000e+00> : vector<2560x32xf32>
    %dot_general3A_31 = tpu.matmul %slice3A_28, %transpose3A_29, %dot_general3A_30 {dimension_numbers = #tpu.dot_dimension_numbers<[1], [0], [0], [1], [0, 0, 1, 1], [], []>, transpose_lhs_hint = false} : vector<2560x32xf32>, vector<32x32xf32>, vector<2560x32xf32> -> vector<2560x32xf32>
    %slice3A_32 = vector.extract_strided_slice %max3A_22 {offsets = [0, 64], sizes = [2560, 32], strides = [1, 1]} : vector<2560x128xf32> to vector<2560x32xf32>
    %transpose3A_33 = tpu.transpose %concatenate3A, [1, 0] : vector<32x32xf32> -> vector<32x32xf32>
    %dot_general3A_34 = arith.constant dense<0.000000e+00> : vector<2560x32xf32>
    %dot_general3A_35 = tpu.matmul %slice3A_32, %transpose3A_33, %dot_general3A_34 {dimension_numbers = #tpu.dot_dimension_numbers<[1], [0], [0], [1], [0, 0, 1, 1], [], []>, transpose_lhs_hint = false} : vector<2560x32xf32>, vector<32x32xf32>, vector<2560x32xf32> -> vector<2560x32xf32>
    %slice3A_36 = vector.extract_strided_slice %max3A_22 {offsets = [0, 96], sizes = [2560, 32], strides = [1, 1]} : vector<2560x128xf32> to vector<2560x32xf32>
    %transpose3A_37 = tpu.transpose %concatenate3A, [1, 0] : vector<32x32xf32> -> vector<32x32xf32>
    %dot_general3A_38 = arith.constant dense<0.000000e+00> : vector<2560x32xf32>
    %dot_general3A_39 = tpu.matmul %slice3A_36, %transpose3A_37, %dot_general3A_38 {dimension_numbers = #tpu.dot_dimension_numbers<[1], [0], [0], [1], [0, 0, 1, 1], [], []>, transpose_lhs_hint = false} : vector<2560x32xf32>, vector<32x32xf32>, vector<2560x32xf32> -> vector<2560x32xf32>
    %concatenate3A_40 = tpu.concatenate %dot_general3A_27, %dot_general3A_31, %dot_general3A_35, %dot_general3A_39 in 1 : vector<2560x32xf32>, vector<2560x32xf32>, vector<2560x32xf32>, vector<2560x32xf32> -> vector<2560x128xf32>
    %mul3A_41 = arith.mulf %concatenate3A_40, %get3A_1 : vector<2560x128xf32>
    %swap3A = arith.constant 0 : index
    %swap3A_42 = arith.constant 0 : index
    %swap3A_43 = vector.load %arg5[%swap3A, %swap3A_42] : memref<2560x128xf32, #tpu.memory_space<vmem>>, vector<2560x128xf32>
    tpu.vector_store %arg5[%swap3A, %swap3A_42], %mul3A_41 {strides = array<i32>} : memref<2560x128xf32, #tpu.memory_space<vmem>>, vector<2560x128xf32>,
    return
  }
}

module attributes {stable_mosaic.version = 14 : i64} {
  func.func @_final_body(%arg0: memref<2x2560x128xf32, #tpu.memory_space<vmem>>, %arg1: memref<2560x128xf32, #tpu.memory_space<vmem>>, %arg2: memref<2560x128xf32, #tpu.memory_space<vmem>>, %arg3: memref<1x128xf32, #tpu.memory_space<vmem>>, %arg4: memref<2560x128xf32, #tpu.memory_space<vmem>>) attributes {dimension_semantics = [], scalar_prefetch = 0 : i64, scratch_operands = 0 : i64, tpu.core_type = #tpu.core_type<tc>} {
    %get3A = arith.constant 0 : index
    %get3A_0 = arith.constant 0 : index
    %get3A_1 = arith.constant 0 : index
    %get3A_2 = vector.load %arg0[%get3A, %get3A_0, %get3A_1] : memref<2x2560x128xf32, #tpu.memory_space<vmem>>, vector<1x2560x128xf32>
    %get3A_3 = vector.shape_cast %get3A_2 : vector<1x2560x128xf32> to vector<2560x128xf32>
    %get3A_4 = arith.constant 1 : index
    %get3A_5 = arith.constant 0 : index
    %get3A_6 = arith.constant 0 : index
    %get3A_7 = vector.load %arg0[%get3A_4, %get3A_5, %get3A_6] : memref<2x2560x128xf32, #tpu.memory_space<vmem>>, vector<1x2560x128xf32>
    %get3A_8 = vector.shape_cast %get3A_7 : vector<1x2560x128xf32> to vector<2560x128xf32>
    %add3A = arith.addf %get3A_3, %get3A_8 : vector<2560x128xf32>
    %get3A_9 = arith.constant 0 : index
    %get3A_10 = arith.constant 0 : index
    %get3A_11 = vector.load %arg1[%get3A_9, %get3A_10] : memref<2560x128xf32, #tpu.memory_space<vmem>>, vector<2560x128xf32>
    %add3A_12 = arith.addf %add3A, %get3A_11 : vector<2560x128xf32>
    %get3A_13 = arith.constant 0 : index
    %get3A_14 = arith.constant 0 : index
    %get3A_15 = vector.load %arg2[%get3A_13, %get3A_14] : memref<2560x128xf32, #tpu.memory_space<vmem>>, vector<2560x128xf32>
    %mul3A = arith.mulf %add3A_12, %get3A_15 : vector<2560x128xf32>
    %get3A_16 = arith.constant 0 : index
    %get3A_17 = arith.constant 0 : index
    %get3A_18 = vector.load %arg3[%get3A_16, %get3A_17] : memref<1x128xf32, #tpu.memory_space<vmem>>, vector<1x128xf32>
    %add3A_19 = vector.broadcast %get3A_18 : vector<1x128xf32> to vector<2560x128xf32>
    %add3A_20 = arith.addf %mul3A, %add3A_19 : vector<2560x128xf32>
    %swap3A = arith.constant 0 : index
    %swap3A_21 = arith.constant 0 : index
    %swap3A_22 = vector.load %arg4[%swap3A, %swap3A_21] : memref<2560x128xf32, #tpu.memory_space<vmem>>, vector<2560x128xf32>
    tpu.vector_store %arg4[%swap3A, %swap3A_21], %add3A_20 {strides = array<i32>} : memref<2560x128xf32, #tpu.memory_space<vmem>>, vector<2560x128xf32>,
    return
  }
}

</mosaic_0001>

<sc_bundles>
// kernel: kernel.12.cloned.1.call-start
scs
__scs_entry_jumppad:
0x0: {  	(pc) =	sbr.rel $0x88, $3  }
0x1: {  	(tag) =	ssettag $0x0;
	lr =	simm.s32 $0x1  }
0x2: {  	[smem:$0x3F99] =	sst lr;
	_ =	strace $0xD0000000  }
0x3: {  	_ = 	snop  }
0x4: {  	_ = 	snop  }
0x5: {  	_ = 	snop  }
0x6: {  	_ = 	snop  }
0x7: {  	_ = 	snop  }
__scs_overlays_trampoline_lowered:
0x8: {  	[smem:$0x3FA8] =	sst s0  }
0x9: {  	[smem:$0x3FA9] =	sst s1  }
0xa: {  	[smem:$0x3FAA] =	sst s2  }
0xb: {  	[smem:$0x3FAB] =	sst s3  }
0xc: {  	[smem:$0x3FAC] =	sst s4  }
0xd: {  	[smem:$0x3FAD] =	sst s5  }
0xe: {  	[smem:$0x3FAE] =	sst s6  }
0xf: {  	[smem:$0x3FAF] =	sst s7  }
0x10: {  	[smem:$0x3FB0] =	sst s8  }
0x11: {  	[smem:$0x3FB1] =	sst s9;
	s0 =	simm.s32 @!p0 $0x0  }
0x12: {  	s1 =	sld [smem:$0x3F97];
	s0 =	simm.s32 @p0 $0x1  }
0x13: {  	[smem:$0x3FB2] =	sst s0;
	s0 =	simm.s32 @!p1 $0x0  }
0x14: {  	s2 =	sld [smem:$0x3F96];
	s0 =	simm.s32 @p1 $0x1  }
0x15: {  	[smem:$0x3FB3] =	sst s0;
	s0 =	simm.s32 @!p2 $0x0  }
0x16: {  	s3 =	sld [smem:$0x3FDB];
	s0 =	simm.s32 @p2 $0x1  }
0x17: {  	s4 =	simm.s32 $0x1BF5;
	[smem:$0x3FB5] =	sst s0  }
0x18: {  	s0 =	sld [smem:$0x3F98];
	_ =	swait.ge [sflag:s4], $0x0  }
0x19: {  	s7 =	sld [smem:$0x3F99]  }
0x1a: {  	s8 =	sadd.s32 $0xFFFFE003, lr  }
0x1b: {  	s9 =	sadd.s32 $0xFFFFFEF7, lr;
	s5 =	simm.s32 $0xFFFFFFFF;
	p2 =	slt.u32 s8, $0xFFFFF086  }
0x1c: {  	p1 =	slt.u32 s9, $0xF7A;
	s5 =	simm.s32 @!p2 $0x0  }
0x1d: {  	s5 =	simm.s32 @p1 $0x1;
	p0 =	seq.s32 s7, s2  }
0x1e: {  	s7 =	smul.u32 @!p0 $0xF7A, s2;
	p2 =	seq.s32 @!p0 s5, $0x0  }
0x1f: {  	s9 =	smul.u32 $0xF7A, s1;
	s8 =	simm.s32 @!p0 $0x1BF5;
	p2 =	por !p2, p0  }
0x20: {  	[sflag:s8] =	ssyncset.s32 @!p0 $0xFFFFF086;
	s6 =	sadd.s32 @!p0 s3, s7;
	s7 =	simm.s32 @!p0 $0x108  }
0x21: {  	s3 =	sadd.s32 s3, s9;
	s6 =	sadd.s32 @!p0 $0x88, s6;
	s7 =	simm.s32 @p2 $0x1082  }
0x22: {  	[simem:s7], [sflag:s8] =	dma.local @!p0 [hbm:s6], $0xF7A  }
0x23: {  	s9 =	sor.u32 $0xD0000000, s2;
	s6 =	simm.s32 $0x108;
	_ =	swait.ge @!p0 [sflag:s8], $0x0  }
0x24: {  	s3 =	sadd.s32 $0x88, s3;
	s6 =	simm.s32 @!p1 $0x1082;
	[sflag:s4] =	ssyncset.s32 $0xFFFFF086  }
0x25: {  	[simem:s6], [sflag:s4] =	dma.local [hbm:s3], $0xF7A  }
0x26: {  	[smem:$0x3F99] =	sst s1;
	(tag) =	ssettag s2;
	_ =	strace s9  }
0x27: {  	s1 =	sld [smem:$0x3FA9]  }
0x28: {  	s2 =	sld [smem:$0x3FAA]  }
0x29: {  	s4 =	sld [smem:$0x3FAC]  }
0x2a: {  	p0 =	seq.s32 s5, $0x0;
	s5 =	sld [smem:$0x3FAD]  }
0x2b: {  	s6 =	sld [smem:$0x3FAE]  }
0x2c: {  	s7 =	sld [smem:$0x3FAF]  }
0x2d: {  	s3 =	simm.s32 $0x108;
	s8 =	sld [smem:$0x3FB0]  }
0x2e: {  	s3 =	simm.s32 @!p0 $0x1082;
	s9 =	sld [smem:$0x3FB1]  }
0x2f: {  	lr =	sadd.s32 s0, s3;
	s0 =	sld [smem:$0x3FA8]  }
0x30: {  	s3 =	sld [smem:$0x3FAB]  }
0x31: {  	[smem:$0x3FB4] =	sst s10  }
0x32: {  	s10 =	sld [smem:$0x3FB2];
	_ =	sdelay $0x3  }
0x33: {  	p0 =	seq.s32 s10, $0x1;
	s10 =	sld [smem:$0x3FB4];
	_ =	sdelay $0x3  }
0x34: {  	[smem:$0x3FB4] =	sst s10  }
0x35: {  	s10 =	sld [smem:$0x3FB3];
	_ =	sdelay $0x3  }
0x36: {  	p1 =	seq.s32 s10, $0x1;
	s10 =	sld [smem:$0x3FB4];
	_ =	sdelay $0x3  }
0x37: {  	[smem:$0x3FB4] =	sst s10  }
0x38: {  	s10 =	sld [smem:$0x3FB5]  }
0x39: {  	_ = 	snop;
	(pc) =	sbr.ind lr, $3  }
0x3a: {  	_ = 	snop  }
0x3b: {  	_ = 	snop  }
0x3c: {  	p2 =	seq.s32 s10, $0x1;
	s10 =	sld [smem:$0x3FB4]  }
0x3d: {  	_ =	shalt  }
0x3e: {  	_ =	shalt  }
0x3f: {  	_ =	shalt  }
0x40: {  	_ =	shalt  }
0x41: {  	_ =	shalt  }
0x42: {  	_ =	shalt  }
0x43: {  	_ =	shalt  }
0x44: {  	_ =	shalt  }
0x45: {  	_ =	shalt  }
0x46: {  	_ =	shalt  }
0x47: {  	_ =	shalt  }
0x48: {  	_ =	shalt  }
0x49: {  	_ =	shalt  }
0x4a: {  	_ =	shalt  }
0x4b: {  	_ =	shalt  }
0x4c: {  	_ =	shalt  }
0x4d: {  	_ =	shalt  }
0x4e: {  	_ =	shalt  }
0x4f: {  	_ =	shalt  }
0x50: {  	_ =	shalt  }
0x51: {  	_ =	shalt  }
0x52: {  	_ =	shalt  }
0x53: {  	_ =	shalt  }
0x54: {  	_ =	shalt  }
0x55: {  	_ =	shalt  }
0x56: {  	_ =	shalt  }
0x57: {  	_ =	shalt  }
0x58: {  	_ =	shalt  }
0x59: {  	_ =	shalt  }
0x5a: {  	_ =	shalt  }
0x5b: {  	_ =	shalt  }
0x5c: {  	_ =	shalt  }
0x5d: {  	_ =	shalt  }
0x5e: {  	_ =	shalt  }
0x5f: {  	_ =	shalt  }
0x60: {  	_ =	shalt  }
0x61: {  	_ =	shalt  }
0x62: {  	_ =	shalt  }
0x63: {  	_ =	shalt  }
0x64: {  	_ =	shalt  }
0x65: {  	_ =	shalt  }
0x66: {  	_ =	shalt  }
0x67: {  	_ =	shalt  }
0x68: {  	_ =	shalt  }
0x69: {  	_ =	shalt  }
0x6a: {  	_ =	shalt  }
0x6b: {  	_ =	shalt  }
0x6c: {  	_ =	shalt  }
0x6d: {  	_ =	shalt  }
0x6e: {  	_ =	shalt  }
0x6f: {  	_ =	shalt  }
0x70: {  	_ =	shalt  }
0x71: {  	_ =	shalt  }
0x72: {  	_ =	shalt  }
0x73: {  	_ =	shalt  }
0x74: {  	_ =	shalt  }
0x75: {  	_ =	shalt  }
0x76: {  	_ =	shalt  }
0x77: {  	_ =	shalt  }
0x78: {  	_ =	shalt  }
0x79: {  	_ =	shalt  }
0x7a: {  	_ =	shalt  }
0x7b: {  	_ =	shalt  }
0x7c: {  	_ =	shalt  }
0x7d: {  	_ =	shalt  }
0x7e: {  	_ =	shalt  }
0x7f: {  	_ =	shalt  }
0x80: {  	_ =	shalt  }
0x81: {  	_ =	shalt  }
0x82: {  	_ =	shalt  }
0x83: {  	_ =	shalt  }
0x84: {  	_ =	shalt  }
0x85: {  	_ =	shalt  }
0x86: {  	_ =	shalt  }
0x87: {  	_ =	shalt  }
.Lfunc_end0:
.L_simem_size_0:
called_computation.1_lowered:
.L_overlay_start_0:
0x88: {  	s2 =	sld [smem:$0x3FD9]  }
0x89: {  	s3 =	sld [smem:$0x3FFE];
	_ =	sdelay $0x1  }
0x8a: {  	s1 =	srdreg.scid  }
0x8b: {  	s0 =	sand.u32 $0x1, s1  }
0x8c: {  	s16 =	sshll.u32 s0, $0xA;
	s2 =	sadd.s32 s3, s2  }
0x8d: {  	s2 =	sadd.s32 s2, s16  }
0x8e: {  	[smem:$0x3FC0] =	sst s2  }
0x8f: {  	_ = 	snop  }
0x90: {  	(tm) =	ssettm $0x1  }
0x91: {  	s17 =	sld [smem:$0x3FFB];
	_ =	sdelay $0x3  }
0x92: {  	_ =	strace s17  }
0x93: {  	s2 =	sld [smem:$0x3FFC];
	_ =	sdelay $0x3  }
0x94: {  	_ =	strace s2  }
0x95: {  	s2 =	sld [smem:$0x3FFD];
	_ =	sdelay $0x3  }
0x96: {  	_ =	strace s2  }
0x97: {  	_ =	strace $0x8FFFFFFF  }
0x98: {  	s18 =	sld [smem:$0x3FDB];
	_ =	sdelay $0x1  }
0x99: {  	s19 =	simm.s32 $_scs_section_size  }
0x9a: {  	s4 =	simm.s32 $_size__tile_overlayer_lowered;
	s5 =	simm.s32 $_tile_overlayer_lowered  }
0x9b: {  	s22 =	simm.s32 $0x1BFF;
	s21 =	sshll.u32 s5, $0x1;
	s2 =	sadd.s32 s19, s18  }
0x9c: {  	s6 =	simm.s32 $0x0;
	s20 =	sshll.u32 s4, $0x1;
	s4 =	sadd.s32 s21, s2  }
0x9d: {  	[timem:s6], [sflag:s22] =	dma.local [hbm:s4], s20  }
0x9e: {  	_ =	swait.ge [sflag:s22], s20  }
0x9f: {  	s3 =	ssub.s32 $0x0, s20;
	[sflag:s22] =	ssyncset.done $0x0  }
0xa0: {  	[sflag:s22] =	ssyncadd.s32 s3;
	_ =	sdelay $0x1  }
0xa1: {  	s23 =	simm.s32 $0x1B8B  }
0xa2: {  	_ =	swait.ge [sflag:s23], $0x1  }
0xa3: {  	[sflag:s23] =	ssyncset.done $0x0  }
0xa4: {  	s25 =	simm.s32 $0x1B8E;
	s24 =	sld [smem:$0x3FFE];
	[sflag:s23] =	ssyncadd.s32 $0xFFFFFFFF  }
0xa5: {  	s26 =	simm.s32 $execute0_lowered;
	[smem:$0x3FD2] =	sst s25  }
0xa6: {  	s4 =	sshll.u32 s26, $0x1;
	_ =	strace $0x80000049;
	[dreg:$0x1] =	wrdreg $0xFFFFFFFF  }
0xa7: {  	s28 =	simm.s32 $_size_execute0_lowered;
	s2 =	sadd.s32 s2, s4;
	[dreg:$0x0] =	wrdreg $0x0  }
0xa8: {  	s4 =	sshll.u32 s28, $0x1;
	[dreg:$0x2] =	wrdreg s2  }
0xa9: {  	[dreg:$0x3] =	wrdreg s4  }
0xaa: {  	[dreg:$0x4] =	wrdreg $0xC0  }
0xab: {  	_ =	task [dreg:s6], $0x5FFFF  }
0xac: {  	[dreg:$0x1] =	wrdreg $0xFFFFFFFF  }
0xad: {  	[dreg:$0x0] =	wrdreg $0x60  }
0xae: {  	[dreg:$0x2] =	wrdreg s24  }
0xaf: {  	[dreg:$0x3] =	wrdreg $0xCD000  }
0xb0: {  	[dreg:$0x4] =	wrdreg $0x9  }
0xb1: {  	_ =	task.clear_ibuf [dreg:s6], $0x5FFFF;
	_ =	strace $0x90000049  }
0xb2: {  	s29 =	simm.s32 $0x9;
	_ =	strace $0x8000004B  }
0xb3: {  	_ =	swait.ge [sflag:s29], $0x1  }
0xb4: {  	[sflag:s29] =	ssyncadd.s32 $0xFFFFFFFF  }
0xb5: {  	_ =	strace $0x9000004B  }
0xb6: {  	_ =	sfence  }
0xb7: {  	s30 =	sld [smem:$0x0];
	_ =	sdelay $0x2  }
0xb8: {  	s31 =	sshll.u32 s1, $0xD;
	s1 =	sshrl.u32 s1, $0x2  }
0xb9: {  	s3 =	sand.u32 $0x4000, s31;
	s1 =	sadd.s32 s1, s30  }
0xba: {  	s0 =	sor.u32 s3, s0;
	s1 =	sshll.u32 s1, $0x11  }
0xbb: {  	s0 =	sor.u32 s1, s0  }
0xbc: {  	s0 =	sadd.s32 $0x8F2B, s0  }
0xbd: {  	[sflag:s0] =	ssyncadd.remote.s32 $0x1  }
0xbe: {  	_ =	sfence.sel $0xFFFF  }
0xbf: {  	[dreg:$0x0] =	wrdreg $0xFFFFFFFF;
	(pc) =	sbr.abs _section_cstart, $3  }
0xc0: {  	[dreg:$0x1] =	wrdreg $0xFFFFFFFF  }
0xc1: {  	_ =	task.clear_ibuf [dreg:s6], $0x2FFFF;
	_ =	strace $0x9FFFFFFF  }
0xc2: {  	(tm) =	ssettm $0x7FFFFFFF  }
0xc3: {  	_ =	shalt  }
tec
execute0_lowered:
.L_overlay_start_1:
0x0: {  	(tag) =	ssettag $0x1  }
0x1: {  	s0 =	srdreg.scid;
	s3 =	rddreg [dreg:$0x0]  }
0x2: {  	s9 =	stileid.u32;
	s2 =	rddreg [dreg:$0x1];
	s4 =	simm.s32 $0x0  }
0x3: {  	s15 =	simm.s32 $0x7D;
	s16 =	simm.s32 $0x5000;
	s18 =	simm.s32 $0x5FA0  }
0x4: {  	s20 =	simm.s32 $0x6F40;
	s22 =	simm.s32 $0x7EE0;
	s29 =	simm.s32 $0xADC0  }
0x5: {  	s31 =	simm.s32 $0xBD60;
	s14 =	simm.s32 $0x2;
	s17 =	simm.s32 $0x3  }
0x6: {  	s19 =	simm.s32 $0x4;
	s21 =	simm.s32 $0x5;
	s28 =	simm.s32 $0x8  }
0x7: {  	s30 =	simm.s32 $0x9;
	s10 =	simm.s32 $0xE;
	s11 =	simm.s32 $0xF  }
0x8: {  	s0 =	sand.u32 $0x1, s0;
	s1 =	sshll.u32 s9, $0x1;
	s5 =	smul.u32 $0x5000, s9  }
0x9: {  	[smem:$0x7FF] =	sst s4;
	s4 =	sadd.s32 $0x17000, s3;
	s24 =	sshll.u32 s9, $0x6  }
0xa: {  	s9 =	simm.s32 $0xD;
	s1 =	sor.u32 s0, s1;
	s6 =	smul.u32 $0x50000, s0  }
0xb: {  	_ =	strace $0x8000004A;
	s0 =	ssub.s32 $0x2, s0;
	[dreg:$0x4] =	wrdreg s24  }
0xc: {  	s1 =	smul.u32 $0x2800, s1;
	s7 =	sshrl.u32 s5, $0x3;
	s8 =	sshrl.u32 s0, $0x1  }
0xd: {  	s6 =	sadd.s32 s5, s6;
	s7 =	sadd.s32 s7, s3;
	s0 =	ssub.s32 s0, s8  }
0xe: {  	s5 =	sadd.s32 s5, s2;
	s8 =	simm.s32 $0xC;
	s1 =	sshrl.u32 s1, $0x3  }
0xf: {  	s6 =	sshrl.u32 s6, $0x3;
	s23 =	sadd.s32 $0x21000, s7;
	s0 =	smax.u32 s0, $0x1  }
0x10: {  	s13 =	sshrl.u32 s5, $0x3;
	s5 =	simm.s32 $0xA;
	s7 =	simm.s32 $0xB  }
0x11: {  	s1 =	sadd.s32 s1, s3;
	s3 =	sadd.s32 s6, s3;
	[dreg:$0x3] =	wrdreg s23  }
0x12: {  	s6 =	sor.u32 $0x1C11, s24;
	[dreg:$0x9] =	wrdreg s0;
	s24 =	simm.s32 $0x8E80  }
.Ltmp0:
0x13: {  	s0 =	simm.s32 $0x1;
	[dreg:$0xa] =	wrdreg s13;
	(pc) =	sbr.rel .LBB2_1-.Ltmp0, $4  }
0x14: {  	s23 =	simm.s32 $0x6;
	[dreg:$0x5] =	wrdreg s6;
	s25 =	sadd.s32 $0x3000, s1  }
0x15: {  	s1 =	sadd.s32 $0xD000, s1;
	s26 =	sadd.s32 $0x2B000, s3;
	[dreg:$0x6] =	wrdreg s25  }
0x16: {  	s6 =	simm.s32 $0x10;
	s3 =	simm.s32 $0x0;
	[dreg:$0x7] =	wrdreg s1  }
0x17: {  	[dreg:$0x8] =	wrdreg s26;
	s26 =	simm.s32 $0x9E20;
	s25 =	simm.s32 $0x7  }
.LBB2_4:
0x18: {  	_ =	swait.ge [sflag:s5], $0xFA0  }
0x19: {  	[sflag:s5] =	ssyncset.done $0x0  }
0x1a: {  	[sflag:s5] =	ssyncadd.s32 $0xFFFFF060  }
0x1b: {  	_ =	swait.ge [sflag:s7], $0xFA0  }
0x1c: {  	[sflag:s7] =	ssyncset.done $0x0  }
0x1d: {  	[sflag:s7] =	ssyncadd.s32 $0xFFFFF060  }
0x1e: {  	_ =	swait.ge [sflag:s8], $0xFA0  }
0x1f: {  	[sflag:s8] =	ssyncset.done $0x0  }
0x20: {  	[sflag:s8] =	ssyncadd.s32 $0xFFFFF060  }
0x21: {  	_ =	swait.ge [sflag:s9], $0xFA0  }
0x22: {  	[sflag:s9] =	ssyncset.done $0x0  }
0x23: {  	[sflag:s9] =	ssyncadd.s32 $0xFFFFF060  }
0x24: {  	_ =	swait.ge [sflag:s10], $0xFA0  }
0x25: {  	[sflag:s10] =	ssyncset.done $0x0  }
0x26: {  	[sflag:s10] =	ssyncadd.s32 $0xFFFFF060  }
0x27: {  	_ =	swait.ge [sflag:s11], $0xFA0  }
0x28: {  	[sflag:s11] =	ssyncset.done $0x0  }
0x29: {  	[sflag:s11] =	ssyncadd.s32 $0xFFFFF060  }
0x2a: {  	_ =	swait.ge [sflag:s6], $0xFA0  }
0x2b: {  	[sflag:s6] =	ssyncset.done $0x0  }
0x2c: {  	[sflag:s6] =	ssyncadd.s32 $0xFFFFF060  }
0x2d: {  	[bflag:$0x0] =	sbarrier.arrive $0xFFFF  }
0x2e: {  	s1 =	rddreg [dreg:$0x4]  }
0x2f: {  	s12 =	rddreg [dreg:$0x8]  }
0x30: {  	s13 =	rddreg [dreg:$0xa];
	s1 =	sor.u32 $0x1C12, s1  }
0x31: {  	[hbm:s12], [sflag:s1] =	dma.local [spmem:s13], $0xA00  }
0x32: {  	s12 =	simm.s32 $0x12  }
0x33: {  	_ =	swait.ge [sflag:s12], $0xA00  }
0x34: {  	s3 =	sadd.s32 $0x1, s3;
	[sflag:s12] =	ssyncset.done $0x0;
	s12 =	rddreg [dreg:$0x9]  }
0x35: {  	p0 =	sne.s32 s3, s12  }
.Ltmp1:
0x36: {  	_ = 	snop;
	(pc) =	sbr.rel @!p0 .LBB2_5-.Ltmp1, $3  }
0x37: {  	_ =	sdelay $0x1  }
0x38: {  	s12 =	simm.s32 $0x12  }
0x39: {  	[sflag:s12] =	ssyncadd.s32 $0xFFFFF600  }
.LBB2_1:
0x3a: {  	[dreg:$0xb] =	wrdreg s3  }
0x3b: {  	s1 =	rddreg [dreg:$0x3]  }
0x3c: {  	s12 =	rddreg [dreg:$0x5]  }
0x3d: {  	[spmem:s13], [sflag:s12] =	dma.local [hbm:s1], $0xA00  }
0x3e: {  	s3 =	simm.s32 $0x12;
	s1 =	simm.s32 $0x0;
	s12 =	rddreg [dreg:$0x6]  }
0x3f: {  	[tilespmem:s1], [sflag:$0x12] =	stream.linear.gather [hbm4b:s12+s1], $0x2800, $0x38;
	[tilespmem:$0x11D00] =	vst v63  }
0x40: {  	_ =	swait.ge [sflag:s3], $0x2800  }
0x41: {  	[sflag:s3] =	ssyncset.done $0x0  }
0x42: {  	s13 =	simm.s32 $0x2800;
	s12 =	rddreg [dreg:$0x7];
	[sflag:s3] =	ssyncadd.s32 $0xFFFFD800  }
0x43: {  	[tilespmem:s13], [sflag:$0x12] =	stream.linear.gather [hbm4b:s12+s1], $0x2800, $0x38;
	[tilespmem:$0x11D00] =	vst v63  }
0x44: {  	_ =	swait.ge [sflag:s3], $0x2800  }
0x45: {  	[sflag:s3] =	ssyncset.done $0x0  }
0x46: {  	[sflag:s3] =	ssyncadd.s32 $0xFFFFD800  }
0x47: {  	[tilespmem:s16], [sflag:$0x1] =	stream.indirect.gather [hbm4b:s4+s15], $0x20, s1, s15, $0xb8;
	[tilespmem:$0x11D00] =	vst v63  }
0x48: {  	s12 =	simm.s32 $0x80  }
0x49: {  	[tilespmem:s18], [sflag:$0x2] =	stream.indirect.gather [hbm4b:s4+s15], $0x20, s12, s15, $0xb8;
	[tilespmem:$0x11D00] =	vst v63  }
0x4a: {  	s13 =	simm.s32 $0x100  }
0x4b: {  	[tilespmem:s20], [sflag:$0x3] =	stream.indirect.gather [hbm4b:s4+s15], $0x20, s13, s15, $0xb8;
	[tilespmem:$0x11D00] =	vst v63  }
0x4c: {  	s12 =	simm.s32 $0x180  }
0x4d: {  	[tilespmem:s22], [sflag:$0x4] =	stream.indirect.gather [hbm4b:s4+s15], $0x20, s12, s15, $0xb8;
	[tilespmem:$0x11D00] =	vst v63  }
0x4e: {  	s13 =	simm.s32 $0x200  }
0x4f: {  	[tilespmem:s24], [sflag:$0x5] =	stream.indirect.gather [hbm4b:s4+s15], $0x20, s13, s15, $0xb8;
	[tilespmem:$0x11D00] =	vst v63  }
0x50: {  	s12 =	simm.s32 $0x280  }
0x51: {  	[tilespmem:s26], [sflag:$0x6] =	stream.indirect.gather [hbm4b:s4+s15], $0x20, s12, s15, $0xb8;
	[tilespmem:$0x11D00] =	vst v63  }
0x52: {  	s13 =	simm.s32 $0x300  }
0x53: {  	[tilespmem:s29], [sflag:$0x7] =	stream.indirect.gather [hbm4b:s4+s15], $0x20, s13, s15, $0xb8;
	[tilespmem:$0x11D00] =	vst v63  }
0x54: {  	s12 =	simm.s32 $0x380;
	s13 =	simm.s32 $0x11  }
0x55: {  	[tilespmem:s31], [sflag:$0x8] =	stream.indirect.gather [hbm4b:s4+s15], $0x20, s12, s15, $0xb8;
	[tilespmem:$0x11D00] =	vst v63  }
0x56: {  	s3 =	rddreg [dreg:$0xb];
	_ =	swait.ge [sflag:s13], $0xA00  }
0x57: {  	[sflag:s13] =	ssyncset.done $0x0  }
0x58: {  	[sflag:s13] =	ssyncadd.s32 $0xFFFFF600  }
0x59: {  	s1 =	simm.s32 $0x0;
	[bflag:$0x0] =	sbarrier.arrive $0xFFFF  }
.LBB2_2:
0x5a: {  	_ =	swait.ge [sflag:s0], $0xFA0  }
0x5b: {  	s12 =	sshra.s32 s1, $0x2;
	[sflag:s0] =	ssyncset.done $0x0  }
0x5c: {  	s13 =	sadd.s32 $0x2800, s12;
	[sflag:s0] =	ssyncadd.s32 $0xFFFFF060  }
0x5d: {  	[spmem:s2] =	stream.indirect.scatter.add.f32 [tilespmem:s16], [sflag:$0x9], $0x20, s13, s15, $0xb8;
	[tilespmem:$0x11D00] =	vst v63  }
0x5e: {  	_ =	swait.ge [sflag:s14], $0xFA0  }
0x5f: {  	[sflag:s14] =	ssyncset.done $0x0  }
0x60: {  	s13 =	sadd.s32 $0x2880, s12;
	[sflag:s14] =	ssyncadd.s32 $0xFFFFF060  }
0x61: {  	[spmem:s2] =	stream.indirect.scatter.add.f32 [tilespmem:s18], [sflag:$0xA], $0x20, s13, s15, $0xb8;
	[tilespmem:$0x11D00] =	vst v63  }
0x62: {  	_ =	swait.ge [sflag:s17], $0xFA0  }
0x63: {  	[sflag:s17] =	ssyncset.done $0x0  }
0x64: {  	s13 =	sadd.s32 $0x2900, s12;
	[sflag:s17] =	ssyncadd.s32 $0xFFFFF060  }
0x65: {  	[spmem:s2] =	stream.indirect.scatter.add.f32 [tilespmem:s20], [sflag:$0xB], $0x20, s13, s15, $0xb8;
	[tilespmem:$0x11D00] =	vst v63  }
0x66: {  	_ =	swait.ge [sflag:s19], $0xFA0  }
0x67: {  	[sflag:s19] =	ssyncset.done $0x0  }
0x68: {  	s13 =	sadd.s32 $0x2980, s12;
	[sflag:s19] =	ssyncadd.s32 $0xFFFFF060  }
0x69: {  	[spmem:s2] =	stream.indirect.scatter.add.f32 [tilespmem:s22], [sflag:$0xC], $0x20, s13, s15, $0xb8;
	[tilespmem:$0x11D00] =	vst v63  }
0x6a: {  	_ =	swait.ge [sflag:s21], $0xFA0  }
0x6b: {  	[sflag:s21] =	ssyncset.done $0x0  }
0x6c: {  	s13 =	sadd.s32 $0x2A00, s12;
	[sflag:s21] =	ssyncadd.s32 $0xFFFFF060  }
0x6d: {  	[spmem:s2] =	stream.indirect.scatter.add.f32 [tilespmem:s24], [sflag:$0xD], $0x20, s13, s15, $0xb8;
	[tilespmem:$0x11D00] =	vst v63  }
0x6e: {  	_ =	swait.ge [sflag:s23], $0xFA0  }
0x6f: {  	[sflag:s23] =	ssyncset.done $0x0  }
0x70: {  	s13 =	sadd.s32 $0x2A80, s12;
	[sflag:s23] =	ssyncadd.s32 $0xFFFFF060  }
0x71: {  	[spmem:s2] =	stream.indirect.scatter.add.f32 [tilespmem:s26], [sflag:$0xE], $0x20, s13, s15, $0xb8;
	[tilespmem:$0x11D00] =	vst v63  }
0x72: {  	_ =	swait.ge [sflag:s25], $0xFA0  }
0x73: {  	[sflag:s25] =	ssyncset.done $0x0  }
0x74: {  	s13 =	sadd.s32 $0x2B00, s12;
	[sflag:s25] =	ssyncadd.s32 $0xFFFFF060  }
0x75: {  	[spmem:s2] =	stream.indirect.scatter.add.f32 [tilespmem:s29], [sflag:$0xF], $0x20, s13, s15, $0xb8;
	[tilespmem:$0x11D00] =	vst v63  }
0x76: {  	_ =	swait.ge [sflag:s28], $0xFA0  }
0x77: {  	p0 =	seq.s32 s1, $0x9000;
	[sflag:s28] =	ssyncset.done $0x0  }
.Ltmp2:
0x78: {  	s13 =	sadd.s32 $0x2B80, s12;
	[sflag:s28] =	ssyncadd.s32 $0xFFFFF060;
	(pc) =	sbr.rel @p0 .LBB2_4-.Ltmp2, $4  }
0x79: {  	[spmem:s2] =	stream.indirect.scatter.add.f32 [tilespmem:s31], [sflag:$0x10], $0x20, s13, s15, $0xb8;
	[tilespmem:$0x11D00] =	vst v63  }
0x7a: {  	_ =	swait.ge [sflag:s30], $0xFA0  }
0x7b: {  	[sflag:s30] =	ssyncset.done $0x0  }
0x7c: {  	[sflag:s30] =	ssyncadd.s32 $0xFFFFF060  }
0x7d: {  	s13 =	sadd.s32 $0x400, s12  }
0x7e: {  	[tilespmem:s16], [sflag:$0x1] =	stream.indirect.gather [hbm4b:s4+s15], $0x20, s13, s15, $0xb8;
	[tilespmem:$0x11D00] =	vst v63  }
0x7f: {  	_ =	swait.ge [sflag:s5], $0xFA0  }
0x80: {  	[sflag:s5] =	ssyncset.done $0x0  }
0x81: {  	s13 =	sadd.s32 $0x480, s12;
	[sflag:s5] =	ssyncadd.s32 $0xFFFFF060  }
0x82: {  	[tilespmem:s18], [sflag:$0x2] =	stream.indirect.gather [hbm4b:s4+s15], $0x20, s13, s15, $0xb8;
	[tilespmem:$0x11D00] =	vst v63  }
0x83: {  	_ =	swait.ge [sflag:s7], $0xFA0  }
0x84: {  	[sflag:s7] =	ssyncset.done $0x0  }
0x85: {  	s13 =	sadd.s32 $0x500, s12;
	[sflag:s7] =	ssyncadd.s32 $0xFFFFF060  }
0x86: {  	[tilespmem:s20], [sflag:$0x3] =	stream.indirect.gather [hbm4b:s4+s15], $0x20, s13, s15, $0xb8;
	[tilespmem:$0x11D00] =	vst v63  }
0x87: {  	_ =	swait.ge [sflag:s8], $0xFA0  }
0x88: {  	[sflag:s8] =	ssyncset.done $0x0  }
0x89: {  	s13 =	sadd.s32 $0x580, s12;
	[sflag:s8] =	ssyncadd.s32 $0xFFFFF060  }
0x8a: {  	[tilespmem:s22], [sflag:$0x4] =	stream.indirect.gather [hbm4b:s4+s15], $0x20, s13, s15, $0xb8;
	[tilespmem:$0x11D00] =	vst v63  }
0x8b: {  	_ =	swait.ge [sflag:s9], $0xFA0  }
0x8c: {  	[sflag:s9] =	ssyncset.done $0x0  }
0x8d: {  	s13 =	sadd.s32 $0x600, s12;
	[sflag:s9] =	ssyncadd.s32 $0xFFFFF060  }
0x8e: {  	[tilespmem:s24], [sflag:$0x5] =	stream.indirect.gather [hbm4b:s4+s15], $0x20, s13, s15, $0xb8;
	[tilespmem:$0x11D00] =	vst v63  }
0x8f: {  	_ =	swait.ge [sflag:s10], $0xFA0  }
0x90: {  	[sflag:s10] =	ssyncset.done $0x0  }
0x91: {  	s13 =	sadd.s32 $0x680, s12;
	[sflag:s10] =	ssyncadd.s32 $0xFFFFF060  }
0x92: {  	[tilespmem:s26], [sflag:$0x6] =	stream.indirect.gather [hbm4b:s4+s15], $0x20, s13, s15, $0xb8;
	[tilespmem:$0x11D00] =	vst v63  }
0x93: {  	_ =	swait.ge [sflag:s11], $0xFA0  }
0x94: {  	[sflag:s11] =	ssyncset.done $0x0  }
0x95: {  	s13 =	sadd.s32 $0x700, s12;
	[sflag:s11] =	ssyncadd.s32 $0xFFFFF060  }
0x96: {  	[tilespmem:s29], [sflag:$0x7] =	stream.indirect.gather [hbm4b:s4+s15], $0x20, s13, s15, $0xb8;
	[tilespmem:$0x11D00] =	vst v63  }
.Ltmp3:
0x97: {  	_ = 	snop;
	(pc) =	sbr.rel .LBB2_2-.Ltmp3, $4  }
0x98: {  	_ =	swait.ge [sflag:s6], $0xFA0  }
0x99: {  	[sflag:s6] =	ssyncset.done $0x0  }
0x9a: {  	s1 =	sadd.s32 $0x1000, s1;
	s13 =	sadd.s32 $0x780, s12;
	[sflag:s6] =	ssyncadd.s32 $0xFFFFF060  }
0x9b: {  	[tilespmem:s31], [sflag:$0x8] =	stream.indirect.gather [hbm4b:s4+s15], $0x20, s13, s15, $0xb8;
	[tilespmem:$0x11D00] =	vst v63  }
.LBB2_5:
0x9c: {  	_ =	sfence.sel $0x180000  }
0x9d: {  	[bflag:$0x0] =	sbarrier.arrive $0xFFFF  }
0x9e: {  	_ =	strace $0x9000004A  }
0x9f: {  	s0 =	stileid.u32;
	[bflag:$0x2] =	sbarrier.arrive $0xFFFF  }
0xa0: {  	p0 =	sne.s32 s0, $0x0;
	s0 =	rddreg [dreg:$0x2]  }
0xa1: {  	s0 =	sadd.s32 @!p0 $0x100000, s0  }
0xa2: {  	[sflag:s0] =	ssyncadd.tile.s32 @!p0 $0x1;
	_ =	shalt  }
.Lfunc_end2:
_tile_overlayer_lowered:
.L_overlay_start_2:
0xa3: {  	(tag) =	ssettag $0x2  }
0xa4: {  	s0 =	rddreg [dreg:$0x0];
	s2 =	stileid.u32  }
0xa5: {  	s1 =	rddreg [dreg:$0x1];
	p0 =	sne.s32 s2, $0x0  }
0xa6: {  	s3 =	rddreg [dreg:$0x2];
	[bflag:$0x3] =	sbarrier.arrive $0xFFFF;
	s2 =	simm.s32 @!p0 $0x1C12  }
0xa7: {  	[timem:s3], [sflag:s2] =	dma.local @!p0 [hbm:s0], s1  }
0xa8: {  	s0 =	simm.s32 @!p0 $0x12  }
0xa9: {  	_ =	swait.ge @!p0 [sflag:s0], s1  }
0xaa: {  	s1 =	ssub.s32 @!p0 $0x0, s1;
	[sflag:s0] =	ssyncset.done @!p0 $0x0  }
0xab: {  	[sflag:s0] =	ssyncadd.s32 @!p0 s1  }
0xac: {  	[bflag:$0x3] =	sbarrier.arrive $0xFFFF  }
0xad: {  	_ =	shalt  }

// kernel: kernel.15.cloned.1.call-start
scs
__scs_entry_jumppad:
0x0: {  	(pc) =	sbr.rel $0x88, $3  }
0x1: {  	(tag) =	ssettag $0x0;
	lr =	simm.s32 $0x1  }
0x2: {  	[smem:$0x3F99] =	sst lr;
	_ =	strace $0xD0000000  }
0x3: {  	_ = 	snop  }
0x4: {  	_ = 	snop  }
0x5: {  	_ = 	snop  }
0x6: {  	_ = 	snop  }
0x7: {  	_ = 	snop  }
__scs_overlays_trampoline_lowered:
0x8: {  	[smem:$0x3FA8] =	sst s0  }
0x9: {  	[smem:$0x3FA9] =	sst s1  }
0xa: {  	[smem:$0x3FAA] =	sst s2  }
0xb: {  	[smem:$0x3FAB] =	sst s3  }
0xc: {  	[smem:$0x3FAC] =	sst s4  }
0xd: {  	[smem:$0x3FAD] =	sst s5  }
0xe: {  	[smem:$0x3FAE] =	sst s6  }
0xf: {  	[smem:$0x3FAF] =	sst s7  }
0x10: {  	[smem:$0x3FB0] =	sst s8  }
0x11: {  	[smem:$0x3FB1] =	sst s9;
	s0 =	simm.s32 @!p0 $0x0  }
0x12: {  	s1 =	sld [smem:$0x3F97];
	s0 =	simm.s32 @p0 $0x1  }
0x13: {  	[smem:$0x3FB2] =	sst s0;
	s0 =	simm.s32 @!p1 $0x0  }
0x14: {  	s2 =	sld [smem:$0x3F96];
	s0 =	simm.s32 @p1 $0x1  }
0x15: {  	[smem:$0x3FB3] =	sst s0;
	s0 =	simm.s32 @!p2 $0x0  }
0x16: {  	s3 =	sld [smem:$0x3FDB];
	s0 =	simm.s32 @p2 $0x1  }
0x17: {  	s4 =	simm.s32 $0x1BF5;
	[smem:$0x3FB5] =	sst s0  }
0x18: {  	s0 =	sld [smem:$0x3F98];
	_ =	swait.ge [sflag:s4], $0x0  }
0x19: {  	s7 =	sld [smem:$0x3F99]  }
0x1a: {  	s8 =	sadd.s32 $0xFFFFE003, lr  }
0x1b: {  	s9 =	sadd.s32 $0xFFFFFEF7, lr;
	s5 =	simm.s32 $0xFFFFFFFF;
	p2 =	slt.u32 s8, $0xFFFFF086  }
0x1c: {  	p1 =	slt.u32 s9, $0xF7A;
	s5 =	simm.s32 @!p2 $0x0  }
0x1d: {  	s5 =	simm.s32 @p1 $0x1;
	p0 =	seq.s32 s7, s2  }
0x1e: {  	s7 =	smul.u32 @!p0 $0xF7A, s2;
	p2 =	seq.s32 @!p0 s5, $0x0  }
0x1f: {  	s9 =	smul.u32 $0xF7A, s1;
	s8 =	simm.s32 @!p0 $0x1BF5;
	p2 =	por !p2, p0  }
0x20: {  	[sflag:s8] =	ssyncset.s32 @!p0 $0xFFFFF086;
	s6 =	sadd.s32 @!p0 s3, s7;
	s7 =	simm.s32 @!p0 $0x108  }
0x21: {  	s3 =	sadd.s32 s3, s9;
	s6 =	sadd.s32 @!p0 $0x88, s6;
	s7 =	simm.s32 @p2 $0x1082  }
0x22: {  	[simem:s7], [sflag:s8] =	dma.local @!p0 [hbm:s6], $0xF7A  }
0x23: {  	s9 =	sor.u32 $0xD0000000, s2;
	s6 =	simm.s32 $0x108;
	_ =	swait.ge @!p0 [sflag:s8], $0x0  }
0x24: {  	s3 =	sadd.s32 $0x88, s3;
	s6 =	simm.s32 @!p1 $0x1082;
	[sflag:s4] =	ssyncset.s32 $0xFFFFF086  }
0x25: {  	[simem:s6], [sflag:s4] =	dma.local [hbm:s3], $0xF7A  }
0x26: {  	[smem:$0x3F99] =	sst s1;
	(tag) =	ssettag s2;
	_ =	strace s9  }
0x27: {  	s1 =	sld [smem:$0x3FA9]  }
0x28: {  	s2 =	sld [smem:$0x3FAA]  }
0x29: {  	s4 =	sld [smem:$0x3FAC]  }
0x2a: {  	p0 =	seq.s32 s5, $0x0;
	s5 =	sld [smem:$0x3FAD]  }
0x2b: {  	s6 =	sld [smem:$0x3FAE]  }
0x2c: {  	s7 =	sld [smem:$0x3FAF]  }
0x2d: {  	s3 =	simm.s32 $0x108;
	s8 =	sld [smem:$0x3FB0]  }
0x2e: {  	s3 =	simm.s32 @!p0 $0x1082;
	s9 =	sld [smem:$0x3FB1]  }
0x2f: {  	lr =	sadd.s32 s0, s3;
	s0 =	sld [smem:$0x3FA8]  }
0x30: {  	s3 =	sld [smem:$0x3FAB]  }
0x31: {  	[smem:$0x3FB4] =	sst s10  }
0x32: {  	s10 =	sld [smem:$0x3FB2];
	_ =	sdelay $0x3  }
0x33: {  	p0 =	seq.s32 s10, $0x1;
	s10 =	sld [smem:$0x3FB4];
	_ =	sdelay $0x3  }
0x34: {  	[smem:$0x3FB4] =	sst s10  }
0x35: {  	s10 =	sld [smem:$0x3FB3];
	_ =	sdelay $0x3  }
0x36: {  	p1 =	seq.s32 s10, $0x1;
	s10 =	sld [smem:$0x3FB4];
	_ =	sdelay $0x3  }
0x37: {  	[smem:$0x3FB4] =	sst s10  }
0x38: {  	s10 =	sld [smem:$0x3FB5]  }
0x39: {  	_ = 	snop;
	(pc) =	sbr.ind lr, $3  }
0x3a: {  	_ = 	snop  }
0x3b: {  	_ = 	snop  }
0x3c: {  	p2 =	seq.s32 s10, $0x1;
	s10 =	sld [smem:$0x3FB4]  }
0x3d: {  	_ =	shalt  }
0x3e: {  	_ =	shalt  }
0x3f: {  	_ =	shalt  }
0x40: {  	_ =	shalt  }
0x41: {  	_ =	shalt  }
0x42: {  	_ =	shalt  }
0x43: {  	_ =	shalt  }
0x44: {  	_ =	shalt  }
0x45: {  	_ =	shalt  }
0x46: {  	_ =	shalt  }
0x47: {  	_ =	shalt  }
0x48: {  	_ =	shalt  }
0x49: {  	_ =	shalt  }
0x4a: {  	_ =	shalt  }
0x4b: {  	_ =	shalt  }
0x4c: {  	_ =	shalt  }
0x4d: {  	_ =	shalt  }
0x4e: {  	_ =	shalt  }
0x4f: {  	_ =	shalt  }
0x50: {  	_ =	shalt  }
0x51: {  	_ =	shalt  }
0x52: {  	_ =	shalt  }
0x53: {  	_ =	shalt  }
0x54: {  	_ =	shalt  }
0x55: {  	_ =	shalt  }
0x56: {  	_ =	shalt  }
0x57: {  	_ =	shalt  }
0x58: {  	_ =	shalt  }
0x59: {  	_ =	shalt  }
0x5a: {  	_ =	shalt  }
0x5b: {  	_ =	shalt  }
0x5c: {  	_ =	shalt  }
0x5d: {  	_ =	shalt  }
0x5e: {  	_ =	shalt  }
0x5f: {  	_ =	shalt  }
0x60: {  	_ =	shalt  }
0x61: {  	_ =	shalt  }
0x62: {  	_ =	shalt  }
0x63: {  	_ =	shalt  }
0x64: {  	_ =	shalt  }
0x65: {  	_ =	shalt  }
0x66: {  	_ =	shalt  }
0x67: {  	_ =	shalt  }
0x68: {  	_ =	shalt  }
0x69: {  	_ =	shalt  }
0x6a: {  	_ =	shalt  }
0x6b: {  	_ =	shalt  }
0x6c: {  	_ =	shalt  }
0x6d: {  	_ =	shalt  }
0x6e: {  	_ =	shalt  }
0x6f: {  	_ =	shalt  }
0x70: {  	_ =	shalt  }
0x71: {  	_ =	shalt  }
0x72: {  	_ =	shalt  }
0x73: {  	_ =	shalt  }
0x74: {  	_ =	shalt  }
0x75: {  	_ =	shalt  }
0x76: {  	_ =	shalt  }
0x77: {  	_ =	shalt  }
0x78: {  	_ =	shalt  }
0x79: {  	_ =	shalt  }
0x7a: {  	_ =	shalt  }
0x7b: {  	_ =	shalt  }
0x7c: {  	_ =	shalt  }
0x7d: {  	_ =	shalt  }
0x7e: {  	_ =	shalt  }
0x7f: {  	_ =	shalt  }
0x80: {  	_ =	shalt  }
0x81: {  	_ =	shalt  }
0x82: {  	_ =	shalt  }
0x83: {  	_ =	shalt  }
0x84: {  	_ =	shalt  }
0x85: {  	_ =	shalt  }
0x86: {  	_ =	shalt  }
0x87: {  	_ =	shalt  }
.Lfunc_end0:
.L_simem_size_0:
called_computation.2_lowered:
.L_overlay_start_0:
0x88: {  	s2 =	sld [smem:$0x3FD9]  }
0x89: {  	s3 =	sld [smem:$0x3FFE];
	_ =	sdelay $0x1  }
0x8a: {  	s1 =	srdreg.scid  }
0x8b: {  	s0 =	sand.u32 $0x1, s1  }
0x8c: {  	s16 =	sshll.u32 s0, $0xA;
	s2 =	sadd.s32 s3, s2  }
0x8d: {  	s2 =	sadd.s32 s2, s16  }
0x8e: {  	[smem:$0x3FC0] =	sst s2  }
0x8f: {  	_ = 	snop  }
0x90: {  	(tm) =	ssettm $0x1  }
0x91: {  	s17 =	sld [smem:$0x3FFB];
	_ =	sdelay $0x3  }
0x92: {  	_ =	strace s17  }
0x93: {  	s2 =	sld [smem:$0x3FFC];
	_ =	sdelay $0x3  }
0x94: {  	_ =	strace s2  }
0x95: {  	s2 =	sld [smem:$0x3FFD];
	_ =	sdelay $0x3  }
0x96: {  	_ =	strace s2  }
0x97: {  	_ =	strace $0x8FFFFFFF  }
0x98: {  	s18 =	sld [smem:$0x3FDB];
	_ =	sdelay $0x1  }
0x99: {  	s19 =	simm.s32 $_scs_section_size  }
0x9a: {  	s4 =	simm.s32 $_size__tile_overlayer_lowered;
	s5 =	simm.s32 $_tile_overlayer_lowered  }
0x9b: {  	s22 =	simm.s32 $0x1BFF;
	s21 =	sshll.u32 s5, $0x1;
	s2 =	sadd.s32 s19, s18  }
0x9c: {  	s6 =	simm.s32 $0x0;
	s20 =	sshll.u32 s4, $0x1;
	s4 =	sadd.s32 s21, s2  }
0x9d: {  	[timem:s6], [sflag:s22] =	dma.local [hbm:s4], s20  }
0x9e: {  	_ =	swait.ge [sflag:s22], s20  }
0x9f: {  	s3 =	ssub.s32 $0x0, s20;
	[sflag:s22] =	ssyncset.done $0x0  }
0xa0: {  	[sflag:s22] =	ssyncadd.s32 s3;
	_ =	sdelay $0x1  }
0xa1: {  	s23 =	simm.s32 $0x1B8B  }
0xa2: {  	_ =	swait.ge [sflag:s23], $0x1  }
0xa3: {  	[sflag:s23] =	ssyncset.done $0x0  }
0xa4: {  	s25 =	simm.s32 $0x1B8E;
	s24 =	sld [smem:$0x3FFE];
	[sflag:s23] =	ssyncadd.s32 $0xFFFFFFFF  }
0xa5: {  	s26 =	simm.s32 $execute0_lowered;
	[smem:$0x3FD2] =	sst s25  }
0xa6: {  	s4 =	sshll.u32 s26, $0x1;
	_ =	strace $0x8000004C;
	[dreg:$0x1] =	wrdreg $0xFFFFFFFF  }
0xa7: {  	s28 =	simm.s32 $_size_execute0_lowered;
	s2 =	sadd.s32 s2, s4;
	[dreg:$0x0] =	wrdreg $0x0  }
0xa8: {  	s4 =	sshll.u32 s28, $0x1;
	[dreg:$0x2] =	wrdreg s2  }
0xa9: {  	[dreg:$0x3] =	wrdreg s4  }
0xaa: {  	[dreg:$0x4] =	wrdreg $0xC0  }
0xab: {  	_ =	task [dreg:s6], $0x5FFFF  }
0xac: {  	[dreg:$0x1] =	wrdreg $0xFFFFFFFF  }
0xad: {  	[dreg:$0x0] =	wrdreg $0x60  }
0xae: {  	[dreg:$0x2] =	wrdreg s24  }
0xaf: {  	[dreg:$0x3] =	wrdreg $0xCD000  }
0xb0: {  	[dreg:$0x4] =	wrdreg $0x9  }
0xb1: {  	_ =	task.clear_ibuf [dreg:s6], $0x5FFFF;
	_ =	strace $0x9000004C  }
0xb2: {  	s29 =	simm.s32 $0x9;
	_ =	strace $0x8000004E  }
0xb3: {  	_ =	swait.ge [sflag:s29], $0x1  }
0xb4: {  	[sflag:s29] =	ssyncadd.s32 $0xFFFFFFFF  }
0xb5: {  	_ =	strace $0x9000004E  }
0xb6: {  	_ =	sfence  }
0xb7: {  	s30 =	sld [smem:$0x0];
	_ =	sdelay $0x2  }
0xb8: {  	s31 =	sshll.u32 s1, $0xD;
	s1 =	sshrl.u32 s1, $0x2  }
0xb9: {  	s3 =	sand.u32 $0x4000, s31;
	s1 =	sadd.s32 s1, s30  }
0xba: {  	s0 =	sor.u32 s3, s0;
	s1 =	sshll.u32 s1, $0x11  }
0xbb: {  	s0 =	sor.u32 s1, s0  }
0xbc: {  	s0 =	sadd.s32 $0x8F2B, s0  }
0xbd: {  	[sflag:s0] =	ssyncadd.remote.s32 $0x1  }
0xbe: {  	_ =	sfence.sel $0xFFFF  }
0xbf: {  	[dreg:$0x0] =	wrdreg $0xFFFFFFFF;
	(pc) =	sbr.abs _section_cstart, $3  }
0xc0: {  	[dreg:$0x1] =	wrdreg $0xFFFFFFFF  }
0xc1: {  	_ =	task.clear_ibuf [dreg:s6], $0x2FFFF;
	_ =	strace $0x9FFFFFFF  }
0xc2: {  	(tm) =	ssettm $0x7FFFFFFF  }
0xc3: {  	_ =	shalt  }
tec
execute0_lowered:
.L_overlay_start_1:
0x0: {  	(tag) =	ssettag $0x1  }
0x1: {  	s0 =	srdreg.scid;
	s3 =	rddreg [dreg:$0x0]  }
0x2: {  	s9 =	stileid.u32;
	s2 =	rddreg [dreg:$0x1];
	s4 =	simm.s32 $0x0  }
0x3: {  	s15 =	simm.s32 $0x7D;
	s16 =	simm.s32 $0x5000;
	s18 =	simm.s32 $0x5FA0  }
0x4: {  	s20 =	simm.s32 $0x6F40;
	s22 =	simm.s32 $0x7EE0;
	s29 =	simm.s32 $0xADC0  }
0x5: {  	s31 =	simm.s32 $0xBD60;
	s14 =	simm.s32 $0x2;
	s17 =	simm.s32 $0x3  }
0x6: {  	s19 =	simm.s32 $0x4;
	s21 =	simm.s32 $0x5;
	s28 =	simm.s32 $0x8  }
0x7: {  	s30 =	simm.s32 $0x9;
	s10 =	simm.s32 $0xE;
	s11 =	simm.s32 $0xF  }
0x8: {  	s0 =	sand.u32 $0x1, s0;
	s1 =	sshll.u32 s9, $0x1;
	s5 =	smul.u32 $0x5000, s9  }
0x9: {  	[smem:$0x7FF] =	sst s4;
	s4 =	sadd.s32 $0x17000, s3;
	s24 =	sshll.u32 s9, $0x6  }
0xa: {  	s9 =	simm.s32 $0xD;
	s1 =	sor.u32 s0, s1;
	s6 =	smul.u32 $0x50000, s0  }
0xb: {  	_ =	strace $0x8000004D;
	s0 =	ssub.s32 $0x2, s0;
	[dreg:$0x4] =	wrdreg s24  }
0xc: {  	s1 =	smul.u32 $0x2800, s1;
	s7 =	sshrl.u32 s5, $0x3;
	s8 =	sshrl.u32 s0, $0x1  }
0xd: {  	s6 =	sadd.s32 s5, s6;
	s7 =	sadd.s32 s7, s3;
	s0 =	ssub.s32 s0, s8  }
0xe: {  	s5 =	sadd.s32 s5, s2;
	s8 =	simm.s32 $0xC;
	s1 =	sshrl.u32 s1, $0x3  }
0xf: {  	s6 =	sshrl.u32 s6, $0x3;
	s23 =	sadd.s32 $0x21000, s7;
	s0 =	smax.u32 s0, $0x1  }
0x10: {  	s13 =	sshrl.u32 s5, $0x3;
	s5 =	simm.s32 $0xA;
	s7 =	simm.s32 $0xB  }
0x11: {  	s1 =	sadd.s32 s1, s3;
	s3 =	sadd.s32 s6, s3;
	[dreg:$0x3] =	wrdreg s23  }
0x12: {  	s6 =	sor.u32 $0x1C11, s24;
	[dreg:$0x9] =	wrdreg s0;
	s24 =	simm.s32 $0x8E80  }
.Ltmp0:
0x13: {  	s0 =	simm.s32 $0x1;
	[dreg:$0xa] =	wrdreg s13;
	(pc) =	sbr.rel .LBB2_1-.Ltmp0, $4  }
0x14: {  	s23 =	simm.s32 $0x6;
	[dreg:$0x5] =	wrdreg s6;
	s25 =	sadd.s32 $0x3000, s1  }
0x15: {  	s1 =	sadd.s32 $0xD000, s1;
	s26 =	sadd.s32 $0x2B000, s3;
	[dreg:$0x6] =	wrdreg s25  }
0x16: {  	s6 =	simm.s32 $0x10;
	s3 =	simm.s32 $0x0;
	[dreg:$0x7] =	wrdreg s1  }
0x17: {  	[dreg:$0x8] =	wrdreg s26;
	s26 =	simm.s32 $0x9E20;
	s25 =	simm.s32 $0x7  }
.LBB2_4:
0x18: {  	_ =	swait.ge [sflag:s5], $0xFA0  }
0x19: {  	[sflag:s5] =	ssyncset.done $0x0  }
0x1a: {  	[sflag:s5] =	ssyncadd.s32 $0xFFFFF060  }
0x1b: {  	_ =	swait.ge [sflag:s7], $0xFA0  }
0x1c: {  	[sflag:s7] =	ssyncset.done $0x0  }
0x1d: {  	[sflag:s7] =	ssyncadd.s32 $0xFFFFF060  }
0x1e: {  	_ =	swait.ge [sflag:s8], $0xFA0  }
0x1f: {  	[sflag:s8] =	ssyncset.done $0x0  }
0x20: {  	[sflag:s8] =	ssyncadd.s32 $0xFFFFF060  }
0x21: {  	_ =	swait.ge [sflag:s9], $0xFA0  }
0x22: {  	[sflag:s9] =	ssyncset.done $0x0  }
0x23: {  	[sflag:s9] =	ssyncadd.s32 $0xFFFFF060  }
0x24: {  	_ =	swait.ge [sflag:s10], $0xFA0  }
0x25: {  	[sflag:s10] =	ssyncset.done $0x0  }
0x26: {  	[sflag:s10] =	ssyncadd.s32 $0xFFFFF060  }
0x27: {  	_ =	swait.ge [sflag:s11], $0xFA0  }
0x28: {  	[sflag:s11] =	ssyncset.done $0x0  }
0x29: {  	[sflag:s11] =	ssyncadd.s32 $0xFFFFF060  }
0x2a: {  	_ =	swait.ge [sflag:s6], $0xFA0  }
0x2b: {  	[sflag:s6] =	ssyncset.done $0x0  }
0x2c: {  	[sflag:s6] =	ssyncadd.s32 $0xFFFFF060  }
0x2d: {  	[bflag:$0x0] =	sbarrier.arrive $0xFFFF  }
0x2e: {  	s1 =	rddreg [dreg:$0x4]  }
0x2f: {  	s12 =	rddreg [dreg:$0x8]  }
0x30: {  	s13 =	rddreg [dreg:$0xa];
	s1 =	sor.u32 $0x1C12, s1  }
0x31: {  	[hbm:s12], [sflag:s1] =	dma.local [spmem:s13], $0xA00  }
0x32: {  	s12 =	simm.s32 $0x12  }
0x33: {  	_ =	swait.ge [sflag:s12], $0xA00  }
0x34: {  	s3 =	sadd.s32 $0x1, s3;
	[sflag:s12] =	ssyncset.done $0x0;
	s12 =	rddreg [dreg:$0x9]  }
0x35: {  	p0 =	sne.s32 s3, s12  }
.Ltmp1:
0x36: {  	_ = 	snop;
	(pc) =	sbr.rel @!p0 .LBB2_5-.Ltmp1, $3  }
0x37: {  	_ =	sdelay $0x1  }
0x38: {  	s12 =	simm.s32 $0x12  }
0x39: {  	[sflag:s12] =	ssyncadd.s32 $0xFFFFF600  }
.LBB2_1:
0x3a: {  	[dreg:$0xb] =	wrdreg s3  }
0x3b: {  	s1 =	rddreg [dreg:$0x3]  }
0x3c: {  	s12 =	rddreg [dreg:$0x5]  }
0x3d: {  	[spmem:s13], [sflag:s12] =	dma.local [hbm:s1], $0xA00  }
0x3e: {  	s3 =	simm.s32 $0x12;
	s1 =	simm.s32 $0x0;
	s12 =	rddreg [dreg:$0x6]  }
0x3f: {  	[tilespmem:s1], [sflag:$0x12] =	stream.linear.gather [hbm4b:s12+s1], $0x2800, $0x38;
	[tilespmem:$0x11D00] =	vst v63  }
0x40: {  	_ =	swait.ge [sflag:s3], $0x2800  }
0x41: {  	[sflag:s3] =	ssyncset.done $0x0  }
0x42: {  	s13 =	simm.s32 $0x2800;
	s12 =	rddreg [dreg:$0x7];
	[sflag:s3] =	ssyncadd.s32 $0xFFFFD800  }
0x43: {  	[tilespmem:s13], [sflag:$0x12] =	stream.linear.gather [hbm4b:s12+s1], $0x2800, $0x38;
	[tilespmem:$0x11D00] =	vst v63  }
0x44: {  	_ =	swait.ge [sflag:s3], $0x2800  }
0x45: {  	[sflag:s3] =	ssyncset.done $0x0  }
0x46: {  	[sflag:s3] =	ssyncadd.s32 $0xFFFFD800  }
0x47: {  	[tilespmem:s16], [sflag:$0x1] =	stream.indirect.gather [hbm4b:s4+s15], $0x20, s1, s15, $0xb8;
	[tilespmem:$0x11D00] =	vst v63  }
0x48: {  	s12 =	simm.s32 $0x80  }
0x49: {  	[tilespmem:s18], [sflag:$0x2] =	stream.indirect.gather [hbm4b:s4+s15], $0x20, s12, s15, $0xb8;
	[tilespmem:$0x11D00] =	vst v63  }
0x4a: {  	s13 =	simm.s32 $0x100  }
0x4b: {  	[tilespmem:s20], [sflag:$0x3] =	stream.indirect.gather [hbm4b:s4+s15], $0x20, s13, s15, $0xb8;
	[tilespmem:$0x11D00] =	vst v63  }
0x4c: {  	s12 =	simm.s32 $0x180  }
0x4d: {  	[tilespmem:s22], [sflag:$0x4] =	stream.indirect.gather [hbm4b:s4+s15], $0x20, s12, s15, $0xb8;
	[tilespmem:$0x11D00] =	vst v63  }
0x4e: {  	s13 =	simm.s32 $0x200  }
0x4f: {  	[tilespmem:s24], [sflag:$0x5] =	stream.indirect.gather [hbm4b:s4+s15], $0x20, s13, s15, $0xb8;
	[tilespmem:$0x11D00] =	vst v63  }
0x50: {  	s12 =	simm.s32 $0x280  }
0x51: {  	[tilespmem:s26], [sflag:$0x6] =	stream.indirect.gather [hbm4b:s4+s15], $0x20, s12, s15, $0xb8;
	[tilespmem:$0x11D00] =	vst v63  }
0x52: {  	s13 =	simm.s32 $0x300  }
0x53: {  	[tilespmem:s29], [sflag:$0x7] =	stream.indirect.gather [hbm4b:s4+s15], $0x20, s13, s15, $0xb8;
	[tilespmem:$0x11D00] =	vst v63  }
0x54: {  	s12 =	simm.s32 $0x380;
	s13 =	simm.s32 $0x11  }
0x55: {  	[tilespmem:s31], [sflag:$0x8] =	stream.indirect.gather [hbm4b:s4+s15], $0x20, s12, s15, $0xb8;
	[tilespmem:$0x11D00] =	vst v63  }
0x56: {  	s3 =	rddreg [dreg:$0xb];
	_ =	swait.ge [sflag:s13], $0xA00  }
0x57: {  	[sflag:s13] =	ssyncset.done $0x0  }
0x58: {  	[sflag:s13] =	ssyncadd.s32 $0xFFFFF600  }
0x59: {  	s1 =	simm.s32 $0x0;
	[bflag:$0x0] =	sbarrier.arrive $0xFFFF  }
.LBB2_2:
0x5a: {  	_ =	swait.ge [sflag:s0], $0xFA0  }
0x5b: {  	s12 =	sshra.s32 s1, $0x2;
	[sflag:s0] =	ssyncset.done $0x0  }
0x5c: {  	s13 =	sadd.s32 $0x2800, s12;
	[sflag:s0] =	ssyncadd.s32 $0xFFFFF060  }
0x5d: {  	[spmem:s2] =	stream.indirect.scatter.add.f32 [tilespmem:s16], [sflag:$0x9], $0x20, s13, s15, $0xb8;
	[tilespmem:$0x11D00] =	vst v63  }
0x5e: {  	_ =	swait.ge [sflag:s14], $0xFA0  }
0x5f: {  	[sflag:s14] =	ssyncset.done $0x0  }
0x60: {  	s13 =	sadd.s32 $0x2880, s12;
	[sflag:s14] =	ssyncadd.s32 $0xFFFFF060  }
0x61: {  	[spmem:s2] =	stream.indirect.scatter.add.f32 [tilespmem:s18], [sflag:$0xA], $0x20, s13, s15, $0xb8;
	[tilespmem:$0x11D00] =	vst v63  }
0x62: {  	_ =	swait.ge [sflag:s17], $0xFA0  }
0x63: {  	[sflag:s17] =	ssyncset.done $0x0  }
0x64: {  	s13 =	sadd.s32 $0x2900, s12;
	[sflag:s17] =	ssyncadd.s32 $0xFFFFF060  }
0x65: {  	[spmem:s2] =	stream.indirect.scatter.add.f32 [tilespmem:s20], [sflag:$0xB], $0x20, s13, s15, $0xb8;
	[tilespmem:$0x11D00] =	vst v63  }
0x66: {  	_ =	swait.ge [sflag:s19], $0xFA0  }
0x67: {  	[sflag:s19] =	ssyncset.done $0x0  }
0x68: {  	s13 =	sadd.s32 $0x2980, s12;
	[sflag:s19] =	ssyncadd.s32 $0xFFFFF060  }
0x69: {  	[spmem:s2] =	stream.indirect.scatter.add.f32 [tilespmem:s22], [sflag:$0xC], $0x20, s13, s15, $0xb8;
	[tilespmem:$0x11D00] =	vst v63  }
0x6a: {  	_ =	swait.ge [sflag:s21], $0xFA0  }
0x6b: {  	[sflag:s21] =	ssyncset.done $0x0  }
0x6c: {  	s13 =	sadd.s32 $0x2A00, s12;
	[sflag:s21] =	ssyncadd.s32 $0xFFFFF060  }
0x6d: {  	[spmem:s2] =	stream.indirect.scatter.add.f32 [tilespmem:s24], [sflag:$0xD], $0x20, s13, s15, $0xb8;
	[tilespmem:$0x11D00] =	vst v63  }
0x6e: {  	_ =	swait.ge [sflag:s23], $0xFA0  }
0x6f: {  	[sflag:s23] =	ssyncset.done $0x0  }
0x70: {  	s13 =	sadd.s32 $0x2A80, s12;
	[sflag:s23] =	ssyncadd.s32 $0xFFFFF060  }
0x71: {  	[spmem:s2] =	stream.indirect.scatter.add.f32 [tilespmem:s26], [sflag:$0xE], $0x20, s13, s15, $0xb8;
	[tilespmem:$0x11D00] =	vst v63  }
0x72: {  	_ =	swait.ge [sflag:s25], $0xFA0  }
0x73: {  	[sflag:s25] =	ssyncset.done $0x0  }
0x74: {  	s13 =	sadd.s32 $0x2B00, s12;
	[sflag:s25] =	ssyncadd.s32 $0xFFFFF060  }
0x75: {  	[spmem:s2] =	stream.indirect.scatter.add.f32 [tilespmem:s29], [sflag:$0xF], $0x20, s13, s15, $0xb8;
	[tilespmem:$0x11D00] =	vst v63  }
0x76: {  	_ =	swait.ge [sflag:s28], $0xFA0  }
0x77: {  	p0 =	seq.s32 s1, $0x9000;
	[sflag:s28] =	ssyncset.done $0x0  }
.Ltmp2:
0x78: {  	s13 =	sadd.s32 $0x2B80, s12;
	[sflag:s28] =	ssyncadd.s32 $0xFFFFF060;
	(pc) =	sbr.rel @p0 .LBB2_4-.Ltmp2, $4  }
0x79: {  	[spmem:s2] =	stream.indirect.scatter.add.f32 [tilespmem:s31], [sflag:$0x10], $0x20, s13, s15, $0xb8;
	[tilespmem:$0x11D00] =	vst v63  }
0x7a: {  	_ =	swait.ge [sflag:s30], $0xFA0  }
0x7b: {  	[sflag:s30] =	ssyncset.done $0x0  }
0x7c: {  	[sflag:s30] =	ssyncadd.s32 $0xFFFFF060  }
0x7d: {  	s13 =	sadd.s32 $0x400, s12  }
0x7e: {  	[tilespmem:s16], [sflag:$0x1] =	stream.indirect.gather [hbm4b:s4+s15], $0x20, s13, s15, $0xb8;
	[tilespmem:$0x11D00] =	vst v63  }
0x7f: {  	_ =	swait.ge [sflag:s5], $0xFA0  }
0x80: {  	[sflag:s5] =	ssyncset.done $0x0  }
0x81: {  	s13 =	sadd.s32 $0x480, s12;
	[sflag:s5] =	ssyncadd.s32 $0xFFFFF060  }
0x82: {  	[tilespmem:s18], [sflag:$0x2] =	stream.indirect.gather [hbm4b:s4+s15], $0x20, s13, s15, $0xb8;
	[tilespmem:$0x11D00] =	vst v63  }
0x83: {  	_ =	swait.ge [sflag:s7], $0xFA0  }
0x84: {  	[sflag:s7] =	ssyncset.done $0x0  }
0x85: {  	s13 =	sadd.s32 $0x500, s12;
	[sflag:s7] =	ssyncadd.s32 $0xFFFFF060  }
0x86: {  	[tilespmem:s20], [sflag:$0x3] =	stream.indirect.gather [hbm4b:s4+s15], $0x20, s13, s15, $0xb8;
	[tilespmem:$0x11D00] =	vst v63  }
0x87: {  	_ =	swait.ge [sflag:s8], $0xFA0  }
0x88: {  	[sflag:s8] =	ssyncset.done $0x0  }
0x89: {  	s13 =	sadd.s32 $0x580, s12;
	[sflag:s8] =	ssyncadd.s32 $0xFFFFF060  }
0x8a: {  	[tilespmem:s22], [sflag:$0x4] =	stream.indirect.gather [hbm4b:s4+s15], $0x20, s13, s15, $0xb8;
	[tilespmem:$0x11D00] =	vst v63  }
0x8b: {  	_ =	swait.ge [sflag:s9], $0xFA0  }
0x8c: {  	[sflag:s9] =	ssyncset.done $0x0  }
0x8d: {  	s13 =	sadd.s32 $0x600, s12;
	[sflag:s9] =	ssyncadd.s32 $0xFFFFF060  }
0x8e: {  	[tilespmem:s24], [sflag:$0x5] =	stream.indirect.gather [hbm4b:s4+s15], $0x20, s13, s15, $0xb8;
	[tilespmem:$0x11D00] =	vst v63  }
0x8f: {  	_ =	swait.ge [sflag:s10], $0xFA0  }
0x90: {  	[sflag:s10] =	ssyncset.done $0x0  }
0x91: {  	s13 =	sadd.s32 $0x680, s12;
	[sflag:s10] =	ssyncadd.s32 $0xFFFFF060  }
0x92: {  	[tilespmem:s26], [sflag:$0x6] =	stream.indirect.gather [hbm4b:s4+s15], $0x20, s13, s15, $0xb8;
	[tilespmem:$0x11D00] =	vst v63  }
0x93: {  	_ =	swait.ge [sflag:s11], $0xFA0  }
0x94: {  	[sflag:s11] =	ssyncset.done $0x0  }
0x95: {  	s13 =	sadd.s32 $0x700, s12;
	[sflag:s11] =	ssyncadd.s32 $0xFFFFF060  }
0x96: {  	[tilespmem:s29], [sflag:$0x7] =	stream.indirect.gather [hbm4b:s4+s15], $0x20, s13, s15, $0xb8;
	[tilespmem:$0x11D00] =	vst v63  }
.Ltmp3:
0x97: {  	_ = 	snop;
	(pc) =	sbr.rel .LBB2_2-.Ltmp3, $4  }
0x98: {  	_ =	swait.ge [sflag:s6], $0xFA0  }
0x99: {  	[sflag:s6] =	ssyncset.done $0x0  }
0x9a: {  	s1 =	sadd.s32 $0x1000, s1;
	s13 =	sadd.s32 $0x780, s12;
	[sflag:s6] =	ssyncadd.s32 $0xFFFFF060  }
0x9b: {  	[tilespmem:s31], [sflag:$0x8] =	stream.indirect.gather [hbm4b:s4+s15], $0x20, s13, s15, $0xb8;
	[tilespmem:$0x11D00] =	vst v63  }
.LBB2_5:
0x9c: {  	_ =	sfence.sel $0x180000  }
0x9d: {  	[bflag:$0x0] =	sbarrier.arrive $0xFFFF  }
0x9e: {  	_ =	strace $0x9000004D  }
0x9f: {  	s0 =	stileid.u32;
	[bflag:$0x2] =	sbarrier.arrive $0xFFFF  }
0xa0: {  	p0 =	sne.s32 s0, $0x0;
	s0 =	rddreg [dreg:$0x2]  }
0xa1: {  	s0 =	sadd.s32 @!p0 $0x100000, s0  }
0xa2: {  	[sflag:s0] =	ssyncadd.tile.s32 @!p0 $0x1;
	_ =	shalt  }
.Lfunc_end2:
_tile_overlayer_lowered:
.L_overlay_start_2:
0xa3: {  	(tag) =	ssettag $0x2  }
0xa4: {  	s0 =	rddreg [dreg:$0x0];
	s2 =	stileid.u32  }
0xa5: {  	s1 =	rddreg [dreg:$0x1];
	p0 =	sne.s32 s2, $0x0  }
0xa6: {  	s3 =	rddreg [dreg:$0x2];
	[bflag:$0x3] =	sbarrier.arrive $0xFFFF;
	s2 =	simm.s32 @!p0 $0x1C12  }
0xa7: {  	[timem:s3], [sflag:s2] =	dma.local @!p0 [hbm:s0], s1  }
0xa8: {  	s0 =	simm.s32 @!p0 $0x12  }
0xa9: {  	_ =	swait.ge @!p0 [sflag:s0], s1  }
0xaa: {  	s1 =	ssub.s32 @!p0 $0x0, s1;
	[sflag:s0] =	ssyncset.done @!p0 $0x0  }
0xab: {  	[sflag:s0] =	ssyncadd.s32 @!p0 s1  }
0xac: {  	[bflag:$0x3] =	sbarrier.arrive $0xFFFF  }
0xad: {  	_ =	shalt  }

// kernel: kernel.9.cloned.1.call-start
scs
__scs_entry_jumppad:
0x0: {  	(pc) =	sbr.rel $0x88, $3  }
0x1: {  	(tag) =	ssettag $0x0;
	lr =	simm.s32 $0x1  }
0x2: {  	[smem:$0x3F99] =	sst lr;
	_ =	strace $0xD0000000  }
0x3: {  	_ = 	snop  }
0x4: {  	_ = 	snop  }
0x5: {  	_ = 	snop  }
0x6: {  	_ = 	snop  }
0x7: {  	_ = 	snop  }
__scs_overlays_trampoline_lowered:
0x8: {  	[smem:$0x3FA8] =	sst s0  }
0x9: {  	[smem:$0x3FA9] =	sst s1  }
0xa: {  	[smem:$0x3FAA] =	sst s2  }
0xb: {  	[smem:$0x3FAB] =	sst s3  }
0xc: {  	[smem:$0x3FAC] =	sst s4  }
0xd: {  	[smem:$0x3FAD] =	sst s5  }
0xe: {  	[smem:$0x3FAE] =	sst s6  }
0xf: {  	[smem:$0x3FAF] =	sst s7  }
0x10: {  	[smem:$0x3FB0] =	sst s8  }
0x11: {  	[smem:$0x3FB1] =	sst s9;
	s0 =	simm.s32 @!p0 $0x0  }
0x12: {  	s1 =	sld [smem:$0x3F97];
	s0 =	simm.s32 @p0 $0x1  }
0x13: {  	[smem:$0x3FB2] =	sst s0;
	s0 =	simm.s32 @!p1 $0x0  }
0x14: {  	s2 =	sld [smem:$0x3F96];
	s0 =	simm.s32 @p1 $0x1  }
0x15: {  	[smem:$0x3FB3] =	sst s0;
	s0 =	simm.s32 @!p2 $0x0  }
0x16: {  	s3 =	sld [smem:$0x3FDB];
	s0 =	simm.s32 @p2 $0x1  }
0x17: {  	s4 =	simm.s32 $0x1BF5;
	[smem:$0x3FB5] =	sst s0  }
0x18: {  	s0 =	sld [smem:$0x3F98];
	_ =	swait.ge [sflag:s4], $0x0  }
0x19: {  	s7 =	sld [smem:$0x3F99]  }
0x1a: {  	s8 =	sadd.s32 $0xFFFFE003, lr  }
0x1b: {  	s9 =	sadd.s32 $0xFFFFFEF7, lr;
	s5 =	simm.s32 $0xFFFFFFFF;
	p2 =	slt.u32 s8, $0xFFFFF086  }
0x1c: {  	p1 =	slt.u32 s9, $0xF7A;
	s5 =	simm.s32 @!p2 $0x0  }
0x1d: {  	s5 =	simm.s32 @p1 $0x1;
	p0 =	seq.s32 s7, s2  }
0x1e: {  	s7 =	smul.u32 @!p0 $0xF7A, s2;
	p2 =	seq.s32 @!p0 s5, $0x0  }
0x1f: {  	s9 =	smul.u32 $0xF7A, s1;
	s8 =	simm.s32 @!p0 $0x1BF5;
	p2 =	por !p2, p0  }
0x20: {  	[sflag:s8] =	ssyncset.s32 @!p0 $0xFFFFF086;
	s6 =	sadd.s32 @!p0 s3, s7;
	s7 =	simm.s32 @!p0 $0x108  }
0x21: {  	s3 =	sadd.s32 s3, s9;
	s6 =	sadd.s32 @!p0 $0x88, s6;
	s7 =	simm.s32 @p2 $0x1082  }
0x22: {  	[simem:s7], [sflag:s8] =	dma.local @!p0 [hbm:s6], $0xF7A  }
0x23: {  	s9 =	sor.u32 $0xD0000000, s2;
	s6 =	simm.s32 $0x108;
	_ =	swait.ge @!p0 [sflag:s8], $0x0  }
0x24: {  	s3 =	sadd.s32 $0x88, s3;
	s6 =	simm.s32 @!p1 $0x1082;
	[sflag:s4] =	ssyncset.s32 $0xFFFFF086  }
0x25: {  	[simem:s6], [sflag:s4] =	dma.local [hbm:s3], $0xF7A  }
0x26: {  	[smem:$0x3F99] =	sst s1;
	(tag) =	ssettag s2;
	_ =	strace s9  }
0x27: {  	s1 =	sld [smem:$0x3FA9]  }
0x28: {  	s2 =	sld [smem:$0x3FAA]  }
0x29: {  	s4 =	sld [smem:$0x3FAC]  }
0x2a: {  	p0 =	seq.s32 s5, $0x0;
	s5 =	sld [smem:$0x3FAD]  }
0x2b: {  	s6 =	sld [smem:$0x3FAE]  }
0x2c: {  	s7 =	sld [smem:$0x3FAF]  }
0x2d: {  	s3 =	simm.s32 $0x108;
	s8 =	sld [smem:$0x3FB0]  }
0x2e: {  	s3 =	simm.s32 @!p0 $0x1082;
	s9 =	sld [smem:$0x3FB1]  }
0x2f: {  	lr =	sadd.s32 s0, s3;
	s0 =	sld [smem:$0x3FA8]  }
0x30: {  	s3 =	sld [smem:$0x3FAB]  }
0x31: {  	[smem:$0x3FB4] =	sst s10  }
0x32: {  	s10 =	sld [smem:$0x3FB2];
	_ =	sdelay $0x3  }
0x33: {  	p0 =	seq.s32 s10, $0x1;
	s10 =	sld [smem:$0x3FB4];
	_ =	sdelay $0x3  }
0x34: {  	[smem:$0x3FB4] =	sst s10  }
0x35: {  	s10 =	sld [smem:$0x3FB3];
	_ =	sdelay $0x3  }
0x36: {  	p1 =	seq.s32 s10, $0x1;
	s10 =	sld [smem:$0x3FB4];
	_ =	sdelay $0x3  }
0x37: {  	[smem:$0x3FB4] =	sst s10  }
0x38: {  	s10 =	sld [smem:$0x3FB5]  }
0x39: {  	_ = 	snop;
	(pc) =	sbr.ind lr, $3  }
0x3a: {  	_ = 	snop  }
0x3b: {  	_ = 	snop  }
0x3c: {  	p2 =	seq.s32 s10, $0x1;
	s10 =	sld [smem:$0x3FB4]  }
0x3d: {  	_ =	shalt  }
0x3e: {  	_ =	shalt  }
0x3f: {  	_ =	shalt  }
0x40: {  	_ =	shalt  }
0x41: {  	_ =	shalt  }
0x42: {  	_ =	shalt  }
0x43: {  	_ =	shalt  }
0x44: {  	_ =	shalt  }
0x45: {  	_ =	shalt  }
0x46: {  	_ =	shalt  }
0x47: {  	_ =	shalt  }
0x48: {  	_ =	shalt  }
0x49: {  	_ =	shalt  }
0x4a: {  	_ =	shalt  }
0x4b: {  	_ =	shalt  }
0x4c: {  	_ =	shalt  }
0x4d: {  	_ =	shalt  }
0x4e: {  	_ =	shalt  }
0x4f: {  	_ =	shalt  }
0x50: {  	_ =	shalt  }
0x51: {  	_ =	shalt  }
0x52: {  	_ =	shalt  }
0x53: {  	_ =	shalt  }
0x54: {  	_ =	shalt  }
0x55: {  	_ =	shalt  }
0x56: {  	_ =	shalt  }
0x57: {  	_ =	shalt  }
0x58: {  	_ =	shalt  }
0x59: {  	_ =	shalt  }
0x5a: {  	_ =	shalt  }
0x5b: {  	_ =	shalt  }
0x5c: {  	_ =	shalt  }
0x5d: {  	_ =	shalt  }
0x5e: {  	_ =	shalt  }
0x5f: {  	_ =	shalt  }
0x60: {  	_ =	shalt  }
0x61: {  	_ =	shalt  }
0x62: {  	_ =	shalt  }
0x63: {  	_ =	shalt  }
0x64: {  	_ =	shalt  }
0x65: {  	_ =	shalt  }
0x66: {  	_ =	shalt  }
0x67: {  	_ =	shalt  }
0x68: {  	_ =	shalt  }
0x69: {  	_ =	shalt  }
0x6a: {  	_ =	shalt  }
0x6b: {  	_ =	shalt  }
0x6c: {  	_ =	shalt  }
0x6d: {  	_ =	shalt  }
0x6e: {  	_ =	shalt  }
0x6f: {  	_ =	shalt  }
0x70: {  	_ =	shalt  }
0x71: {  	_ =	shalt  }
0x72: {  	_ =	shalt  }
0x73: {  	_ =	shalt  }
0x74: {  	_ =	shalt  }
0x75: {  	_ =	shalt  }
0x76: {  	_ =	shalt  }
0x77: {  	_ =	shalt  }
0x78: {  	_ =	shalt  }
0x79: {  	_ =	shalt  }
0x7a: {  	_ =	shalt  }
0x7b: {  	_ =	shalt  }
0x7c: {  	_ =	shalt  }
0x7d: {  	_ =	shalt  }
0x7e: {  	_ =	shalt  }
0x7f: {  	_ =	shalt  }
0x80: {  	_ =	shalt  }
0x81: {  	_ =	shalt  }
0x82: {  	_ =	shalt  }
0x83: {  	_ =	shalt  }
0x84: {  	_ =	shalt  }
0x85: {  	_ =	shalt  }
0x86: {  	_ =	shalt  }
0x87: {  	_ =	shalt  }
.Lfunc_end0:
.L_simem_size_0:
called_computation_lowered:
.L_overlay_start_0:
0x88: {  	s2 =	sld [smem:$0x3FD9]  }
0x89: {  	s3 =	sld [smem:$0x3FFE];
	_ =	sdelay $0x1  }
0x8a: {  	s1 =	srdreg.scid  }
0x8b: {  	s0 =	sand.u32 $0x1, s1  }
0x8c: {  	s17 =	sshll.u32 s0, $0xA;
	s2 =	sadd.s32 s3, s2  }
0x8d: {  	s2 =	sadd.s32 s2, s17  }
0x8e: {  	[smem:$0x3FC0] =	sst s2  }
0x8f: {  	_ = 	snop  }
0x90: {  	s2 =	sld [smem:$0x3FD0];
	(tm) =	ssettm $0x1  }
0x91: {  	s18 =	sld [smem:$0x3FFB];
	_ =	sdelay $0x3  }
0x92: {  	_ =	strace s18  }
0x93: {  	s3 =	sld [smem:$0x3FFC];
	_ =	sdelay $0x3  }
0x94: {  	_ =	strace s3  }
0x95: {  	s3 =	sld [smem:$0x3FFD];
	_ =	sdelay $0x3  }
0x96: {  	_ =	strace s3  }
0x97: {  	_ =	strace $0x8FFFFFFF  }
0x98: {  	s19 =	sld [smem:$0x3FDB];
	_ =	sdelay $0x1  }
0x99: {  	s4 =	simm.s32 $_scs_section_size  }
0x9a: {  	s5 =	simm.s32 $_size__tile_overlayer_lowered;
	s6 =	simm.s32 $_tile_overlayer_lowered  }
0x9b: {  	s22 =	simm.s32 $0x1BFF;
	s21 =	sshll.u32 s6, $0x1;
	s3 =	sadd.s32 s4, s19  }
0x9c: {  	s7 =	simm.s32 $0x0;
	s20 =	sshll.u32 s5, $0x1;
	s5 =	sadd.s32 s21, s3  }
0x9d: {  	[timem:s7], [sflag:s22] =	dma.local [hbm:s5], s20  }
0x9e: {  	_ =	swait.ge [sflag:s22], s20  }
0x9f: {  	s4 =	ssub.s32 $0x0, s20;
	[sflag:s22] =	ssyncset.done $0x0  }
0xa0: {  	[sflag:s22] =	ssyncadd.s32 s4;
	_ =	sdelay $0x1  }
0xa1: {  	s23 =	simm.s32 $0x1B8B  }
0xa2: {  	_ =	swait.ge [sflag:s23], $0x1  }
0xa3: {  	[sflag:s23] =	ssyncset.done $0x0  }
0xa4: {  	s25 =	simm.s32 $0x1B8E;
	s24 =	sld [smem:$0x3FFE];
	[sflag:s23] =	ssyncadd.s32 $0xFFFFFFFF  }
0xa5: {  	s26 =	simm.s32 $execute0_lowered;
	[smem:$0x3FD2] =	sst s25  }
0xa6: {  	s5 =	sshll.u32 s26, $0x1;
	_ =	strace $0x80000046;
	[dreg:$0x1] =	wrdreg $0xFFFFFFFF  }
0xa7: {  	s28 =	simm.s32 $_size_execute0_lowered;
	s3 =	sadd.s32 s3, s5;
	[dreg:$0x0] =	wrdreg $0x0  }
0xa8: {  	s5 =	sshll.u32 s28, $0x1;
	[dreg:$0x2] =	wrdreg s3  }
0xa9: {  	[dreg:$0x3] =	wrdreg s5  }
0xaa: {  	[dreg:$0x4] =	wrdreg $0xC0  }
0xab: {  	_ =	task [dreg:s7], $0x5FFFF  }
0xac: {  	[dreg:$0x1] =	wrdreg $0xFFFFFFFF  }
0xad: {  	[dreg:$0x0] =	wrdreg $0x60  }
0xae: {  	[dreg:$0x2] =	wrdreg s24  }
0xaf: {  	[dreg:$0x3] =	wrdreg s2  }
0xb0: {  	[dreg:$0x4] =	wrdreg $0x8FE80  }
0xb1: {  	[dreg:$0x5] =	wrdreg $0x9  }
0xb2: {  	_ =	task.clear_ibuf [dreg:s7], $0x6FFFF;
	_ =	strace $0x90000046  }
0xb3: {  	s29 =	simm.s32 $0x9;
	_ =	strace $0x80000048  }
0xb4: {  	_ =	swait.ge [sflag:s29], $0x1  }
0xb5: {  	[sflag:s29] =	ssyncadd.s32 $0xFFFFFFFF  }
0xb6: {  	_ =	strace $0x90000048  }
0xb7: {  	_ =	sfence  }
0xb8: {  	s30 =	sld [smem:$0x0];
	_ =	sdelay $0x2  }
0xb9: {  	s31 =	sshll.u32 s1, $0xD;
	s1 =	sshrl.u32 s1, $0x2  }
0xba: {  	s3 =	sand.u32 $0x4000, s31;
	s1 =	sadd.s32 s1, s30  }
0xbb: {  	s0 =	sor.u32 s3, s0;
	s1 =	sshll.u32 s1, $0x11  }
0xbc: {  	s0 =	sor.u32 s1, s0  }
0xbd: {  	s0 =	sadd.s32 $0x8F2B, s0  }
0xbe: {  	[sflag:s0] =	ssyncadd.remote.s32 $0x1  }
0xbf: {  	_ =	sfence.sel $0xFFFF  }
0xc0: {  	[dreg:$0x0] =	wrdreg $0xFFFFFFFF;
	(pc) =	sbr.abs _section_cstart, $3  }
0xc1: {  	[dreg:$0x1] =	wrdreg $0xFFFFFFFF  }
0xc2: {  	_ =	task.clear_ibuf [dreg:s7], $0x2FFFF;
	_ =	strace $0x9FFFFFFF  }
0xc3: {  	(tm) =	ssettm $0x7FFFFFFF  }
tec
execute0_lowered:
.L_overlay_start_1:
0x0: {  	(tag) =	ssettag $0x1  }
0x1: {  	s7 =	rddreg [dreg:$0x0]  }
0x2: {  	s6 =	rddreg [dreg:$0x1];
	s0 =	srdreg.scid  }
0x3: {  	s2 =	rddreg [dreg:$0x2];
	s1 =	stileid.u32  }
0x4: {  	s3 =	simm.s32 $0x0;
	s14 =	simm.s32 $0x7D;
	s15 =	simm.s32 $0x80  }
0x5: {  	s16 =	simm.s32 $0x100;
	s17 =	simm.s32 $0x180;
	s18 =	simm.s32 $0x1  }
0x6: {  	s19 =	simm.s32 $0x2;
	s20 =	simm.s32 $0x3;
	s21 =	simm.s32 $0x4  }
0x7: {  	s22 =	simm.s32 $0x2BE8;
	s23 =	simm.s32 $0x3FE8;
	s24 =	simm.s32 $0x0  }
0x8: {  	s4 =	sand.u32 $0x1, s0;
	s0 =	rddreg [dreg:$0x3];
	s8 =	smul.u32 $0x5000, s1  }
0x9: {  	[smem:$0x7FF] =	sst s3;
	s26 =	sshll.u32 s1, $0x1;
	s10 =	smul.u32 $0x1400, s1  }
0xa: {  	s31 =	sshll.u32 s1, $0x6;
	s5 =	smul.u32 $0x50000, s4;
	s9 =	ssub.s32 $0x2, s4  }
0xb: {  	_ =	strace $0x80000047;
	s4 =	sor.u32 s4, s26;
	s28 =	sshrl.u32 s9, $0x1  }
0xc: {  	s11 =	smul.u32 $0x2800, s4;
	s4 =	sadd.s32 $0x17000, s7;
	s5 =	sadd.s32 s8, s5  }
0xd: {  	s29 =	sshrl.u32 s10, $0x3;
	s13 =	ssub.s32 s9, s28;
	s5 =	sshrl.u32 s5, $0x3  }
0xe: {  	s6 =	sadd.s32 s6, s29;
	s30 =	sshrl.u32 s11, $0x3;
	s12 =	sadd.s32 s5, s7  }
0xf: {  	s5 =	sadd.s32 s10, s2;
	s9 =	sadd.s32 s7, s30;
	s7 =	sor.u32 $0x1C05, s31  }
0x10: {  	s10 =	smax.u32 s13, $0x1;
	s13 =	simm.s32 $0x2800;
	s8 =	sadd.s32 $0xD000, s9  }
0x11: {  	s9 =	sadd.s32 $0x17200, s12;
	s11 =	sshrl.u32 s5, $0x3;
	s12 =	simm.s32 $0x5  }
.LBB2_1:
0x12: {  	[spmem:s11], [sflag:s7] =	dma.local [hbm:s6], $0x280  }
0x13: {  	_ =	swait.ge [sflag:s12], $0x280  }
0x14: {  	[sflag:s12] =	ssyncset.done $0x0  }
0x15: {  	[sflag:s12] =	ssyncadd.s32 $0xFFFFFD80  }
0x16: {  	[tilespmem:s13], [sflag:$0x5] =	stream.linear.gather [hbm4b:s4+s3], $0x3E8, $0x38;
	[tilespmem:$0xA3E8] =	vst v63  }
0x17: {  	_ =	swait.ge [sflag:s12], $0x3E8  }
0x18: {  	[sflag:s12] =	ssyncset.done $0x0  }
0x19: {  	[sflag:s12] =	ssyncadd.s32 $0xFFFFFC18  }
0x1a: {  	[tilespmem:s3], [sflag:$0x5] =	stream.linear.gather [hbm4b:s8+s3], $0x2800, $0x38;
	[tilespmem:$0xA3E8] =	vst v63  }
0x1b: {  	_ =	swait.ge [sflag:s12], $0x2800  }
0x1c: {  	[sflag:s12] =	ssyncset.done $0x0  }
0x1d: {  	[sflag:s12] =	ssyncadd.s32 $0xFFFFD800  }
0x1e: {  	[bflag:$0x0] =	sbarrier.arrive $0xFFFF  }
0x1f: {  	[spmem:s2] =	stream.indirect.scatter.add.f32 [tilespmem:s13], [sflag:$0x1], $0x8, s3, s14, $0xb8;
	[tilespmem:$0xA3E8] =	vst v63  }
0x20: {  	_ = 	snop  }
0x21: {  	[spmem:s2] =	stream.indirect.scatter.add.f32 [tilespmem:s13], [sflag:$0x2], $0x8, s15, s14, $0xb8;
	[tilespmem:$0xA3E8] =	vst v63  }
0x22: {  	_ = 	snop  }
0x23: {  	[spmem:s2] =	stream.indirect.scatter.add.f32 [tilespmem:s13], [sflag:$0x3], $0x8, s16, s14, $0xb8;
	[tilespmem:$0xA3E8] =	vst v63  }
0x24: {  	_ = 	snop  }
0x25: {  	[spmem:s2] =	stream.indirect.scatter.add.f32 [tilespmem:s13], [sflag:$0x4], $0x8, s17, s14, $0xb8;
	[tilespmem:$0xA3E8] =	vst v63  }
0x26: {  	_ =	swait.ge [sflag:s18], $0x3E8  }
0x27: {  	[sflag:s18] =	ssyncset.done $0x0  }
0x28: {  	s25 =	simm.s32 $0x200;
	[sflag:s18] =	ssyncadd.s32 $0xFFFFFC18  }
0x29: {  	[spmem:s2] =	stream.indirect.scatter.add.f32 [tilespmem:s13], [sflag:$0x1], $0x8, s25, s14, $0xb8;
	[tilespmem:$0xA3E8] =	vst v63  }
0x2a: {  	_ =	swait.ge [sflag:s19], $0x3E8  }
0x2b: {  	[sflag:s19] =	ssyncset.done $0x0  }
0x2c: {  	s30 =	simm.s32 $0x280;
	[sflag:s19] =	ssyncadd.s32 $0xFFFFFC18  }
0x2d: {  	[spmem:s2] =	stream.indirect.scatter.add.f32 [tilespmem:s13], [sflag:$0x2], $0x8, s30, s14, $0xb8;
	[tilespmem:$0xA3E8] =	vst v63  }
0x2e: {  	_ =	swait.ge [sflag:s20], $0x3E8  }
0x2f: {  	[sflag:s20] =	ssyncset.done $0x0  }
0x30: {  	s31 =	simm.s32 $0x300;
	[sflag:s20] =	ssyncadd.s32 $0xFFFFFC18  }
0x31: {  	[spmem:s2] =	stream.indirect.scatter.add.f32 [tilespmem:s13], [sflag:$0x3], $0x8, s31, s14, $0xb8;
	[tilespmem:$0xA3E8] =	vst v63  }
0x32: {  	_ =	swait.ge [sflag:s21], $0x3E8  }
0x33: {  	[sflag:s21] =	ssyncset.done $0x0  }
0x34: {  	s26 =	simm.s32 $0x380;
	s25 =	simm.s32 $0xFFFF7000;
	[sflag:s21] =	ssyncadd.s32 $0xFFFFFC18  }
.LBB2_2:
0x35: {  	[spmem:s2] =	stream.indirect.scatter.add.f32 [tilespmem:s13], [sflag:$0x4], $0x8, s26, s14, $0xb8;
	[tilespmem:$0xA3E8] =	vst v63  }
0x36: {  	s26 =	smov.u32 s25  }
0x37: {  	p0 =	sne.s32 s25, $0xFFFFF800;
	s25 =	sadd.s32 $0x800, s25;
	_ =	swait.ge [sflag:s18], $0x3E8  }
0x38: {  	s26 =	sshra.s32 s26, $0x2;
	[sflag:s18] =	ssyncset.done $0x0  }
0x39: {  	s28 =	sadd.s32 $0x2800, s26;
	[sflag:s18] =	ssyncadd.s32 $0xFFFFFC18  }
0x3a: {  	[spmem:s2] =	stream.indirect.scatter.add.f32 [tilespmem:s13], [sflag:$0x1], $0x8, s28, s14, $0xb8;
	[tilespmem:$0xA3E8] =	vst v63  }
0x3b: {  	_ =	swait.ge [sflag:s19], $0x3E8  }
0x3c: {  	[sflag:s19] =	ssyncset.done $0x0  }
0x3d: {  	s28 =	sadd.s32 $0x2880, s26;
	[sflag:s19] =	ssyncadd.s32 $0xFFFFFC18  }
0x3e: {  	[spmem:s2] =	stream.indirect.scatter.add.f32 [tilespmem:s13], [sflag:$0x2], $0x8, s28, s14, $0xb8;
	[tilespmem:$0xA3E8] =	vst v63  }
0x3f: {  	_ =	swait.ge [sflag:s20], $0x3E8  }
0x40: {  	[sflag:s20] =	ssyncset.done $0x0  }
.Ltmp0:
0x41: {  	s28 =	sadd.s32 $0x2900, s26;
	[sflag:s20] =	ssyncadd.s32 $0xFFFFFC18;
	(pc) =	sbr.rel @p0 .LBB2_2-.Ltmp0, $4  }
0x42: {  	[spmem:s2] =	stream.indirect.scatter.add.f32 [tilespmem:s13], [sflag:$0x3], $0x8, s28, s14, $0xb8;
	[tilespmem:$0xA3E8] =	vst v63  }
0x43: {  	_ =	swait.ge [sflag:s21], $0x3E8  }
0x44: {  	[sflag:s21] =	ssyncset.done $0x0  }
0x45: {  	s26 =	sadd.s32 $0x2980, s26;
	[sflag:s21] =	ssyncadd.s32 $0xFFFFFC18  }
0x46: {  	[spmem:s2] =	stream.indirect.scatter.add.f32 [tilespmem:s13], [sflag:$0x4], $0x8, s26, s14, $0xb8;
	[tilespmem:$0xA3E8] =	vst v63  }
0x47: {  	_ =	swait.ge [sflag:s18], $0x3E8  }
0x48: {  	[sflag:s18] =	ssyncset.done $0x0  }
0x49: {  	[sflag:s18] =	ssyncadd.s32 $0xFFFFFC18  }
0x4a: {  	_ =	swait.ge [sflag:s19], $0x3E8  }
0x4b: {  	[sflag:s19] =	ssyncset.done $0x0  }
0x4c: {  	[sflag:s19] =	ssyncadd.s32 $0xFFFFFC18  }
0x4d: {  	_ =	swait.ge [sflag:s20], $0x3E8  }
0x4e: {  	[sflag:s20] =	ssyncset.done $0x0  }
0x4f: {  	[sflag:s20] =	ssyncadd.s32 $0xFFFFFC18  }
0x50: {  	_ =	swait.ge [sflag:s21], $0x3E8  }
0x51: {  	[sflag:s21] =	ssyncset.done $0x0  }
0x52: {  	s25 =	simm.s32 $0x0;
	[sflag:s21] =	ssyncadd.s32 $0xFFFFFC18  }
0x53: {  	v0 =	vmov s25;
	[bflag:$0x0] =	sbarrier.arrive $0xFFFF  }
0x54: {  	[tilespmem:s22], [sflag:$0x5] =	stream.linear.gather [spmem:s5], $0x1400, $0x38;
	[tilespmem:$0xA3E8] =	vst v63  }
0x55: {  	_ =	swait.ge [sflag:s12], $0x1400  }
0x56: {  	[sflag:s12] =	ssyncset.done $0x0  }
0x57: {  	[sflag:s12] =	ssyncadd.s32 $0xFFFFEC00  }
0x58: {  	v0 =	vld.idx.msk [tilespmem:v0+s22+$0x0], $0xffff  }
0x59: {  	s31 =	simm.s32 $0x8  }
0x5a: {  	v1 =	vmov s31;
	_ =	sdelay $0x1  }
0x5b: {  	s25 =	simm.s32 $0x3FF8  }
0x5c: {  	[tilespmem:s25+$0xFFFFFFF0] =	vst v0  }
0x5d: {  	[tilespmem:s25+$0x0] =	vst v0  }
0x5e: {  	v0 =	vld.idx.msk [tilespmem:v1+s22+$0x0], $0xffff  }
0x5f: {  	s28 =	simm.s32 $0x10;
	s26 =	simm.s32 $0x3  }
.LBB2_4:
0x60: {  	p0 =	sne.s32 s26, $0x27F;
	v1 =	vmov s28;
	_ =	sdelay $0x1  }
0x61: {  	s25 =	sadd.s32 $0x20, s25  }
.Ltmp1:
0x62: {  	[tilespmem:s25+$0xFFFFFFF0] =	vst v0;
	(pc) =	sbr.rel @p0 .LBB2_4-.Ltmp1, $3  }
0x63: {  	[tilespmem:s25+$0x0] =	vst v0  }
0x64: {  	v0 =	vld.idx.msk [tilespmem:v1+s22+$0x0], $0xffff;
	_ =	sdelay $0x1  }
0x65: {  	s28 =	sshll.u32 s26, $0x3;
	s26 =	sadd.s32 $0x1, s26  }
0x66: {  	v1 =	vmov s28;
	_ =	sdelay $0x1  }
0x67: {  	s25 =	sadd.s32 $0x20, s25  }
0x68: {  	[tilespmem:s25+$0xFFFFFFF0] =	vst v0  }
0x69: {  	[tilespmem:s25+$0x0] =	vst v0  }
0x6a: {  	v0 =	vld.idx.msk [tilespmem:v1+s22+$0x0], $0xffff;
	_ =	sdelay $0x3  }
0x6b: {  	s24 =	sadd.s32 $0x1, s24;
	s25 =	sadd.s32 $0x20, s25  }
0x6c: {  	p0 =	sne.s32 s24, s10;
	[tilespmem:s25+$0xFFFFFFF0] =	vst v0  }
.Ltmp2:
0x6d: {  	[tilespmem:s25+$0x0] =	vst v0;
	(pc) =	sbr.rel @p0 .LBB2_1-.Ltmp2, $4  }
0x6e: {  	[hbm4b:s9+s3] =	stream.linear.scatter [tilespmem:s23], [sflag:$0x5], $0x5000, $0x38;
	[tilespmem:$0xA3E8] =	vst v63  }
0x6f: {  	_ =	swait.ge [sflag:s12], $0x5000  }
0x70: {  	[sflag:s12] =	ssyncset.done $0x0  }
0x71: {  	[sflag:s12] =	ssyncadd.s32 $0xFFFFB000  }
0x72: {  	_ =	sfence.sel $0x180000  }
0x73: {  	[bflag:$0x0] =	sbarrier.arrive $0xFFFF  }
0x74: {  	p0 =	sne.s32 s1, $0x0;
	_ =	strace $0x90000047  }
0x75: {  	s0 =	sadd.s32 @!p0 $0x100000, s0;
	[bflag:$0x2] =	sbarrier.arrive $0xFFFF  }
0x76: {  	[sflag:s0] =	ssyncadd.tile.s32 @!p0 $0x1;
	_ =	shalt  }
.Lfunc_end2:
_tile_overlayer_lowered:
.L_overlay_start_2:
0x77: {  	(tag) =	ssettag $0x2  }
0x78: {  	s0 =	rddreg [dreg:$0x0];
	s2 =	stileid.u32  }
0x79: {  	s1 =	rddreg [dreg:$0x1];
	p0 =	sne.s32 s2, $0x0  }
0x7a: {  	s3 =	rddreg [dreg:$0x2];
	[bflag:$0x3] =	sbarrier.arrive $0xFFFF;
	s2 =	simm.s32 @!p0 $0x1C05  }
0x7b: {  	[timem:s3], [sflag:s2] =	dma.local @!p0 [hbm:s0], s1  }
0x7c: {  	s0 =	simm.s32 @!p0 $0x5  }
0x7d: {  	_ =	swait.ge @!p0 [sflag:s0], s1  }
0x7e: {  	s1 =	ssub.s32 @!p0 $0x0, s1;
	[sflag:s0] =	ssyncset.done @!p0 $0x0  }
0x7f: {  	[sflag:s0] =	ssyncadd.s32 @!p0 s1  }
0x80: {  	[bflag:$0x3] =	sbarrier.arrive $0xFFFF  }
0x81: {  	_ =	shalt  }

</sc_bundles>
